<compile_context>
chip_gen: v7x
topology: tpu7x:2x2x1
jax: 0.10.2.dev20260603
libtpu: 0.0.44.dev20260713+nightly
codegen_flags: <defaults>
</compile_context>

<pallas_src>
import functools

import jax
import jax.numpy as jnp
from jax import lax
from jax.scipy.linalg import block_diag
from jax.experimental import pallas as pl
from jax.experimental.pallas import tpu as pltpu
from jax.experimental.pallas import tpu_sc as plsc

_NC = 2
_NS = 16
_NW = _NC * _NS
_L = 16


def _silu(v):
    return v * jax.nn.sigmoid(v)


def _node_mlps_body(x_ref, wu1, bu1, wu2, bu2, wv1, bv1, wv2, bv2, hs_ref, hd_ref):
    x = x_ref[...]
    h = _silu(jnp.dot(x, wu1[...], preferred_element_type=jnp.float32) + bu1[...])
    hs_ref[...] = _silu(jnp.dot(h, wu2[...], preferred_element_type=jnp.float32) + bu2[...])
    h = _silu(jnp.dot(x, wv1[...], preferred_element_type=jnp.float32) + bv1[...])
    hd_ref[...] = _silu(jnp.dot(h, wv2[...], preferred_element_type=jnp.float32) + bv2[...])


def _node_mlps(x, wu1, bu1, wu2, bu2, wv1, bv1, wv2, bv2):
    n, d = x.shape
    h = wu1.shape[1]
    bn = 1000
    full = lambda shape: pl.BlockSpec(shape, lambda i: (0,) * len(shape))
    row = pl.BlockSpec((bn, d), lambda i: (i, 0))
    return pl.pallas_call(
        _node_mlps_body,
        grid=(n // bn,),
        in_specs=[row, full((d, h)), full((1, h)), full((h, h)), full((1, h)),
                  full((d, h)), full((1, h)), full((h, h)), full((1, h))],
        out_specs=[pl.BlockSpec((bn, h), lambda i: (i, 0))] * 2,
        out_shape=[jax.ShapeDtypeStruct((n, h), jnp.float32)] * 2,
    )(x, wu1, bu1.reshape(1, h), wu2, bu2.reshape(1, h),
      wv1, bv1.reshape(1, h), wv2, bv2.reshape(1, h))


def _edge_mlp_body(ef_ref, w1, b1, w2, b2, he_ref):
    pack = ef_ref.shape[1] // 16
    h = w2.shape[0]
    h1 = _silu(jnp.dot(ef_ref[...], w1[...], preferred_element_type=jnp.float32) + b1[...])
    for j in range(pack):
        hj = h1[:, h * j:h * (j + 1)]
        he_ref[j] = _silu(jnp.dot(hj, w2[...], preferred_element_type=jnp.float32) + b2[...])


def _edge_mlp(ef128, w1big, b1big, w2, b2):
    e8, dd = ef128.shape
    pack = dd // 16
    h = w2.shape[0]
    be = 400
    full = lambda shape: pl.BlockSpec(shape, lambda i: (0,) * len(shape))
    return pl.pallas_call(
        _edge_mlp_body,
        grid=(e8 // be,),
        in_specs=[pl.BlockSpec((be, dd), lambda i: (i, 0)),
                  full((dd, pack * h)), full((1, pack * h)),
                  full((h, h)), full((1, h))],
        out_specs=pl.BlockSpec((pack, be, h), lambda i: (0, i, 0)),
        out_shape=jax.ShapeDtypeStruct((pack, e8, h), jnp.float32),
    )(ef128, w1big, b1big.reshape(1, pack * h), w2, b2.reshape(1, h))


def _make_sc_deg(n, e):
    epw = e // _NW
    c_sz = 80
    nchunk = epw // c_sz
    rps = (n // _NS) // 8 * 8
    tail = n - rps * _NS
    dw = 128

    mesh = plsc.VectorSubcoreMesh(core_axis_name="c", subcore_axis_name="s")

    @functools.partial(
        pl.kernel,
        out_type=jax.ShapeDtypeStruct((_NC, n, dw), jnp.float32),
        mesh=mesh,
        scratch_types=[
            pltpu.VMEM((c_sz, dw), jnp.float32),
            [pltpu.VMEM((c_sz,), jnp.int32) for _ in range(4)],
            pltpu.VMEM_SHARED((n, dw), jnp.float32),
            pltpu.SemaphoreType.DMA,
            pltpu.SemaphoreType.DMA,
        ],
    )
    def sc_deg(dst_hbm, zerosd_hbm, ones_hbm, order_hbm, deg_hbm, ones_v, idxs,
               deg_sh, isem, ssem):
        del order_hbm
        cid = lax.axis_index("c")
        sid = lax.axis_index("s")
        wid = cid * _NS + sid
        base0 = wid * epw

        pltpu.sync_copy(zerosd_hbm.at[pl.ds(sid * rps, rps)],
                        deg_sh.at[pl.ds(sid * rps, rps)])

        @pl.when(sid == _NS - 1)
        def _():
            pltpu.sync_copy(zerosd_hbm.at[pl.ds(_NS * rps, tail)],
                            deg_sh.at[pl.ds(_NS * rps, tail)])

        pltpu.sync_copy(ones_hbm, ones_v)
        plsc.subcore_barrier()

        def body(q, carry):
            c0 = 4 * q
            for j in range(4):
                pltpu.async_copy(
                    dst_hbm.at[pl.ds(base0 + (c0 + j) * c_sz, c_sz)],
                    idxs[j], isem)
            for j in range(4):
                pltpu.make_async_copy(
                    dst_hbm.at[pl.ds(base0 + (c0 + j) * c_sz, c_sz)],
                    idxs[j], isem).wait()
                pltpu.async_copy(ones_v, deg_sh.at[idxs[j]], ssem, add=True)
            for j in range(4):
                pltpu.make_async_copy(ones_v, deg_sh.at[idxs[j]], ssem).wait()
            return carry

        lax.fori_loop(0, nchunk // 4, body, 0)
        for c in range(nchunk // 4 * 4, nchunk):
            pltpu.sync_copy(dst_hbm.at[pl.ds(base0 + c * c_sz, c_sz)], idxs[0])
            pltpu.async_copy(ones_v, deg_sh.at[idxs[0]], ssem, add=True)
            pltpu.make_async_copy(ones_v, deg_sh.at[idxs[0]], ssem).wait()

        plsc.subcore_barrier()
        pltpu.sync_copy(deg_sh.at[pl.ds(sid * rps, rps)],
                        deg_hbm.at[cid, pl.ds(sid * rps, rps)])

        @pl.when(sid == _NS - 1)
        def _():
            pltpu.sync_copy(deg_sh.at[pl.ds(_NS * rps, tail)],
                            deg_hbm.at[cid, pl.ds(_NS * rps, tail)])

    return sc_deg


def _make_sc_gather_scatter(n, e, h):
    epw = e // _NW
    c_sz = 80
    nchunk = epw // c_sz
    npair = nchunk // 2
    rps = (n // _NS) // 8 * 8
    tail = n - rps * _NS

    mesh = plsc.VectorSubcoreMesh(core_axis_name="c", subcore_axis_name="s")

    nbuf = 4

    @functools.partial(
        pl.kernel,
        out_type=jax.ShapeDtypeStruct((_NC, n, h), jnp.float32),
        mesh=mesh,
        scratch_types=[
            [pltpu.VMEM((c_sz,), jnp.int32) for _ in range(nbuf)],
            [pltpu.VMEM((c_sz,), jnp.int32) for _ in range(nbuf)],
            [pltpu.VMEM((c_sz, h), jnp.float32) for _ in range(nbuf)],
            pltpu.VMEM_SHARED((n, h), jnp.float32),
            [pltpu.SemaphoreType.DMA for _ in range(nbuf)],
            [pltpu.SemaphoreType.DMA for _ in range(nbuf)],
            [pltpu.SemaphoreType.DMA for _ in range(nbuf)],
        ],
    )
    def sc_gs(hn_src_hbm, src_hbm, dst_hbm, zeros_hbm,
              out_hbm,
              sidx, didx, rows, acc, isems, gsems, ssems):
        cid = lax.axis_index("c")
        sid = lax.axis_index("s")
        wid = cid * _NS + sid
        base0 = wid * epw

        pltpu.sync_copy(zeros_hbm.at[pl.ds(sid * rps, rps)],
                        acc.at[pl.ds(sid * rps, rps)])

        @pl.when(sid == _NS - 1)
        def _():
            pltpu.sync_copy(zeros_hbm.at[pl.ds(_NS * rps, tail)],
                            acc.at[pl.ds(_NS * rps, tail)])

        plsc.subcore_barrier()

        def issue_idx(c, j):
            pltpu.async_copy(src_hbm.at[pl.ds(base0 + c * c_sz, c_sz)],
                             sidx[j], isems[j])
            pltpu.async_copy(dst_hbm.at[pl.ds(base0 + c * c_sz, c_sz)],
                             didx[j], isems[j])

        def wait_idx(c, j):
            pltpu.make_async_copy(src_hbm.at[pl.ds(base0 + c * c_sz, c_sz)],
                                  sidx[j], isems[j]).wait()
            pltpu.make_async_copy(dst_hbm.at[pl.ds(base0 + c * c_sz, c_sz)],
                                  didx[j], isems[j]).wait()

        def issue_gather(j):
            pltpu.async_copy(hn_src_hbm.at[sidx[j]], rows[j], gsems[j])

        def wait_gather(j):
            pltpu.make_async_copy(hn_src_hbm.at[sidx[j]], rows[j],
                                  gsems[j]).wait()

        def issue_scatter(j):
            pltpu.async_copy(rows[j], acc.at[didx[j]], ssems[j], add=True)

        def wait_scatter(j):
            pltpu.make_async_copy(rows[j], acc.at[didx[j]], ssems[j]).wait()

        for j in range(nbuf):
            issue_idx(j, j)
        for j in range(nbuf):
            wait_idx(j, j)
            issue_gather(j)

        def quad_body(q, carry):
            c0 = nbuf * q
            for j in range(nbuf):
                wait_gather(j)
                issue_scatter(j)
            for j in range(nbuf):
                c2 = c0 + nbuf + j
                wait_scatter(j)

                @pl.when(c2 < nchunk)
                def _(c2=c2, j=j):
                    issue_idx(c2, j)

            for j in range(nbuf):
                c2 = c0 + nbuf + j

                @pl.when(c2 < nchunk)
                def _(c2=c2, j=j):
                    wait_idx(c2, j)
                    issue_gather(j)

            return carry

        lax.fori_loop(0, nchunk // nbuf, quad_body, 0)

        for j in range(nchunk % nbuf):
            wait_gather(j)
            issue_scatter(j)
            wait_scatter(j)

        plsc.subcore_barrier()
        pltpu.sync_copy(acc.at[pl.ds(sid * rps, rps)],
                        out_hbm.at[cid, pl.ds(sid * rps, rps)])

        @pl.when(sid == _NS - 1)
        def _():
            pltpu.sync_copy(acc.at[pl.ds(_NS * rps, tail)],
                            out_hbm.at[cid, pl.ds(_NS * rps, tail)])

    return sc_gs


def _make_sc_he_scatter(n, e, h):
    epw = e // _NW
    c_sz = 80
    nchunk = epw // c_sz
    npair = nchunk // 2
    rps = (n // _NS) // 8 * 8
    tail = n - rps * _NS

    mesh = plsc.VectorSubcoreMesh(core_axis_name="c", subcore_axis_name="s")

    nbuf = 4

    @functools.partial(
        pl.kernel,
        out_type=jax.ShapeDtypeStruct((_NC, n, h), jnp.float32),
        mesh=mesh,
        scratch_types=[
            [pltpu.VMEM((c_sz,), jnp.int32) for _ in range(nbuf)],
            [pltpu.VMEM((c_sz, h), jnp.float32) for _ in range(nbuf)],
            pltpu.VMEM_SHARED((n, h), jnp.float32),
            [pltpu.SemaphoreType.DMA for _ in range(nbuf)],
            [pltpu.SemaphoreType.DMA for _ in range(nbuf)],
            [pltpu.SemaphoreType.DMA for _ in range(nbuf)],
        ],
    )
    def sc_he(he_hbm, dst_hbm, zeros_hbm,
              out_hbm,
              didx, rows, acc, isems, gsems, ssems):
        cid = lax.axis_index("c")
        sid = lax.axis_index("s")
        wid = cid * _NS + sid
        base0 = wid * epw

        pltpu.sync_copy(zeros_hbm.at[pl.ds(sid * rps, rps)],
                        acc.at[pl.ds(sid * rps, rps)])

        @pl.when(sid == _NS - 1)
        def _():
            pltpu.sync_copy(zeros_hbm.at[pl.ds(_NS * rps, tail)],
                            acc.at[pl.ds(_NS * rps, tail)])

        plsc.subcore_barrier()

        def issue_idx(c, j):
            pltpu.async_copy(dst_hbm.at[pl.ds(base0 + c * c_sz, c_sz)],
                             didx[j], isems[j])

        def wait_idx(c, j):
            pltpu.make_async_copy(dst_hbm.at[pl.ds(base0 + c * c_sz, c_sz)],
                                  didx[j], isems[j]).wait()

        def issue_load(c, j):
            pltpu.async_copy(he_hbm.at[pl.ds(base0 + c * c_sz, c_sz)],
                             rows[j], gsems[j])

        def wait_load(c, j):
            pltpu.make_async_copy(he_hbm.at[pl.ds(base0 + c * c_sz, c_sz)],
                                  rows[j], gsems[j]).wait()

        def issue_scatter(j):
            pltpu.async_copy(rows[j], acc.at[didx[j]], ssems[j], add=True)

        def wait_scatter(j):
            pltpu.make_async_copy(rows[j], acc.at[didx[j]], ssems[j]).wait()

        for j in range(nbuf):
            issue_idx(j, j)
            issue_load(j, j)
        for j in range(nbuf):
            wait_idx(j, j)

        def quad_body(q, carry):
            c0 = nbuf * q
            for j in range(nbuf):
                wait_load(c0 + j, j)
                issue_scatter(j)
            for j in range(nbuf):
                c2 = c0 + nbuf + j
                wait_scatter(j)

                @pl.when(c2 < nchunk)
                def _(c2=c2, j=j):
                    issue_idx(c2, j)
                    issue_load(c2, j)

            for j in range(nbuf):
                c2 = c0 + nbuf + j

                @pl.when(c2 < nchunk)
                def _(c2=c2, j=j):
                    wait_idx(c2, j)

            return carry

        lax.fori_loop(0, nchunk // nbuf, quad_body, 0)

        for j in range(nchunk % nbuf):
            cl = nchunk // nbuf * nbuf + j
            wait_load(cl, j)
            issue_scatter(j)
            wait_scatter(j)

        plsc.subcore_barrier()
        pltpu.sync_copy(acc.at[pl.ds(sid * rps, rps)],
                        out_hbm.at[cid, pl.ds(sid * rps, rps)])

        @pl.when(sid == _NS - 1)
        def _():
            pltpu.sync_copy(acc.at[pl.ds(_NS * rps, tail)],
                            out_hbm.at[cid, pl.ds(_NS * rps, tail)])

    return sc_he


def _node_out_body(x_ref, a_ref, b_ref, dg_ref, hd_ref, w1x, w1u, b1, w2, b2,
                   o_ref):
    x = x_ref[...]
    deg = dg_ref[0, :, 0:1] + dg_ref[1, :, 0:1]
    un = (a_ref[0] + a_ref[1]) + (b_ref[0] + b_ref[1]) + deg * hd_ref[...]
    hh = _silu(jnp.dot(x, w1x[...], preferred_element_type=jnp.float32)
               + jnp.dot(un, w1u[...], preferred_element_type=jnp.float32)
               + b1[...])
    o_ref[...] = jnp.dot(hh, w2[...], preferred_element_type=jnp.float32) + b2[...]


def _node_out(x, acc_a, acc_b, deg, hn_dst, wn1, bn1, wn2, bn2):
    n, d = x.shape
    h = wn2.shape[0]
    dw = deg.shape[2]
    bn = 1000
    full = lambda shape: pl.BlockSpec(shape, lambda i: (0,) * len(shape))
    return pl.pallas_call(
        _node_out_body,
        grid=(n // bn,),
        in_specs=[pl.BlockSpec((bn, d), lambda i: (i, 0)),
                  pl.BlockSpec((_NC, bn, h), lambda i: (0, i, 0)),
                  pl.BlockSpec((_NC, bn, h), lambda i: (0, i, 0)),
                  pl.BlockSpec((_NC, bn, dw), lambda i: (0, i, 0)),
                  pl.BlockSpec((bn, h), lambda i: (i, 0)),
                  full((d, h)), full((h, h)), full((1, h)),
                  full((h, h)), full((1, h))],
        out_specs=pl.BlockSpec((bn, h), lambda i: (i, 0)),
        out_shape=jax.ShapeDtypeStruct((n, h), jnp.float32),
    )(x, acc_a, acc_b, deg, hn_dst, wn1[:d], wn1[d:], bn1.reshape(1, h), wn2,
      bn2.reshape(1, h))


def kernel(x, edge_index, edge_feat,
           Wu1, bu1, Wu2, bu2,
           Wv1, bv1, Wv2, bv2,
           We1, be1, We2, be2,
           Wn1, bn1, Wn2, bn2):
    n, d = x.shape
    e = edge_index.shape[1]
    h = Wu1.shape[1]
    pack = 8
    src = edge_index[0].reshape(e // pack, pack).T.reshape(-1)
    dst = edge_index[1].reshape(e // pack, pack).T.reshape(-1)
    dst_p = dst
    hn_src, hn_dst = _node_mlps(x, Wu1, bu1, Wu2, bu2, Wv1, bv1, Wv2, bv2)
    w1big = block_diag(*([We1] * pack))
    b1big = jnp.tile(be1, pack)
    he_packed = _edge_mlp(edge_feat.reshape(e // pack, pack * 16),
                          w1big, b1big, We2, be2)
    he2 = he_packed.reshape(e, h)
    zeros = jnp.zeros((n, h), jnp.float32)
    ones = jnp.ones((80, 128), jnp.float32)
    acc_a = _make_sc_gather_scatter(n, e, h)(hn_src, src, dst, zeros)
    deg = _make_sc_deg(n, e)(dst, zeros, ones, acc_a)
    acc_b = _make_sc_he_scatter(n, e, h)(he2, dst_p, zeros)
    return _node_out(x, acc_a, acc_b, deg, hn_dst, Wn1, bn1, Wn2, bn2)

# --- scband reference (transcript-rebuilt; emitter-appended) ---
"""Pipeline reference for scband-egnnconv-17051020165719 (READ-ONLY COPY).

The authoritative reference and input builder live on the scoring server;
editing this copy changes nothing except your own understanding.
"""

import jax, jax.numpy as jnp
import numpy as np

N = 10000
E = 320000
D = 128
H = 128
ED = 16


def _mlp2(x, W1, b1, W2, b2):
    # Linear -> SiLU -> Linear -> SiLU
    h = jax.nn.silu(x @ W1 + b1)
    return jax.nn.silu(h @ W2 + b2)


def setup_inputs(seed: int = 0) -> dict:
    key = jax.random.key(seed)
    ks = jax.random.split(key, 24)

    def w(k, shape):
        return jax.random.normal(k, shape, dtype=jnp.float32) / np.sqrt(shape[0])

    inp = {}
    inp['x'] = jax.random.normal(ks[0], (N, D), dtype=jnp.float32)
    inp['edge_index'] = jax.random.randint(ks[1], (2, E), 0, N, dtype=jnp.int32)
    inp['edge_feat'] = jax.random.normal(ks[2], (E, ED), dtype=jnp.float32)
    # edge_mlp_u
    inp['Wu1'] = w(ks[3], (D, H)); inp['bu1'] = jnp.zeros((H,), jnp.float32)
    inp['Wu2'] = w(ks[4], (H, H)); inp['bu2'] = jnp.zeros((H,), jnp.float32)
    # edge_mlp_v
    inp['Wv1'] = w(ks[5], (D, H)); inp['bv1'] = jnp.zeros((H,), jnp.float32)
    inp['Wv2'] = w(ks[6], (H, H)); inp['bv2'] = jnp.zeros((H,), jnp.float32)
    # edge_mlp_e
    inp['We1'] = w(ks[7], (ED, H)); inp['be1'] = jnp.zeros((H,), jnp.float32)
    inp['We2'] = w(ks[8], (H, H)); inp['be2'] = jnp.zeros((H,), jnp.float32)
    # node_mlp (Linear -> SiLU -> Linear, no final activation)
    inp['Wn1'] = w(ks[9], (D + H, H)); inp['bn1'] = jnp.zeros((H,), jnp.float32)
    inp['Wn2'] = w(ks[10], (H, H)); inp['bn2'] = jnp.zeros((H,), jnp.float32)
    return inp


def reference(x, edge_index, edge_feat,
              Wu1, bu1, Wu2, bu2,
              Wv1, bv1, Wv2, bv2,
              We1, be1, We2, be2,
              Wn1, bn1, Wn2, bn2):
    # homogeneous graph: feat_src == feat_dst == x
    hn_src = _mlp2(x, Wu1, bu1, Wu2, bu2)          # srcdata['hn']
    hn_dst = _mlp2(x, Wv1, bv1, Wv2, bv2)          # dstdata['hn']
    he = _mlp2(edge_feat, We1, be1, We2, be2)      # edata['he']
    src = edge_index[0]
    dst = edge_index[1]
    # edge_update: m = hn[src] + hn[dst] + he
    m = jnp.take(hn_src, src, axis=0) + jnp.take(hn_dst, dst, axis=0) + he
    # fn.sum('m', 'un'): scatter-add messages to destination nodes
    un = jax.ops.segment_sum(m, dst, num_segments=x.shape[0])
    rst = jnp.concatenate([x, un], axis=-1)
    rst = jax.nn.silu(rst @ Wn1 + bn1)
    rst = rst @ Wn2 + bn2
    return rst

if __name__ == "__main__":
    import jax
    _d = setup_inputs()
    print(jax.jit(kernel)(*tuple(_d.values())))

</pallas_src>

<mosaic_0001>
#map = affine_map<(d0, d1) -> (0, 0)>
#map1 = affine_map<(d0, d1) -> (0)>
#map2 = affine_map<(d0, d1) -> (0, 0, 0)>
module attributes {stable_mosaic.version = 14 : i64} {
  func.func @sc_gs(%arg0: i32, %arg1: i32, %arg2: memref<10000x128xf32, #tpu.memory_space<hbm>>, %arg3: memref<320000xi32, #tpu.memory_space<hbm>>, %arg4: memref<320000xi32, #tpu.memory_space<hbm>>, %arg5: memref<10000x128xf32, #tpu.memory_space<hbm>>, %arg6: memref<2x10000x128xf32, #tpu.memory_space<hbm>>, %arg7: memref<80xi32, #tpu.memory_space<vmem>>, %arg8: memref<80xi32, #tpu.memory_space<vmem>>, %arg9: memref<80xi32, #tpu.memory_space<vmem>>, %arg10: memref<80xi32, #tpu.memory_space<vmem>>, %arg11: memref<80xi32, #tpu.memory_space<vmem>>, %arg12: memref<80xi32, #tpu.memory_space<vmem>>, %arg13: memref<80xi32, #tpu.memory_space<vmem>>, %arg14: memref<80xi32, #tpu.memory_space<vmem>>, %arg15: memref<80x128xf32, #tpu.memory_space<vmem>>, %arg16: memref<80x128xf32, #tpu.memory_space<vmem>>, %arg17: memref<80x128xf32, #tpu.memory_space<vmem>>, %arg18: memref<80x128xf32, #tpu.memory_space<vmem>>, %arg19: memref<10000x128xf32, #tpu.memory_space<vmem_shared>>, %arg20: memref<!tpu.dma_semaphore, #tpu.memory_space<semaphore_mem>>, %arg21: memref<!tpu.dma_semaphore, #tpu.memory_space<semaphore_mem>>, %arg22: memref<!tpu.dma_semaphore, #tpu.memory_space<semaphore_mem>>, %arg23: memref<!tpu.dma_semaphore, #tpu.memory_space<semaphore_mem>>, %arg24: memref<!tpu.dma_semaphore, #tpu.memory_space<semaphore_mem>>, %arg25: memref<!tpu.dma_semaphore, #tpu.memory_space<semaphore_mem>>, %arg26: memref<!tpu.dma_semaphore, #tpu.memory_space<semaphore_mem>>, %arg27: memref<!tpu.dma_semaphore, #tpu.memory_space<semaphore_mem>>, %arg28: memref<!tpu.dma_semaphore, #tpu.memory_space<semaphore_mem>>, %arg29: memref<!tpu.dma_semaphore, #tpu.memory_space<semaphore_mem>>, %arg30: memref<!tpu.dma_semaphore, #tpu.memory_space<semaphore_mem>>, %arg31: memref<!tpu.dma_semaphore, #tpu.memory_space<semaphore_mem>>) attributes {dimension_semantics = [#tpu.dimension_semantics<core_parallel>, #tpu.dimension_semantics<subcore_parallel>], iteration_bounds = array<i64: 2, 16>, scalar_prefetch = 0 : i64, scratch_operands = 25 : i64, tpu.core_type = #tpu.core_type<sc_vector_subcore>, window_params = [{transform_indices = #map}, {transform_indices = #map1}, {transform_indices = #map1}, {transform_indices = #map}, {transform_indices = #map2}]} {
    %mul3A = arith.constant 16 : i32
    %mul3A_0 = arith.muli %arg0, %mul3A : i32
    %add3A = arith.addi %mul3A_0, %arg1 : i32
    %mul3A_1 = arith.constant 10000 : i32
    %mul3A_2 = arith.muli %add3A, %mul3A_1 : i32
    %mul3A_3 = arith.constant 624 : i32
    %mul3A_4 = arith.muli %arg1, %mul3A_3 : i32
    %mul3A_5 = arith.constant 624 : i32
    %mul3A_6 = arith.muli %arg1, %mul3A_5 : i32
    "tpu.region"() ({
      %run_scoped3A = tpu.sem_alloc : memref<!tpu.dma_semaphore, #tpu.memory_space<semaphore_mem>>
      %dma_start3A_107 = arith.constant 0 : i32
      %dma_start3A_108 = tpu.memref_slice %arg19[%mul3A_6, %dma_start3A_107] : memref<10000x128xf32, #tpu.memory_space<vmem_shared>> -> memref<624x128xf32, #tpu.memory_space<vmem_shared>>
      %dma_start3A_109 = arith.constant 0 : i32
      %dma_start3A_110 = tpu.memref_slice %arg5[%mul3A_4, %dma_start3A_109] : memref<10000x128xf32, #tpu.memory_space<hbm>> -> memref<624x128xf32, #tpu.memory_space<hbm>>
      tpu.enqueue_dma source(%dma_start3A_110 : memref<624x128xf32, #tpu.memory_space<hbm>>) target(%dma_start3A_108 : memref<624x128xf32, #tpu.memory_space<vmem_shared>>) target_semaphore(%run_scoped3A : memref<!tpu.dma_semaphore, #tpu.memory_space<semaphore_mem>>)
      %dma_wait3A_111 = arith.constant 0 : i32
      %dma_wait3A_112 = tpu.memref_slice %arg19[%mul3A_6, %dma_wait3A_111] : memref<10000x128xf32, #tpu.memory_space<vmem_shared>> -> memref<624x128xf32, #tpu.memory_space<vmem_shared>>
      %dma_wait3A_113 = arith.constant 0 : i32
      %dma_wait3A_114 = tpu.memref_slice %arg5[%mul3A_4, %dma_wait3A_113] : memref<10000x128xf32, #tpu.memory_space<hbm>> -> memref<624x128xf32, #tpu.memory_space<hbm>>
      tpu.wait_dma2 semaphore(%run_scoped3A : memref<!tpu.dma_semaphore, #tpu.memory_space<semaphore_mem>>) src(%dma_wait3A_114 : memref<624x128xf32, #tpu.memory_space<hbm>>) dst(%dma_wait3A_112 : memref<624x128xf32, #tpu.memory_space<vmem_shared>>)
      tpu.yield
    }) : () -> ()
    %eq3A = arith.constant 15 : i32
    %eq3A_7 = arith.cmpi eq, %arg1, %eq3A : i32
    %convert_element_type3A = arith.extui %eq3A_7 : i1 to i32
    %cond3A = arith.constant 0 : i32
    %cond3A_8 = arith.cmpi ne, %convert_element_type3A, %cond3A : i32
    scf.if %cond3A_8 {
      "tpu.region"() ({
        %run_scoped3A = tpu.sem_alloc : memref<!tpu.dma_semaphore, #tpu.memory_space<semaphore_mem>>
        %dma_start3A_107 = arith.constant 9984 : i32
        %dma_start3A_108 = arith.constant 0 : i32
        %dma_start3A_109 = tpu.memref_slice %arg19[%dma_start3A_107, %dma_start3A_108] : memref<10000x128xf32, #tpu.memory_space<vmem_shared>> -> memref<16x128xf32, #tpu.memory_space<vmem_shared>>
        %dma_start3A_110 = arith.constant 9984 : i32
        %dma_start3A_111 = arith.constant 0 : i32
        %dma_start3A_112 = tpu.memref_slice %arg5[%dma_start3A_110, %dma_start3A_111] : memref<10000x128xf32, #tpu.memory_space<hbm>> -> memref<16x128xf32, #tpu.memory_space<hbm>>
        tpu.enqueue_dma source(%dma_start3A_112 : memref<16x128xf32, #tpu.memory_space<hbm>>) target(%dma_start3A_109 : memref<16x128xf32, #tpu.memory_space<vmem_shared>>) target_semaphore(%run_scoped3A : memref<!tpu.dma_semaphore, #tpu.memory_space<semaphore_mem>>)
        %dma_wait3A_113 = arith.constant 9984 : i32
        %dma_wait3A_114 = arith.constant 0 : i32
        %dma_wait3A_115 = tpu.memref_slice %arg19[%dma_wait3A_113, %dma_wait3A_114] : memref<10000x128xf32, #tpu.memory_space<vmem_shared>> -> memref<16x128xf32, #tpu.memory_space<vmem_shared>>
        %dma_wait3A_116 = arith.constant 9984 : i32
        %dma_wait3A_117 = arith.constant 0 : i32
        %dma_wait3A_118 = tpu.memref_slice %arg5[%dma_wait3A_116, %dma_wait3A_117] : memref<10000x128xf32, #tpu.memory_space<hbm>> -> memref<16x128xf32, #tpu.memory_space<hbm>>
        tpu.wait_dma2 semaphore(%run_scoped3A : memref<!tpu.dma_semaphore, #tpu.memory_space<semaphore_mem>>) src(%dma_wait3A_118 : memref<16x128xf32, #tpu.memory_space<hbm>>) dst(%dma_wait3A_115 : memref<16x128xf32, #tpu.memory_space<vmem_shared>>)
        tpu.yield
      }) : () -> ()
    } else {
    }
    %barrier3A = arith.constant 0 : index
    tpu.barrier barrier_id(%barrier3A)
    %add3A_9 = arith.constant 0 : i32
    %add3A_10 = arith.addi %mul3A_2, %add3A_9 : i32
    %dma_start3A = tpu.memref_slice %arg3[%add3A_10] : memref<320000xi32, #tpu.memory_space<hbm>> -> memref<80xi32, #tpu.memory_space<hbm>>
    %dma_start3A_11 = tpu.memref_slice %arg3[%add3A_10] : memref<320000xi32, #tpu.memory_space<hbm>> -> memref<80xi32, #tpu.memory_space<hbm>>
    tpu.enqueue_dma source(%dma_start3A_11 : memref<80xi32, #tpu.memory_space<hbm>>) target(%arg7 : memref<80xi32, #tpu.memory_space<vmem>>) target_semaphore(%arg20 : memref<!tpu.dma_semaphore, #tpu.memory_space<semaphore_mem>>)
    %add3A_12 = arith.constant 0 : i32
    %add3A_13 = arith.addi %mul3A_2, %add3A_12 : i32
    %dma_start3A_14 = tpu.memref_slice %arg4[%add3A_13] : memref<320000xi32, #tpu.memory_space<hbm>> -> memref<80xi32, #tpu.memory_space<hbm>>
    %dma_start3A_15 = tpu.memref_slice %arg4[%add3A_13] : memref<320000xi32, #tpu.memory_space<hbm>> -> memref<80xi32, #tpu.memory_space<hbm>>
    tpu.enqueue_dma source(%dma_start3A_15 : memref<80xi32, #tpu.memory_space<hbm>>) target(%arg11 : memref<80xi32, #tpu.memory_space<vmem>>) target_semaphore(%arg20 : memref<!tpu.dma_semaphore, #tpu.memory_space<semaphore_mem>>)
    %add3A_16 = arith.constant 80 : i32
    %add3A_17 = arith.addi %mul3A_2, %add3A_16 : i32
    %dma_start3A_18 = tpu.memref_slice %arg3[%add3A_17] : memref<320000xi32, #tpu.memory_space<hbm>> -> memref<80xi32, #tpu.memory_space<hbm>>
    %dma_start3A_19 = tpu.memref_slice %arg3[%add3A_17] : memref<320000xi32, #tpu.memory_space<hbm>> -> memref<80xi32, #tpu.memory_space<hbm>>
    tpu.enqueue_dma source(%dma_start3A_19 : memref<80xi32, #tpu.memory_space<hbm>>) target(%arg8 : memref<80xi32, #tpu.memory_space<vmem>>) target_semaphore(%arg21 : memref<!tpu.dma_semaphore, #tpu.memory_space<semaphore_mem>>)
    %add3A_20 = arith.constant 80 : i32
    %add3A_21 = arith.addi %mul3A_2, %add3A_20 : i32
    %dma_start3A_22 = tpu.memref_slice %arg4[%add3A_21] : memref<320000xi32, #tpu.memory_space<hbm>> -> memref<80xi32, #tpu.memory_space<hbm>>
    %dma_start3A_23 = tpu.memref_slice %arg4[%add3A_21] : memref<320000xi32, #tpu.memory_space<hbm>> -> memref<80xi32, #tpu.memory_space<hbm>>
    tpu.enqueue_dma source(%dma_start3A_23 : memref<80xi32, #tpu.memory_space<hbm>>) target(%arg12 : memref<80xi32, #tpu.memory_space<vmem>>) target_semaphore(%arg21 : memref<!tpu.dma_semaphore, #tpu.memory_space<semaphore_mem>>)
    %add3A_24 = arith.constant 160 : i32
    %add3A_25 = arith.addi %mul3A_2, %add3A_24 : i32
    %dma_start3A_26 = tpu.memref_slice %arg3[%add3A_25] : memref<320000xi32, #tpu.memory_space<hbm>> -> memref<80xi32, #tpu.memory_space<hbm>>
    %dma_start3A_27 = tpu.memref_slice %arg3[%add3A_25] : memref<320000xi32, #tpu.memory_space<hbm>> -> memref<80xi32, #tpu.memory_space<hbm>>
    tpu.enqueue_dma source(%dma_start3A_27 : memref<80xi32, #tpu.memory_space<hbm>>) target(%arg9 : memref<80xi32, #tpu.memory_space<vmem>>) target_semaphore(%arg22 : memref<!tpu.dma_semaphore, #tpu.memory_space<semaphore_mem>>)
    %add3A_28 = arith.constant 160 : i32
    %add3A_29 = arith.addi %mul3A_2, %add3A_28 : i32
    %dma_start3A_30 = tpu.memref_slice %arg4[%add3A_29] : memref<320000xi32, #tpu.memory_space<hbm>> -> memref<80xi32, #tpu.memory_space<hbm>>
    %dma_start3A_31 = tpu.memref_slice %arg4[%add3A_29] : memref<320000xi32, #tpu.memory_space<hbm>> -> memref<80xi32, #tpu.memory_space<hbm>>
    tpu.enqueue_dma source(%dma_start3A_31 : memref<80xi32, #tpu.memory_space<hbm>>) target(%arg13 : memref<80xi32, #tpu.memory_space<vmem>>) target_semaphore(%arg22 : memref<!tpu.dma_semaphore, #tpu.memory_space<semaphore_mem>>)
    %add3A_32 = arith.constant 240 : i32
    %add3A_33 = arith.addi %mul3A_2, %add3A_32 : i32
    %dma_start3A_34 = tpu.memref_slice %arg3[%add3A_33] : memref<320000xi32, #tpu.memory_space<hbm>> -> memref<80xi32, #tpu.memory_space<hbm>>
    %dma_start3A_35 = tpu.memref_slice %arg3[%add3A_33] : memref<320000xi32, #tpu.memory_space<hbm>> -> memref<80xi32, #tpu.memory_space<hbm>>
    tpu.enqueue_dma source(%dma_start3A_35 : memref<80xi32, #tpu.memory_space<hbm>>) target(%arg10 : memref<80xi32, #tpu.memory_space<vmem>>) target_semaphore(%arg23 : memref<!tpu.dma_semaphore, #tpu.memory_space<semaphore_mem>>)
    %add3A_36 = arith.constant 240 : i32
    %add3A_37 = arith.addi %mul3A_2, %add3A_36 : i32
    %dma_start3A_38 = tpu.memref_slice %arg4[%add3A_37] : memref<320000xi32, #tpu.memory_space<hbm>> -> memref<80xi32, #tpu.memory_space<hbm>>
    %dma_start3A_39 = tpu.memref_slice %arg4[%add3A_37] : memref<320000xi32, #tpu.memory_space<hbm>> -> memref<80xi32, #tpu.memory_space<hbm>>
    tpu.enqueue_dma source(%dma_start3A_39 : memref<80xi32, #tpu.memory_space<hbm>>) target(%arg14 : memref<80xi32, #tpu.memory_space<vmem>>) target_semaphore(%arg23 : memref<!tpu.dma_semaphore, #tpu.memory_space<semaphore_mem>>)
    %add3A_40 = arith.constant 0 : i32
    %add3A_41 = arith.addi %mul3A_2, %add3A_40 : i32
    %dma_wait3A = tpu.memref_slice %arg3[%add3A_41] : memref<320000xi32, #tpu.memory_space<hbm>> -> memref<80xi32, #tpu.memory_space<hbm>>
    %dma_wait3A_42 = tpu.memref_slice %arg3[%add3A_41] : memref<320000xi32, #tpu.memory_space<hbm>> -> memref<80xi32, #tpu.memory_space<hbm>>
    tpu.wait_dma2 semaphore(%arg20 : memref<!tpu.dma_semaphore, #tpu.memory_space<semaphore_mem>>) src(%dma_wait3A_42 : memref<80xi32, #tpu.memory_space<hbm>>) dst(%arg7 : memref<80xi32, #tpu.memory_space<vmem>>)
    %add3A_43 = arith.constant 0 : i32
    %add3A_44 = arith.addi %mul3A_2, %add3A_43 : i32
    %dma_wait3A_45 = tpu.memref_slice %arg4[%add3A_44] : memref<320000xi32, #tpu.memory_space<hbm>> -> memref<80xi32, #tpu.memory_space<hbm>>
    %dma_wait3A_46 = tpu.memref_slice %arg4[%add3A_44] : memref<320000xi32, #tpu.memory_space<hbm>> -> memref<80xi32, #tpu.memory_space<hbm>>
    tpu.wait_dma2 semaphore(%arg20 : memref<!tpu.dma_semaphore, #tpu.memory_space<semaphore_mem>>) src(%dma_wait3A_46 : memref<80xi32, #tpu.memory_space<hbm>>) dst(%arg11 : memref<80xi32, #tpu.memory_space<vmem>>)
    %dma_start3A_47 = arith.constant 0 : i32
    %dma_start3A_48 = arith.constant 0 : i32
    %dma_start3A_49 = tpu.memref_slice %arg2[%dma_start3A_47, %dma_start3A_48] : memref<10000x128xf32, #tpu.memory_space<hbm>> -> memref<10000x128xf32, #tpu.memory_space<hbm>>
    tpu.enqueue_indirect_dma source(%dma_start3A_49 : memref<10000x128xf32, #tpu.memory_space<hbm>>) target(%arg15 : memref<80x128xf32, #tpu.memory_space<vmem>>) offsets(%arg7 : memref<80xi32, #tpu.memory_space<vmem>>) semaphore(%arg24 : memref<!tpu.dma_semaphore, #tpu.memory_space<semaphore_mem>>)
    %add3A_50 = arith.constant 80 : i32
    %add3A_51 = arith.addi %mul3A_2, %add3A_50 : i32
    %dma_wait3A_52 = tpu.memref_slice %arg3[%add3A_51] : memref<320000xi32, #tpu.memory_space<hbm>> -> memref<80xi32, #tpu.memory_space<hbm>>
    %dma_wait3A_53 = tpu.memref_slice %arg3[%add3A_51] : memref<320000xi32, #tpu.memory_space<hbm>> -> memref<80xi32, #tpu.memory_space<hbm>>
    tpu.wait_dma2 semaphore(%arg21 : memref<!tpu.dma_semaphore, #tpu.memory_space<semaphore_mem>>) src(%dma_wait3A_53 : memref<80xi32, #tpu.memory_space<hbm>>) dst(%arg8 : memref<80xi32, #tpu.memory_space<vmem>>)
    %add3A_54 = arith.constant 80 : i32
    %add3A_55 = arith.addi %mul3A_2, %add3A_54 : i32
    %dma_wait3A_56 = tpu.memref_slice %arg4[%add3A_55] : memref<320000xi32, #tpu.memory_space<hbm>> -> memref<80xi32, #tpu.memory_space<hbm>>
    %dma_wait3A_57 = tpu.memref_slice %arg4[%add3A_55] : memref<320000xi32, #tpu.memory_space<hbm>> -> memref<80xi32, #tpu.memory_space<hbm>>
    tpu.wait_dma2 semaphore(%arg21 : memref<!tpu.dma_semaphore, #tpu.memory_space<semaphore_mem>>) src(%dma_wait3A_57 : memref<80xi32, #tpu.memory_space<hbm>>) dst(%arg12 : memref<80xi32, #tpu.memory_space<vmem>>)
    %dma_start3A_58 = arith.constant 0 : i32
    %dma_start3A_59 = arith.constant 0 : i32
    %dma_start3A_60 = tpu.memref_slice %arg2[%dma_start3A_58, %dma_start3A_59] : memref<10000x128xf32, #tpu.memory_space<hbm>> -> memref<10000x128xf32, #tpu.memory_space<hbm>>
    tpu.enqueue_indirect_dma source(%dma_start3A_60 : memref<10000x128xf32, #tpu.memory_space<hbm>>) target(%arg16 : memref<80x128xf32, #tpu.memory_space<vmem>>) offsets(%arg8 : memref<80xi32, #tpu.memory_space<vmem>>) semaphore(%arg25 : memref<!tpu.dma_semaphore, #tpu.memory_space<semaphore_mem>>)
    %add3A_61 = arith.constant 160 : i32
    %add3A_62 = arith.addi %mul3A_2, %add3A_61 : i32
    %dma_wait3A_63 = tpu.memref_slice %arg3[%add3A_62] : memref<320000xi32, #tpu.memory_space<hbm>> -> memref<80xi32, #tpu.memory_space<hbm>>
    %dma_wait3A_64 = tpu.memref_slice %arg3[%add3A_62] : memref<320000xi32, #tpu.memory_space<hbm>> -> memref<80xi32, #tpu.memory_space<hbm>>
    tpu.wait_dma2 semaphore(%arg22 : memref<!tpu.dma_semaphore, #tpu.memory_space<semaphore_mem>>) src(%dma_wait3A_64 : memref<80xi32, #tpu.memory_space<hbm>>) dst(%arg9 : memref<80xi32, #tpu.memory_space<vmem>>)
    %add3A_65 = arith.constant 160 : i32
    %add3A_66 = arith.addi %mul3A_2, %add3A_65 : i32
    %dma_wait3A_67 = tpu.memref_slice %arg4[%add3A_66] : memref<320000xi32, #tpu.memory_space<hbm>> -> memref<80xi32, #tpu.memory_space<hbm>>
    %dma_wait3A_68 = tpu.memref_slice %arg4[%add3A_66] : memref<320000xi32, #tpu.memory_space<hbm>> -> memref<80xi32, #tpu.memory_space<hbm>>
    tpu.wait_dma2 semaphore(%arg22 : memref<!tpu.dma_semaphore, #tpu.memory_space<semaphore_mem>>) src(%dma_wait3A_68 : memref<80xi32, #tpu.memory_space<hbm>>) dst(%arg13 : memref<80xi32, #tpu.memory_space<vmem>>)
    %dma_start3A_69 = arith.constant 0 : i32
    %dma_start3A_70 = arith.constant 0 : i32
    %dma_start3A_71 = tpu.memref_slice %arg2[%dma_start3A_69, %dma_start3A_70] : memref<10000x128xf32, #tpu.memory_space<hbm>> -> memref<10000x128xf32, #tpu.memory_space<hbm>>
    tpu.enqueue_indirect_dma source(%dma_start3A_71 : memref<10000x128xf32, #tpu.memory_space<hbm>>) target(%arg17 : memref<80x128xf32, #tpu.memory_space<vmem>>) offsets(%arg9 : memref<80xi32, #tpu.memory_space<vmem>>) semaphore(%arg26 : memref<!tpu.dma_semaphore, #tpu.memory_space<semaphore_mem>>)
    %add3A_72 = arith.constant 240 : i32
    %add3A_73 = arith.addi %mul3A_2, %add3A_72 : i32
    %dma_wait3A_74 = tpu.memref_slice %arg3[%add3A_73] : memref<320000xi32, #tpu.memory_space<hbm>> -> memref<80xi32, #tpu.memory_space<hbm>>
    %dma_wait3A_75 = tpu.memref_slice %arg3[%add3A_73] : memref<320000xi32, #tpu.memory_space<hbm>> -> memref<80xi32, #tpu.memory_space<hbm>>
    tpu.wait_dma2 semaphore(%arg23 : memref<!tpu.dma_semaphore, #tpu.memory_space<semaphore_mem>>) src(%dma_wait3A_75 : memref<80xi32, #tpu.memory_space<hbm>>) dst(%arg10 : memref<80xi32, #tpu.memory_space<vmem>>)
    %add3A_76 = arith.constant 240 : i32
    %add3A_77 = arith.addi %mul3A_2, %add3A_76 : i32
    %dma_wait3A_78 = tpu.memref_slice %arg4[%add3A_77] : memref<320000xi32, #tpu.memory_space<hbm>> -> memref<80xi32, #tpu.memory_space<hbm>>
    %dma_wait3A_79 = tpu.memref_slice %arg4[%add3A_77] : memref<320000xi32, #tpu.memory_space<hbm>> -> memref<80xi32, #tpu.memory_space<hbm>>
    tpu.wait_dma2 semaphore(%arg23 : memref<!tpu.dma_semaphore, #tpu.memory_space<semaphore_mem>>) src(%dma_wait3A_79 : memref<80xi32, #tpu.memory_space<hbm>>) dst(%arg14 : memref<80xi32, #tpu.memory_space<vmem>>)
    %dma_start3A_80 = arith.constant 0 : i32
    %dma_start3A_81 = arith.constant 0 : i32
    %dma_start3A_82 = tpu.memref_slice %arg2[%dma_start3A_80, %dma_start3A_81] : memref<10000x128xf32, #tpu.memory_space<hbm>> -> memref<10000x128xf32, #tpu.memory_space<hbm>>
    tpu.enqueue_indirect_dma source(%dma_start3A_82 : memref<10000x128xf32, #tpu.memory_space<hbm>>) target(%arg18 : memref<80x128xf32, #tpu.memory_space<vmem>>) offsets(%arg10 : memref<80xi32, #tpu.memory_space<vmem>>) semaphore(%arg27 : memref<!tpu.dma_semaphore, #tpu.memory_space<semaphore_mem>>)
    %scan3A = arith.constant 0 : i32
    %scan3A_83 = arith.constant 0 : i32
    %scan3A_84 = arith.constant 31 : i32
    %scan3A_85 = arith.addi %scan3A_83, %scan3A_84 : i32
    %scan3A_86 = arith.constant 1 : i32
    scf.for %scan3A_107 = %scan3A_83 to %scan3A_85 step %scan3A_86  : i32 {
      %mul3A_108 = arith.constant 4 : i32
      %mul3A_109 = arith.muli %mul3A_108, %scan3A_107 : i32
      %dma_wait3A_110 = arith.constant 0 : i32
      %dma_wait3A_111 = arith.constant 0 : i32
      %dma_wait3A_112 = tpu.memref_slice %arg2[%dma_wait3A_110, %dma_wait3A_111] : memref<10000x128xf32, #tpu.memory_space<hbm>> -> memref<10000x128xf32, #tpu.memory_space<hbm>>
      tpu.wait_indirect_dma semaphore(%arg24 : memref<!tpu.dma_semaphore, #tpu.memory_space<semaphore_mem>>) src(%dma_wait3A_112 : memref<10000x128xf32, #tpu.memory_space<hbm>>) dst(%arg15 : memref<80x128xf32, #tpu.memory_space<vmem>>)
      %dma_start3A_113 = arith.constant 0 : i32
      %dma_start3A_114 = arith.constant 0 : i32
      %dma_start3A_115 = tpu.memref_slice %arg19[%dma_start3A_113, %dma_start3A_114] : memref<10000x128xf32, #tpu.memory_space<vmem_shared>> -> memref<10000x128xf32, #tpu.memory_space<vmem_shared>>
      tpu.enqueue_indirect_dma source(%arg15 : memref<80x128xf32, #tpu.memory_space<vmem>>) target(%dma_start3A_115 : memref<10000x128xf32, #tpu.memory_space<vmem_shared>>) offsets(%arg11 : memref<80xi32, #tpu.memory_space<vmem>>) semaphore(%arg28 : memref<!tpu.dma_semaphore, #tpu.memory_space<semaphore_mem>>) {add = true}
      %dma_wait3A_116 = arith.constant 0 : i32
      %dma_wait3A_117 = arith.constant 0 : i32
      %dma_wait3A_118 = tpu.memref_slice %arg2[%dma_wait3A_116, %dma_wait3A_117] : memref<10000x128xf32, #tpu.memory_space<hbm>> -> memref<10000x128xf32, #tpu.memory_space<hbm>>
      tpu.wait_indirect_dma semaphore(%arg25 : memref<!tpu.dma_semaphore, #tpu.memory_space<semaphore_mem>>) src(%dma_wait3A_118 : memref<10000x128xf32, #tpu.memory_space<hbm>>) dst(%arg16 : memref<80x128xf32, #tpu.memory_space<vmem>>)
      %dma_start3A_119 = arith.constant 0 : i32
      %dma_start3A_120 = arith.constant 0 : i32
      %dma_start3A_121 = tpu.memref_slice %arg19[%dma_start3A_119, %dma_start3A_120] : memref<10000x128xf32, #tpu.memory_space<vmem_shared>> -> memref<10000x128xf32, #tpu.memory_space<vmem_shared>>
      tpu.enqueue_indirect_dma source(%arg16 : memref<80x128xf32, #tpu.memory_space<vmem>>) target(%dma_start3A_121 : memref<10000x128xf32, #tpu.memory_space<vmem_shared>>) offsets(%arg12 : memref<80xi32, #tpu.memory_space<vmem>>) semaphore(%arg29 : memref<!tpu.dma_semaphore, #tpu.memory_space<semaphore_mem>>) {add = true}
      %dma_wait3A_122 = arith.constant 0 : i32
      %dma_wait3A_123 = arith.constant 0 : i32
      %dma_wait3A_124 = tpu.memref_slice %arg2[%dma_wait3A_122, %dma_wait3A_123] : memref<10000x128xf32, #tpu.memory_space<hbm>> -> memref<10000x128xf32, #tpu.memory_space<hbm>>
      tpu.wait_indirect_dma semaphore(%arg26 : memref<!tpu.dma_semaphore, #tpu.memory_space<semaphore_mem>>) src(%dma_wait3A_124 : memref<10000x128xf32, #tpu.memory_space<hbm>>) dst(%arg17 : memref<80x128xf32, #tpu.memory_space<vmem>>)
      %dma_start3A_125 = arith.constant 0 : i32
      %dma_start3A_126 = arith.constant 0 : i32
      %dma_start3A_127 = tpu.memref_slice %arg19[%dma_start3A_125, %dma_start3A_126] : memref<10000x128xf32, #tpu.memory_space<vmem_shared>> -> memref<10000x128xf32, #tpu.memory_space<vmem_shared>>
      tpu.enqueue_indirect_dma source(%arg17 : memref<80x128xf32, #tpu.memory_space<vmem>>) target(%dma_start3A_127 : memref<10000x128xf32, #tpu.memory_space<vmem_shared>>) offsets(%arg13 : memref<80xi32, #tpu.memory_space<vmem>>) semaphore(%arg30 : memref<!tpu.dma_semaphore, #tpu.memory_space<semaphore_mem>>) {add = true}
      %dma_wait3A_128 = arith.constant 0 : i32
      %dma_wait3A_129 = arith.constant 0 : i32
      %dma_wait3A_130 = tpu.memref_slice %arg2[%dma_wait3A_128, %dma_wait3A_129] : memref<10000x128xf32, #tpu.memory_space<hbm>> -> memref<10000x128xf32, #tpu.memory_space<hbm>>
      tpu.wait_indirect_dma semaphore(%arg27 : memref<!tpu.dma_semaphore, #tpu.memory_space<semaphore_mem>>) src(%dma_wait3A_130 : memref<10000x128xf32, #tpu.memory_space<hbm>>) dst(%arg18 : memref<80x128xf32, #tpu.memory_space<vmem>>)
      %dma_start3A_131 = arith.constant 0 : i32
      %dma_start3A_132 = arith.constant 0 : i32
      %dma_start3A_133 = tpu.memref_slice %arg19[%dma_start3A_131, %dma_start3A_132] : memref<10000x128xf32, #tpu.memory_space<vmem_shared>> -> memref<10000x128xf32, #tpu.memory_space<vmem_shared>>
      tpu.enqueue_indirect_dma source(%arg18 : memref<80x128xf32, #tpu.memory_space<vmem>>) target(%dma_start3A_133 : memref<10000x128xf32, #tpu.memory_space<vmem_shared>>) offsets(%arg14 : memref<80xi32, #tpu.memory_space<vmem>>) semaphore(%arg31 : memref<!tpu.dma_semaphore, #tpu.memory_space<semaphore_mem>>) {add = true}
      %add3A_134 = arith.constant 4 : i32
      %add3A_135 = arith.addi %mul3A_109, %add3A_134 : i32
      %add3A_136 = arith.constant 0 : i32
      %add3A_137 = arith.addi %add3A_135, %add3A_136 : i32
      %dma_wait3A_138 = arith.constant 0 : i32
      %dma_wait3A_139 = arith.constant 0 : i32
      %dma_wait3A_140 = tpu.memref_slice %arg19[%dma_wait3A_138, %dma_wait3A_139] : memref<10000x128xf32, #tpu.memory_space<vmem_shared>> -> memref<10000x128xf32, #tpu.memory_space<vmem_shared>>
      tpu.wait_indirect_dma semaphore(%arg28 : memref<!tpu.dma_semaphore, #tpu.memory_space<semaphore_mem>>) src(%arg15 : memref<80x128xf32, #tpu.memory_space<vmem>>) dst(%dma_wait3A_140 : memref<10000x128xf32, #tpu.memory_space<vmem_shared>>)
      %lt3A = arith.constant 125 : i32
      %lt3A_141 = arith.cmpi slt, %add3A_137, %lt3A : i32
      %convert_element_type3A_142 = arith.extui %lt3A_141 : i1 to i32
      %cond3A_143 = arith.constant 0 : i32
      %cond3A_144 = arith.cmpi ne, %convert_element_type3A_142, %cond3A_143 : i32
      scf.if %cond3A_144 {
        %mul3A_217 = arith.constant 80 : i32
        %mul3A_218 = arith.muli %add3A_137, %mul3A_217 : i32
        %add3A_219 = arith.addi %mul3A_2, %mul3A_218 : i32
        %dma_start3A_220 = tpu.memref_slice %arg3[%add3A_219] : memref<320000xi32, #tpu.memory_space<hbm>> -> memref<80xi32, #tpu.memory_space<hbm>>
        %dma_start3A_221 = tpu.memref_slice %arg3[%add3A_219] : memref<320000xi32, #tpu.memory_space<hbm>> -> memref<80xi32, #tpu.memory_space<hbm>>
        tpu.enqueue_dma source(%dma_start3A_221 : memref<80xi32, #tpu.memory_space<hbm>>) target(%arg7 : memref<80xi32, #tpu.memory_space<vmem>>) target_semaphore(%arg20 : memref<!tpu.dma_semaphore, #tpu.memory_space<semaphore_mem>>)
        %mul3A_222 = arith.constant 80 : i32
        %mul3A_223 = arith.muli %add3A_137, %mul3A_222 : i32
        %add3A_224 = arith.addi %mul3A_2, %mul3A_223 : i32
        %dma_start3A_225 = tpu.memref_slice %arg4[%add3A_224] : memref<320000xi32, #tpu.memory_space<hbm>> -> memref<80xi32, #tpu.memory_space<hbm>>
        %dma_start3A_226 = tpu.memref_slice %arg4[%add3A_224] : memref<320000xi32, #tpu.memory_space<hbm>> -> memref<80xi32, #tpu.memory_space<hbm>>
        tpu.enqueue_dma source(%dma_start3A_226 : memref<80xi32, #tpu.memory_space<hbm>>) target(%arg11 : memref<80xi32, #tpu.memory_space<vmem>>) target_semaphore(%arg20 : memref<!tpu.dma_semaphore, #tpu.memory_space<semaphore_mem>>)
      } else {
      }
      %add3A_145 = arith.constant 4 : i32
      %add3A_146 = arith.addi %mul3A_109, %add3A_145 : i32
      %add3A_147 = arith.constant 1 : i32
      %add3A_148 = arith.addi %add3A_146, %add3A_147 : i32
      %dma_wait3A_149 = arith.constant 0 : i32
      %dma_wait3A_150 = arith.constant 0 : i32
      %dma_wait3A_151 = tpu.memref_slice %arg19[%dma_wait3A_149, %dma_wait3A_150] : memref<10000x128xf32, #tpu.memory_space<vmem_shared>> -> memref<10000x128xf32, #tpu.memory_space<vmem_shared>>
      tpu.wait_indirect_dma semaphore(%arg29 : memref<!tpu.dma_semaphore, #tpu.memory_space<semaphore_mem>>) src(%arg16 : memref<80x128xf32, #tpu.memory_space<vmem>>) dst(%dma_wait3A_151 : memref<10000x128xf32, #tpu.memory_space<vmem_shared>>)
      %lt3A_152 = arith.constant 125 : i32
      %lt3A_153 = arith.cmpi slt, %add3A_148, %lt3A_152 : i32
      %convert_element_type3A_154 = arith.extui %lt3A_153 : i1 to i32
      %cond3A_155 = arith.constant 0 : i32
      %cond3A_156 = arith.cmpi ne, %convert_element_type3A_154, %cond3A_155 : i32
      scf.if %cond3A_156 {
        %mul3A_217 = arith.constant 80 : i32
        %mul3A_218 = arith.muli %add3A_148, %mul3A_217 : i32
        %add3A_219 = arith.addi %mul3A_2, %mul3A_218 : i32
        %dma_start3A_220 = tpu.memref_slice %arg3[%add3A_219] : memref<320000xi32, #tpu.memory_space<hbm>> -> memref<80xi32, #tpu.memory_space<hbm>>
        %dma_start3A_221 = tpu.memref_slice %arg3[%add3A_219] : memref<320000xi32, #tpu.memory_space<hbm>> -> memref<80xi32, #tpu.memory_space<hbm>>
        tpu.enqueue_dma source(%dma_start3A_221 : memref<80xi32, #tpu.memory_space<hbm>>) target(%arg8 : memref<80xi32, #tpu.memory_space<vmem>>) target_semaphore(%arg21 : memref<!tpu.dma_semaphore, #tpu.memory_space<semaphore_mem>>)
        %mul3A_222 = arith.constant 80 : i32
        %mul3A_223 = arith.muli %add3A_148, %mul3A_222 : i32
        %add3A_224 = arith.addi %mul3A_2, %mul3A_223 : i32
        %dma_start3A_225 = tpu.memref_slice %arg4[%add3A_224] : memref<320000xi32, #tpu.memory_space<hbm>> -> memref<80xi32, #tpu.memory_space<hbm>>
        %dma_start3A_226 = tpu.memref_slice %arg4[%add3A_224] : memref<320000xi32, #tpu.memory_space<hbm>> -> memref<80xi32, #tpu.memory_space<hbm>>
        tpu.enqueue_dma source(%dma_start3A_226 : memref<80xi32, #tpu.memory_space<hbm>>) target(%arg12 : memref<80xi32, #tpu.memory_space<vmem>>) target_semaphore(%arg21 : memref<!tpu.dma_semaphore, #tpu.memory_space<semaphore_mem>>)
      } else {
      }
      %add3A_157 = arith.constant 4 : i32
      %add3A_158 = arith.addi %mul3A_109, %add3A_157 : i32
      %add3A_159 = arith.constant 2 : i32
      %add3A_160 = arith.addi %add3A_158, %add3A_159 : i32
      %dma_wait3A_161 = arith.constant 0 : i32
      %dma_wait3A_162 = arith.constant 0 : i32
      %dma_wait3A_163 = tpu.memref_slice %arg19[%dma_wait3A_161, %dma_wait3A_162] : memref<10000x128xf32, #tpu.memory_space<vmem_shared>> -> memref<10000x128xf32, #tpu.memory_space<vmem_shared>>
      tpu.wait_indirect_dma semaphore(%arg30 : memref<!tpu.dma_semaphore, #tpu.memory_space<semaphore_mem>>) src(%arg17 : memref<80x128xf32, #tpu.memory_space<vmem>>) dst(%dma_wait3A_163 : memref<10000x128xf32, #tpu.memory_space<vmem_shared>>)
      %lt3A_164 = arith.constant 125 : i32
      %lt3A_165 = arith.cmpi slt, %add3A_160, %lt3A_164 : i32
      %convert_element_type3A_166 = arith.extui %lt3A_165 : i1 to i32
      %cond3A_167 = arith.constant 0 : i32
      %cond3A_168 = arith.cmpi ne, %convert_element_type3A_166, %cond3A_167 : i32
      scf.if %cond3A_168 {
        %mul3A_217 = arith.constant 80 : i32
        %mul3A_218 = arith.muli %add3A_160, %mul3A_217 : i32
        %add3A_219 = arith.addi %mul3A_2, %mul3A_218 : i32
        %dma_start3A_220 = tpu.memref_slice %arg3[%add3A_219] : memref<320000xi32, #tpu.memory_space<hbm>> -> memref<80xi32, #tpu.memory_space<hbm>>
        %dma_start3A_221 = tpu.memref_slice %arg3[%add3A_219] : memref<320000xi32, #tpu.memory_space<hbm>> -> memref<80xi32, #tpu.memory_space<hbm>>
        tpu.enqueue_dma source(%dma_start3A_221 : memref<80xi32, #tpu.memory_space<hbm>>) target(%arg9 : memref<80xi32, #tpu.memory_space<vmem>>) target_semaphore(%arg22 : memref<!tpu.dma_semaphore, #tpu.memory_space<semaphore_mem>>)
        %mul3A_222 = arith.constant 80 : i32
        %mul3A_223 = arith.muli %add3A_160, %mul3A_222 : i32
        %add3A_224 = arith.addi %mul3A_2, %mul3A_223 : i32
        %dma_start3A_225 = tpu.memref_slice %arg4[%add3A_224] : memref<320000xi32, #tpu.memory_space<hbm>> -> memref<80xi32, #tpu.memory_space<hbm>>
        %dma_start3A_226 = tpu.memref_slice %arg4[%add3A_224] : memref<320000xi32, #tpu.memory_space<hbm>> -> memref<80xi32, #tpu.memory_space<hbm>>
        tpu.enqueue_dma source(%dma_start3A_226 : memref<80xi32, #tpu.memory_space<hbm>>) target(%arg13 : memref<80xi32, #tpu.memory_space<vmem>>) target_semaphore(%arg22 : memref<!tpu.dma_semaphore, #tpu.memory_space<semaphore_mem>>)
      } else {
      }
      %add3A_169 = arith.constant 4 : i32
      %add3A_170 = arith.addi %mul3A_109, %add3A_169 : i32
      %add3A_171 = arith.constant 3 : i32
      %add3A_172 = arith.addi %add3A_170, %add3A_171 : i32
      %dma_wait3A_173 = arith.constant 0 : i32
      %dma_wait3A_174 = arith.constant 0 : i32
      %dma_wait3A_175 = tpu.memref_slice %arg19[%dma_wait3A_173, %dma_wait3A_174] : memref<10000x128xf32, #tpu.memory_space<vmem_shared>> -> memref<10000x128xf32, #tpu.memory_space<vmem_shared>>
      tpu.wait_indirect_dma semaphore(%arg31 : memref<!tpu.dma_semaphore, #tpu.memory_space<semaphore_mem>>) src(%arg18 : memref<80x128xf32, #tpu.memory_space<vmem>>) dst(%dma_wait3A_175 : memref<10000x128xf32, #tpu.memory_space<vmem_shared>>)
      %lt3A_176 = arith.constant 125 : i32
      %lt3A_177 = arith.cmpi slt, %add3A_172, %lt3A_176 : i32
      %convert_element_type3A_178 = arith.extui %lt3A_177 : i1 to i32
      %cond3A_179 = arith.constant 0 : i32
      %cond3A_180 = arith.cmpi ne, %convert_element_type3A_178, %cond3A_179 : i32
      scf.if %cond3A_180 {
        %mul3A_217 = arith.constant 80 : i32
        %mul3A_218 = arith.muli %add3A_172, %mul3A_217 : i32
        %add3A_219 = arith.addi %mul3A_2, %mul3A_218 : i32
        %dma_start3A_220 = tpu.memref_slice %arg3[%add3A_219] : memref<320000xi32, #tpu.memory_space<hbm>> -> memref<80xi32, #tpu.memory_space<hbm>>
        %dma_start3A_221 = tpu.memref_slice %arg3[%add3A_219] : memref<320000xi32, #tpu.memory_space<hbm>> -> memref<80xi32, #tpu.memory_space<hbm>>
        tpu.enqueue_dma source(%dma_start3A_221 : memref<80xi32, #tpu.memory_space<hbm>>) target(%arg10 : memref<80xi32, #tpu.memory_space<vmem>>) target_semaphore(%arg23 : memref<!tpu.dma_semaphore, #tpu.memory_space<semaphore_mem>>)
        %mul3A_222 = arith.constant 80 : i32
        %mul3A_223 = arith.muli %add3A_172, %mul3A_222 : i32
        %add3A_224 = arith.addi %mul3A_2, %mul3A_223 : i32
        %dma_start3A_225 = tpu.memref_slice %arg4[%add3A_224] : memref<320000xi32, #tpu.memory_space<hbm>> -> memref<80xi32, #tpu.memory_space<hbm>>
        %dma_start3A_226 = tpu.memref_slice %arg4[%add3A_224] : memref<320000xi32, #tpu.memory_space<hbm>> -> memref<80xi32, #tpu.memory_space<hbm>>
        tpu.enqueue_dma source(%dma_start3A_226 : memref<80xi32, #tpu.memory_space<hbm>>) target(%arg14 : memref<80xi32, #tpu.memory_space<vmem>>) target_semaphore(%arg23 : memref<!tpu.dma_semaphore, #tpu.memory_space<semaphore_mem>>)
      } else {
      }
      %add3A_181 = arith.constant 4 : i32
      %add3A_182 = arith.addi %mul3A_109, %add3A_181 : i32
      %add3A_183 = arith.constant 0 : i32
      %add3A_184 = arith.addi %add3A_182, %add3A_183 : i32
      %lt3A_185 = arith.constant 125 : i32
      %lt3A_186 = arith.cmpi slt, %add3A_184, %lt3A_185 : i32
      %convert_element_type3A_187 = arith.extui %lt3A_186 : i1 to i32
      %cond3A_188 = arith.constant 0 : i32
      %cond3A_189 = arith.cmpi ne, %convert_element_type3A_187, %cond3A_188 : i32
      scf.if %cond3A_189 {
        %mul3A_217 = arith.constant 80 : i32
        %mul3A_218 = arith.muli %add3A_184, %mul3A_217 : i32
        %add3A_219 = arith.addi %mul3A_2, %mul3A_218 : i32
        %dma_wait3A_220 = tpu.memref_slice %arg3[%add3A_219] : memref<320000xi32, #tpu.memory_space<hbm>> -> memref<80xi32, #tpu.memory_space<hbm>>
        %dma_wait3A_221 = tpu.memref_slice %arg3[%add3A_219] : memref<320000xi32, #tpu.memory_space<hbm>> -> memref<80xi32, #tpu.memory_space<hbm>>
        tpu.wait_dma2 semaphore(%arg20 : memref<!tpu.dma_semaphore, #tpu.memory_space<semaphore_mem>>) src(%dma_wait3A_221 : memref<80xi32, #tpu.memory_space<hbm>>) dst(%arg7 : memref<80xi32, #tpu.memory_space<vmem>>)
        %mul3A_222 = arith.constant 80 : i32
        %mul3A_223 = arith.muli %add3A_184, %mul3A_222 : i32
        %add3A_224 = arith.addi %mul3A_2, %mul3A_223 : i32
        %dma_wait3A_225 = tpu.memref_slice %arg4[%add3A_224] : memref<320000xi32, #tpu.memory_space<hbm>> -> memref<80xi32, #tpu.memory_space<hbm>>
        %dma_wait3A_226 = tpu.memref_slice %arg4[%add3A_224] : memref<320000xi32, #tpu.memory_space<hbm>> -> memref<80xi32, #tpu.memory_space<hbm>>
        tpu.wait_dma2 semaphore(%arg20 : memref<!tpu.dma_semaphore, #tpu.memory_space<semaphore_mem>>) src(%dma_wait3A_226 : memref<80xi32, #tpu.memory_space<hbm>>) dst(%arg11 : memref<80xi32, #tpu.memory_space<vmem>>)
        %dma_start3A_227 = arith.constant 0 : i32
        %dma_start3A_228 = arith.constant 0 : i32
        %dma_start3A_229 = tpu.memref_slice %arg2[%dma_start3A_227, %dma_start3A_228] : memref<10000x128xf32, #tpu.memory_space<hbm>> -> memref<10000x128xf32, #tpu.memory_space<hbm>>
        tpu.enqueue_indirect_dma source(%dma_start3A_229 : memref<10000x128xf32, #tpu.memory_space<hbm>>) target(%arg15 : memref<80x128xf32, #tpu.memory_space<vmem>>) offsets(%arg7 : memref<80xi32, #tpu.memory_space<vmem>>) semaphore(%arg24 : memref<!tpu.dma_semaphore, #tpu.memory_space<semaphore_mem>>)
      } else {
      }
      %add3A_190 = arith.constant 4 : i32
      %add3A_191 = arith.addi %mul3A_109, %add3A_190 : i32
      %add3A_192 = arith.constant 1 : i32
      %add3A_193 = arith.addi %add3A_191, %add3A_192 : i32
      %lt3A_194 = arith.constant 125 : i32
      %lt3A_195 = arith.cmpi slt, %add3A_193, %lt3A_194 : i32
      %convert_element_type3A_196 = arith.extui %lt3A_195 : i1 to i32
      %cond3A_197 = arith.constant 0 : i32
      %cond3A_198 = arith.cmpi ne, %convert_element_type3A_196, %cond3A_197 : i32
      scf.if %cond3A_198 {
        %mul3A_217 = arith.constant 80 : i32
        %mul3A_218 = arith.muli %add3A_193, %mul3A_217 : i32
        %add3A_219 = arith.addi %mul3A_2, %mul3A_218 : i32
        %dma_wait3A_220 = tpu.memref_slice %arg3[%add3A_219] : memref<320000xi32, #tpu.memory_space<hbm>> -> memref<80xi32, #tpu.memory_space<hbm>>
        %dma_wait3A_221 = tpu.memref_slice %arg3[%add3A_219] : memref<320000xi32, #tpu.memory_space<hbm>> -> memref<80xi32, #tpu.memory_space<hbm>>
        tpu.wait_dma2 semaphore(%arg21 : memref<!tpu.dma_semaphore, #tpu.memory_space<semaphore_mem>>) src(%dma_wait3A_221 : memref<80xi32, #tpu.memory_space<hbm>>) dst(%arg8 : memref<80xi32, #tpu.memory_space<vmem>>)
        %mul3A_222 = arith.constant 80 : i32
        %mul3A_223 = arith.muli %add3A_193, %mul3A_222 : i32
        %add3A_224 = arith.addi %mul3A_2, %mul3A_223 : i32
        %dma_wait3A_225 = tpu.memref_slice %arg4[%add3A_224] : memref<320000xi32, #tpu.memory_space<hbm>> -> memref<80xi32, #tpu.memory_space<hbm>>
        %dma_wait3A_226 = tpu.memref_slice %arg4[%add3A_224] : memref<320000xi32, #tpu.memory_space<hbm>> -> memref<80xi32, #tpu.memory_space<hbm>>
        tpu.wait_dma2 semaphore(%arg21 : memref<!tpu.dma_semaphore, #tpu.memory_space<semaphore_mem>>) src(%dma_wait3A_226 : memref<80xi32, #tpu.memory_space<hbm>>) dst(%arg12 : memref<80xi32, #tpu.memory_space<vmem>>)
        %dma_start3A_227 = arith.constant 0 : i32
        %dma_start3A_228 = arith.constant 0 : i32
        %dma_start3A_229 = tpu.memref_slice %arg2[%dma_start3A_227, %dma_start3A_228] : memref<10000x128xf32, #tpu.memory_space<hbm>> -> memref<10000x128xf32, #tpu.memory_space<hbm>>
        tpu.enqueue_indirect_dma source(%dma_start3A_229 : memref<10000x128xf32, #tpu.memory_space<hbm>>) target(%arg16 : memref<80x128xf32, #tpu.memory_space<vmem>>) offsets(%arg8 : memref<80xi32, #tpu.memory_space<vmem>>) semaphore(%arg25 : memref<!tpu.dma_semaphore, #tpu.memory_space<semaphore_mem>>)
      } else {
      }
      %add3A_199 = arith.constant 4 : i32
      %add3A_200 = arith.addi %mul3A_109, %add3A_199 : i32
      %add3A_201 = arith.constant 2 : i32
      %add3A_202 = arith.addi %add3A_200, %add3A_201 : i32
      %lt3A_203 = arith.constant 125 : i32
      %lt3A_204 = arith.cmpi slt, %add3A_202, %lt3A_203 : i32
      %convert_element_type3A_205 = arith.extui %lt3A_204 : i1 to i32
      %cond3A_206 = arith.constant 0 : i32
      %cond3A_207 = arith.cmpi ne, %convert_element_type3A_205, %cond3A_206 : i32
      scf.if %cond3A_207 {
        %mul3A_217 = arith.constant 80 : i32
        %mul3A_218 = arith.muli %add3A_202, %mul3A_217 : i32
        %add3A_219 = arith.addi %mul3A_2, %mul3A_218 : i32
        %dma_wait3A_220 = tpu.memref_slice %arg3[%add3A_219] : memref<320000xi32, #tpu.memory_space<hbm>> -> memref<80xi32, #tpu.memory_space<hbm>>
        %dma_wait3A_221 = tpu.memref_slice %arg3[%add3A_219] : memref<320000xi32, #tpu.memory_space<hbm>> -> memref<80xi32, #tpu.memory_space<hbm>>
        tpu.wait_dma2 semaphore(%arg22 : memref<!tpu.dma_semaphore, #tpu.memory_space<semaphore_mem>>) src(%dma_wait3A_221 : memref<80xi32, #tpu.memory_space<hbm>>) dst(%arg9 : memref<80xi32, #tpu.memory_space<vmem>>)
        %mul3A_222 = arith.constant 80 : i32
        %mul3A_223 = arith.muli %add3A_202, %mul3A_222 : i32
        %add3A_224 = arith.addi %mul3A_2, %mul3A_223 : i32
        %dma_wait3A_225 = tpu.memref_slice %arg4[%add3A_224] : memref<320000xi32, #tpu.memory_space<hbm>> -> memref<80xi32, #tpu.memory_space<hbm>>
        %dma_wait3A_226 = tpu.memref_slice %arg4[%add3A_224] : memref<320000xi32, #tpu.memory_space<hbm>> -> memref<80xi32, #tpu.memory_space<hbm>>
        tpu.wait_dma2 semaphore(%arg22 : memref<!tpu.dma_semaphore, #tpu.memory_space<semaphore_mem>>) src(%dma_wait3A_226 : memref<80xi32, #tpu.memory_space<hbm>>) dst(%arg13 : memref<80xi32, #tpu.memory_space<vmem>>)
        %dma_start3A_227 = arith.constant 0 : i32
        %dma_start3A_228 = arith.constant 0 : i32
        %dma_start3A_229 = tpu.memref_slice %arg2[%dma_start3A_227, %dma_start3A_228] : memref<10000x128xf32, #tpu.memory_space<hbm>> -> memref<10000x128xf32, #tpu.memory_space<hbm>>
        tpu.enqueue_indirect_dma source(%dma_start3A_229 : memref<10000x128xf32, #tpu.memory_space<hbm>>) target(%arg17 : memref<80x128xf32, #tpu.memory_space<vmem>>) offsets(%arg9 : memref<80xi32, #tpu.memory_space<vmem>>) semaphore(%arg26 : memref<!tpu.dma_semaphore, #tpu.memory_space<semaphore_mem>>)
      } else {
      }
      %add3A_208 = arith.constant 4 : i32
      %add3A_209 = arith.addi %mul3A_109, %add3A_208 : i32
      %add3A_210 = arith.constant 3 : i32
      %add3A_211 = arith.addi %add3A_209, %add3A_210 : i32
      %lt3A_212 = arith.constant 125 : i32
      %lt3A_213 = arith.cmpi slt, %add3A_211, %lt3A_212 : i32
      %convert_element_type3A_214 = arith.extui %lt3A_213 : i1 to i32
      %cond3A_215 = arith.constant 0 : i32
      %cond3A_216 = arith.cmpi ne, %convert_element_type3A_214, %cond3A_215 : i32
      scf.if %cond3A_216 {
        %mul3A_217 = arith.constant 80 : i32
        %mul3A_218 = arith.muli %add3A_211, %mul3A_217 : i32
        %add3A_219 = arith.addi %mul3A_2, %mul3A_218 : i32
        %dma_wait3A_220 = tpu.memref_slice %arg3[%add3A_219] : memref<320000xi32, #tpu.memory_space<hbm>> -> memref<80xi32, #tpu.memory_space<hbm>>
        %dma_wait3A_221 = tpu.memref_slice %arg3[%add3A_219] : memref<320000xi32, #tpu.memory_space<hbm>> -> memref<80xi32, #tpu.memory_space<hbm>>
        tpu.wait_dma2 semaphore(%arg23 : memref<!tpu.dma_semaphore, #tpu.memory_space<semaphore_mem>>) src(%dma_wait3A_221 : memref<80xi32, #tpu.memory_space<hbm>>) dst(%arg10 : memref<80xi32, #tpu.memory_space<vmem>>)
        %mul3A_222 = arith.constant 80 : i32
        %mul3A_223 = arith.muli %add3A_211, %mul3A_222 : i32
        %add3A_224 = arith.addi %mul3A_2, %mul3A_223 : i32
        %dma_wait3A_225 = tpu.memref_slice %arg4[%add3A_224] : memref<320000xi32, #tpu.memory_space<hbm>> -> memref<80xi32, #tpu.memory_space<hbm>>
        %dma_wait3A_226 = tpu.memref_slice %arg4[%add3A_224] : memref<320000xi32, #tpu.memory_space<hbm>> -> memref<80xi32, #tpu.memory_space<hbm>>
        tpu.wait_dma2 semaphore(%arg23 : memref<!tpu.dma_semaphore, #tpu.memory_space<semaphore_mem>>) src(%dma_wait3A_226 : memref<80xi32, #tpu.memory_space<hbm>>) dst(%arg14 : memref<80xi32, #tpu.memory_space<vmem>>)
        %dma_start3A_227 = arith.constant 0 : i32
        %dma_start3A_228 = arith.constant 0 : i32
        %dma_start3A_229 = tpu.memref_slice %arg2[%dma_start3A_227, %dma_start3A_228] : memref<10000x128xf32, #tpu.memory_space<hbm>> -> memref<10000x128xf32, #tpu.memory_space<hbm>>
        tpu.enqueue_indirect_dma source(%dma_start3A_229 : memref<10000x128xf32, #tpu.memory_space<hbm>>) target(%arg18 : memref<80x128xf32, #tpu.memory_space<vmem>>) offsets(%arg10 : memref<80xi32, #tpu.memory_space<vmem>>) semaphore(%arg27 : memref<!tpu.dma_semaphore, #tpu.memory_space<semaphore_mem>>)
      } else {
      }
    }
    %scan3A_87 = arith.constant 31 : i32
    %dma_wait3A_88 = arith.constant 0 : i32
    %dma_wait3A_89 = arith.constant 0 : i32
    %dma_wait3A_90 = tpu.memref_slice %arg2[%dma_wait3A_88, %dma_wait3A_89] : memref<10000x128xf32, #tpu.memory_space<hbm>> -> memref<10000x128xf32, #tpu.memory_space<hbm>>
    tpu.wait_indirect_dma semaphore(%arg24 : memref<!tpu.dma_semaphore, #tpu.memory_space<semaphore_mem>>) src(%dma_wait3A_90 : memref<10000x128xf32, #tpu.memory_space<hbm>>) dst(%arg15 : memref<80x128xf32, #tpu.memory_space<vmem>>)
    %dma_start3A_91 = arith.constant 0 : i32
    %dma_start3A_92 = arith.constant 0 : i32
    %dma_start3A_93 = tpu.memref_slice %arg19[%dma_start3A_91, %dma_start3A_92] : memref<10000x128xf32, #tpu.memory_space<vmem_shared>> -> memref<10000x128xf32, #tpu.memory_space<vmem_shared>>
    tpu.enqueue_indirect_dma source(%arg15 : memref<80x128xf32, #tpu.memory_space<vmem>>) target(%dma_start3A_93 : memref<10000x128xf32, #tpu.memory_space<vmem_shared>>) offsets(%arg11 : memref<80xi32, #tpu.memory_space<vmem>>) semaphore(%arg28 : memref<!tpu.dma_semaphore, #tpu.memory_space<semaphore_mem>>) {add = true}
    %dma_wait3A_94 = arith.constant 0 : i32
    %dma_wait3A_95 = arith.constant 0 : i32
    %dma_wait3A_96 = tpu.memref_slice %arg19[%dma_wait3A_94, %dma_wait3A_95] : memref<10000x128xf32, #tpu.memory_space<vmem_shared>> -> memref<10000x128xf32, #tpu.memory_space<vmem_shared>>
    tpu.wait_indirect_dma semaphore(%arg28 : memref<!tpu.dma_semaphore, #tpu.memory_space<semaphore_mem>>) src(%arg15 : memref<80x128xf32, #tpu.memory_space<vmem>>) dst(%dma_wait3A_96 : memref<10000x128xf32, #tpu.memory_space<vmem_shared>>)
    %barrier3A_97 = arith.constant 0 : index
    tpu.barrier barrier_id(%barrier3A_97)
    %mul3A_98 = arith.constant 624 : i32
    %mul3A_99 = arith.muli %arg1, %mul3A_98 : i32
    %mul3A_100 = arith.constant 624 : i32
    %mul3A_101 = arith.muli %arg1, %mul3A_100 : i32
    "tpu.region"() ({
      %run_scoped3A = tpu.sem_alloc : memref<!tpu.dma_semaphore, #tpu.memory_space<semaphore_mem>>
      %dma_start3A_107 = arith.constant 0 : i32
      %dma_start3A_108 = tpu.memref_slice %arg6[%arg0, %mul3A_101, %dma_start3A_107] : memref<2x10000x128xf32, #tpu.memory_space<hbm>> -> memref<1x624x128xf32, #tpu.memory_space<hbm>>
      %dma_start3A_109 = tpu.memref_squeeze %dma_start3A_108 : memref<1x624x128xf32, #tpu.memory_space<hbm>> -> memref<624x128xf32, #tpu.memory_space<hbm>>
      %dma_start3A_110 = arith.constant 0 : i32
      %dma_start3A_111 = tpu.memref_slice %arg19[%mul3A_99, %dma_start3A_110] : memref<10000x128xf32, #tpu.memory_space<vmem_shared>> -> memref<624x128xf32, #tpu.memory_space<vmem_shared>>
      tpu.enqueue_dma source(%dma_start3A_111 : memref<624x128xf32, #tpu.memory_space<vmem_shared>>) target(%dma_start3A_109 : memref<624x128xf32, #tpu.memory_space<hbm>>) target_semaphore(%run_scoped3A : memref<!tpu.dma_semaphore, #tpu.memory_space<semaphore_mem>>)
      %dma_wait3A_112 = arith.constant 0 : i32
      %dma_wait3A_113 = tpu.memref_slice %arg6[%arg0, %mul3A_101, %dma_wait3A_112] : memref<2x10000x128xf32, #tpu.memory_space<hbm>> -> memref<1x624x128xf32, #tpu.memory_space<hbm>>
      %dma_wait3A_114 = tpu.memref_squeeze %dma_wait3A_113 : memref<1x624x128xf32, #tpu.memory_space<hbm>> -> memref<624x128xf32, #tpu.memory_space<hbm>>
      %dma_wait3A_115 = arith.constant 0 : i32
      %dma_wait3A_116 = tpu.memref_slice %arg19[%mul3A_99, %dma_wait3A_115] : memref<10000x128xf32, #tpu.memory_space<vmem_shared>> -> memref<624x128xf32, #tpu.memory_space<vmem_shared>>
      tpu.wait_dma2 semaphore(%run_scoped3A : memref<!tpu.dma_semaphore, #tpu.memory_space<semaphore_mem>>) src(%dma_wait3A_116 : memref<624x128xf32, #tpu.memory_space<vmem_shared>>) dst(%dma_wait3A_114 : memref<624x128xf32, #tpu.memory_space<hbm>>)
      tpu.yield
    }) : () -> ()
    %eq3A_102 = arith.constant 15 : i32
    %eq3A_103 = arith.cmpi eq, %arg1, %eq3A_102 : i32
    %convert_element_type3A_104 = arith.extui %eq3A_103 : i1 to i32
    %cond3A_105 = arith.constant 0 : i32
    %cond3A_106 = arith.cmpi ne, %convert_element_type3A_104, %cond3A_105 : i32
    scf.if %cond3A_106 {
      "tpu.region"() ({
        %run_scoped3A = tpu.sem_alloc : memref<!tpu.dma_semaphore, #tpu.memory_space<semaphore_mem>>
        %dma_start3A_107 = arith.constant 9984 : i32
        %dma_start3A_108 = arith.constant 0 : i32
        %dma_start3A_109 = tpu.memref_slice %arg6[%arg0, %dma_start3A_107, %dma_start3A_108] : memref<2x10000x128xf32, #tpu.memory_space<hbm>> -> memref<1x16x128xf32, #tpu.memory_space<hbm>>
        %dma_start3A_110 = tpu.memref_squeeze %dma_start3A_109 : memref<1x16x128xf32, #tpu.memory_space<hbm>> -> memref<16x128xf32, #tpu.memory_space<hbm>>
        %dma_start3A_111 = arith.constant 9984 : i32
        %dma_start3A_112 = arith.constant 0 : i32
        %dma_start3A_113 = tpu.memref_slice %arg19[%dma_start3A_111, %dma_start3A_112] : memref<10000x128xf32, #tpu.memory_space<vmem_shared>> -> memref<16x128xf32, #tpu.memory_space<vmem_shared>>
        tpu.enqueue_dma source(%dma_start3A_113 : memref<16x128xf32, #tpu.memory_space<vmem_shared>>) target(%dma_start3A_110 : memref<16x128xf32, #tpu.memory_space<hbm>>) target_semaphore(%run_scoped3A : memref<!tpu.dma_semaphore, #tpu.memory_space<semaphore_mem>>)
        %dma_wait3A_114 = arith.constant 9984 : i32
        %dma_wait3A_115 = arith.constant 0 : i32
        %dma_wait3A_116 = tpu.memref_slice %arg6[%arg0, %dma_wait3A_114, %dma_wait3A_115] : memref<2x10000x128xf32, #tpu.memory_space<hbm>> -> memref<1x16x128xf32, #tpu.memory_space<hbm>>
        %dma_wait3A_117 = tpu.memref_squeeze %dma_wait3A_116 : memref<1x16x128xf32, #tpu.memory_space<hbm>> -> memref<16x128xf32, #tpu.memory_space<hbm>>
        %dma_wait3A_118 = arith.constant 9984 : i32
        %dma_wait3A_119 = arith.constant 0 : i32
        %dma_wait3A_120 = tpu.memref_slice %arg19[%dma_wait3A_118, %dma_wait3A_119] : memref<10000x128xf32, #tpu.memory_space<vmem_shared>> -> memref<16x128xf32, #tpu.memory_space<vmem_shared>>
        tpu.wait_dma2 semaphore(%run_scoped3A : memref<!tpu.dma_semaphore, #tpu.memory_space<semaphore_mem>>) src(%dma_wait3A_120 : memref<16x128xf32, #tpu.memory_space<vmem_shared>>) dst(%dma_wait3A_117 : memref<16x128xf32, #tpu.memory_space<hbm>>)
        tpu.yield
      }) : () -> ()
    } else {
    }
    return
  }
}

#map = affine_map<(d0, d1) -> (0, 0)>
#map1 = affine_map<(d0, d1) -> (0)>
#map2 = affine_map<(d0, d1) -> (0, 0, 0)>
module attributes {stable_mosaic.version = 14 : i64} {
  func.func @sc_he(%arg0: i32, %arg1: i32, %arg2: memref<320000x128xf32, #tpu.memory_space<hbm>>, %arg3: memref<320000xi32, #tpu.memory_space<hbm>>, %arg4: memref<10000x128xf32, #tpu.memory_space<hbm>>, %arg5: memref<2x10000x128xf32, #tpu.memory_space<hbm>>, %arg6: memref<80xi32, #tpu.memory_space<vmem>>, %arg7: memref<80xi32, #tpu.memory_space<vmem>>, %arg8: memref<80xi32, #tpu.memory_space<vmem>>, %arg9: memref<80xi32, #tpu.memory_space<vmem>>, %arg10: memref<80x128xf32, #tpu.memory_space<vmem>>, %arg11: memref<80x128xf32, #tpu.memory_space<vmem>>, %arg12: memref<80x128xf32, #tpu.memory_space<vmem>>, %arg13: memref<80x128xf32, #tpu.memory_space<vmem>>, %arg14: memref<10000x128xf32, #tpu.memory_space<vmem_shared>>, %arg15: memref<!tpu.dma_semaphore, #tpu.memory_space<semaphore_mem>>, %arg16: memref<!tpu.dma_semaphore, #tpu.memory_space<semaphore_mem>>, %arg17: memref<!tpu.dma_semaphore, #tpu.memory_space<semaphore_mem>>, %arg18: memref<!tpu.dma_semaphore, #tpu.memory_space<semaphore_mem>>, %arg19: memref<!tpu.dma_semaphore, #tpu.memory_space<semaphore_mem>>, %arg20: memref<!tpu.dma_semaphore, #tpu.memory_space<semaphore_mem>>, %arg21: memref<!tpu.dma_semaphore, #tpu.memory_space<semaphore_mem>>, %arg22: memref<!tpu.dma_semaphore, #tpu.memory_space<semaphore_mem>>, %arg23: memref<!tpu.dma_semaphore, #tpu.memory_space<semaphore_mem>>, %arg24: memref<!tpu.dma_semaphore, #tpu.memory_space<semaphore_mem>>, %arg25: memref<!tpu.dma_semaphore, #tpu.memory_space<semaphore_mem>>, %arg26: memref<!tpu.dma_semaphore, #tpu.memory_space<semaphore_mem>>) attributes {dimension_semantics = [#tpu.dimension_semantics<core_parallel>, #tpu.dimension_semantics<subcore_parallel>], iteration_bounds = array<i64: 2, 16>, scalar_prefetch = 0 : i64, scratch_operands = 21 : i64, tpu.core_type = #tpu.core_type<sc_vector_subcore>, window_params = [{transform_indices = #map}, {transform_indices = #map1}, {transform_indices = #map}, {transform_indices = #map2}]} {
    %mul3A = arith.constant 16 : i32
    %mul3A_0 = arith.muli %arg0, %mul3A : i32
    %add3A = arith.addi %mul3A_0, %arg1 : i32
    %mul3A_1 = arith.constant 10000 : i32
    %mul3A_2 = arith.muli %add3A, %mul3A_1 : i32
    %mul3A_3 = arith.constant 624 : i32
    %mul3A_4 = arith.muli %arg1, %mul3A_3 : i32
    %mul3A_5 = arith.constant 624 : i32
    %mul3A_6 = arith.muli %arg1, %mul3A_5 : i32
    "tpu.region"() ({
      %run_scoped3A = tpu.sem_alloc : memref<!tpu.dma_semaphore, #tpu.memory_space<semaphore_mem>>
      %dma_start3A_90 = arith.constant 0 : i32
      %dma_start3A_91 = tpu.memref_slice %arg14[%mul3A_6, %dma_start3A_90] : memref<10000x128xf32, #tpu.memory_space<vmem_shared>> -> memref<624x128xf32, #tpu.memory_space<vmem_shared>>
      %dma_start3A_92 = arith.constant 0 : i32
      %dma_start3A_93 = tpu.memref_slice %arg4[%mul3A_4, %dma_start3A_92] : memref<10000x128xf32, #tpu.memory_space<hbm>> -> memref<624x128xf32, #tpu.memory_space<hbm>>
      tpu.enqueue_dma source(%dma_start3A_93 : memref<624x128xf32, #tpu.memory_space<hbm>>) target(%dma_start3A_91 : memref<624x128xf32, #tpu.memory_space<vmem_shared>>) target_semaphore(%run_scoped3A : memref<!tpu.dma_semaphore, #tpu.memory_space<semaphore_mem>>)
      %dma_wait3A_94 = arith.constant 0 : i32
      %dma_wait3A_95 = tpu.memref_slice %arg14[%mul3A_6, %dma_wait3A_94] : memref<10000x128xf32, #tpu.memory_space<vmem_shared>> -> memref<624x128xf32, #tpu.memory_space<vmem_shared>>
      %dma_wait3A_96 = arith.constant 0 : i32
      %dma_wait3A_97 = tpu.memref_slice %arg4[%mul3A_4, %dma_wait3A_96] : memref<10000x128xf32, #tpu.memory_space<hbm>> -> memref<624x128xf32, #tpu.memory_space<hbm>>
      tpu.wait_dma2 semaphore(%run_scoped3A : memref<!tpu.dma_semaphore, #tpu.memory_space<semaphore_mem>>) src(%dma_wait3A_97 : memref<624x128xf32, #tpu.memory_space<hbm>>) dst(%dma_wait3A_95 : memref<624x128xf32, #tpu.memory_space<vmem_shared>>)
      tpu.yield
    }) : () -> ()
    %eq3A = arith.constant 15 : i32
    %eq3A_7 = arith.cmpi eq, %arg1, %eq3A : i32
    %convert_element_type3A = arith.extui %eq3A_7 : i1 to i32
    %cond3A = arith.constant 0 : i32
    %cond3A_8 = arith.cmpi ne, %convert_element_type3A, %cond3A : i32
    scf.if %cond3A_8 {
      "tpu.region"() ({
        %run_scoped3A = tpu.sem_alloc : memref<!tpu.dma_semaphore, #tpu.memory_space<semaphore_mem>>
        %dma_start3A_90 = arith.constant 9984 : i32
        %dma_start3A_91 = arith.constant 0 : i32
        %dma_start3A_92 = tpu.memref_slice %arg14[%dma_start3A_90, %dma_start3A_91] : memref<10000x128xf32, #tpu.memory_space<vmem_shared>> -> memref<16x128xf32, #tpu.memory_space<vmem_shared>>
        %dma_start3A_93 = arith.constant 9984 : i32
        %dma_start3A_94 = arith.constant 0 : i32
        %dma_start3A_95 = tpu.memref_slice %arg4[%dma_start3A_93, %dma_start3A_94] : memref<10000x128xf32, #tpu.memory_space<hbm>> -> memref<16x128xf32, #tpu.memory_space<hbm>>
        tpu.enqueue_dma source(%dma_start3A_95 : memref<16x128xf32, #tpu.memory_space<hbm>>) target(%dma_start3A_92 : memref<16x128xf32, #tpu.memory_space<vmem_shared>>) target_semaphore(%run_scoped3A : memref<!tpu.dma_semaphore, #tpu.memory_space<semaphore_mem>>)
        %dma_wait3A_96 = arith.constant 9984 : i32
        %dma_wait3A_97 = arith.constant 0 : i32
        %dma_wait3A_98 = tpu.memref_slice %arg14[%dma_wait3A_96, %dma_wait3A_97] : memref<10000x128xf32, #tpu.memory_space<vmem_shared>> -> memref<16x128xf32, #tpu.memory_space<vmem_shared>>
        %dma_wait3A_99 = arith.constant 9984 : i32
        %dma_wait3A_100 = arith.constant 0 : i32
        %dma_wait3A_101 = tpu.memref_slice %arg4[%dma_wait3A_99, %dma_wait3A_100] : memref<10000x128xf32, #tpu.memory_space<hbm>> -> memref<16x128xf32, #tpu.memory_space<hbm>>
        tpu.wait_dma2 semaphore(%run_scoped3A : memref<!tpu.dma_semaphore, #tpu.memory_space<semaphore_mem>>) src(%dma_wait3A_101 : memref<16x128xf32, #tpu.memory_space<hbm>>) dst(%dma_wait3A_98 : memref<16x128xf32, #tpu.memory_space<vmem_shared>>)
        tpu.yield
      }) : () -> ()
    } else {
    }
    %barrier3A = arith.constant 0 : index
    tpu.barrier barrier_id(%barrier3A)
    %add3A_9 = arith.constant 0 : i32
    %add3A_10 = arith.addi %mul3A_2, %add3A_9 : i32
    %dma_start3A = tpu.memref_slice %arg3[%add3A_10] : memref<320000xi32, #tpu.memory_space<hbm>> -> memref<80xi32, #tpu.memory_space<hbm>>
    %dma_start3A_11 = tpu.memref_slice %arg3[%add3A_10] : memref<320000xi32, #tpu.memory_space<hbm>> -> memref<80xi32, #tpu.memory_space<hbm>>
    tpu.enqueue_dma source(%dma_start3A_11 : memref<80xi32, #tpu.memory_space<hbm>>) target(%arg6 : memref<80xi32, #tpu.memory_space<vmem>>) target_semaphore(%arg15 : memref<!tpu.dma_semaphore, #tpu.memory_space<semaphore_mem>>)
    %add3A_12 = arith.constant 0 : i32
    %add3A_13 = arith.addi %mul3A_2, %add3A_12 : i32
    %dma_start3A_14 = arith.constant 0 : i32
    %dma_start3A_15 = tpu.memref_slice %arg2[%add3A_13, %dma_start3A_14] : memref<320000x128xf32, #tpu.memory_space<hbm>> -> memref<80x128xf32, #tpu.memory_space<hbm>>
    %dma_start3A_16 = arith.constant 0 : i32
    %dma_start3A_17 = tpu.memref_slice %arg2[%add3A_13, %dma_start3A_16] : memref<320000x128xf32, #tpu.memory_space<hbm>> -> memref<80x128xf32, #tpu.memory_space<hbm>>
    tpu.enqueue_dma source(%dma_start3A_17 : memref<80x128xf32, #tpu.memory_space<hbm>>) target(%arg10 : memref<80x128xf32, #tpu.memory_space<vmem>>) target_semaphore(%arg19 : memref<!tpu.dma_semaphore, #tpu.memory_space<semaphore_mem>>)
    %add3A_18 = arith.constant 80 : i32
    %add3A_19 = arith.addi %mul3A_2, %add3A_18 : i32
    %dma_start3A_20 = tpu.memref_slice %arg3[%add3A_19] : memref<320000xi32, #tpu.memory_space<hbm>> -> memref<80xi32, #tpu.memory_space<hbm>>
    %dma_start3A_21 = tpu.memref_slice %arg3[%add3A_19] : memref<320000xi32, #tpu.memory_space<hbm>> -> memref<80xi32, #tpu.memory_space<hbm>>
    tpu.enqueue_dma source(%dma_start3A_21 : memref<80xi32, #tpu.memory_space<hbm>>) target(%arg7 : memref<80xi32, #tpu.memory_space<vmem>>) target_semaphore(%arg16 : memref<!tpu.dma_semaphore, #tpu.memory_space<semaphore_mem>>)
    %add3A_22 = arith.constant 80 : i32
    %add3A_23 = arith.addi %mul3A_2, %add3A_22 : i32
    %dma_start3A_24 = arith.constant 0 : i32
    %dma_start3A_25 = tpu.memref_slice %arg2[%add3A_23, %dma_start3A_24] : memref<320000x128xf32, #tpu.memory_space<hbm>> -> memref<80x128xf32, #tpu.memory_space<hbm>>
    %dma_start3A_26 = arith.constant 0 : i32
    %dma_start3A_27 = tpu.memref_slice %arg2[%add3A_23, %dma_start3A_26] : memref<320000x128xf32, #tpu.memory_space<hbm>> -> memref<80x128xf32, #tpu.memory_space<hbm>>
    tpu.enqueue_dma source(%dma_start3A_27 : memref<80x128xf32, #tpu.memory_space<hbm>>) target(%arg11 : memref<80x128xf32, #tpu.memory_space<vmem>>) target_semaphore(%arg20 : memref<!tpu.dma_semaphore, #tpu.memory_space<semaphore_mem>>)
    %add3A_28 = arith.constant 160 : i32
    %add3A_29 = arith.addi %mul3A_2, %add3A_28 : i32
    %dma_start3A_30 = tpu.memref_slice %arg3[%add3A_29] : memref<320000xi32, #tpu.memory_space<hbm>> -> memref<80xi32, #tpu.memory_space<hbm>>
    %dma_start3A_31 = tpu.memref_slice %arg3[%add3A_29] : memref<320000xi32, #tpu.memory_space<hbm>> -> memref<80xi32, #tpu.memory_space<hbm>>
    tpu.enqueue_dma source(%dma_start3A_31 : memref<80xi32, #tpu.memory_space<hbm>>) target(%arg8 : memref<80xi32, #tpu.memory_space<vmem>>) target_semaphore(%arg17 : memref<!tpu.dma_semaphore, #tpu.memory_space<semaphore_mem>>)
    %add3A_32 = arith.constant 160 : i32
    %add3A_33 = arith.addi %mul3A_2, %add3A_32 : i32
    %dma_start3A_34 = arith.constant 0 : i32
    %dma_start3A_35 = tpu.memref_slice %arg2[%add3A_33, %dma_start3A_34] : memref<320000x128xf32, #tpu.memory_space<hbm>> -> memref<80x128xf32, #tpu.memory_space<hbm>>
    %dma_start3A_36 = arith.constant 0 : i32
    %dma_start3A_37 = tpu.memref_slice %arg2[%add3A_33, %dma_start3A_36] : memref<320000x128xf32, #tpu.memory_space<hbm>> -> memref<80x128xf32, #tpu.memory_space<hbm>>
    tpu.enqueue_dma source(%dma_start3A_37 : memref<80x128xf32, #tpu.memory_space<hbm>>) target(%arg12 : memref<80x128xf32, #tpu.memory_space<vmem>>) target_semaphore(%arg21 : memref<!tpu.dma_semaphore, #tpu.memory_space<semaphore_mem>>)
    %add3A_38 = arith.constant 240 : i32
    %add3A_39 = arith.addi %mul3A_2, %add3A_38 : i32
    %dma_start3A_40 = tpu.memref_slice %arg3[%add3A_39] : memref<320000xi32, #tpu.memory_space<hbm>> -> memref<80xi32, #tpu.memory_space<hbm>>
    %dma_start3A_41 = tpu.memref_slice %arg3[%add3A_39] : memref<320000xi32, #tpu.memory_space<hbm>> -> memref<80xi32, #tpu.memory_space<hbm>>
    tpu.enqueue_dma source(%dma_start3A_41 : memref<80xi32, #tpu.memory_space<hbm>>) target(%arg9 : memref<80xi32, #tpu.memory_space<vmem>>) target_semaphore(%arg18 : memref<!tpu.dma_semaphore, #tpu.memory_space<semaphore_mem>>)
    %add3A_42 = arith.constant 240 : i32
    %add3A_43 = arith.addi %mul3A_2, %add3A_42 : i32
    %dma_start3A_44 = arith.constant 0 : i32
    %dma_start3A_45 = tpu.memref_slice %arg2[%add3A_43, %dma_start3A_44] : memref<320000x128xf32, #tpu.memory_space<hbm>> -> memref<80x128xf32, #tpu.memory_space<hbm>>
    %dma_start3A_46 = arith.constant 0 : i32
    %dma_start3A_47 = tpu.memref_slice %arg2[%add3A_43, %dma_start3A_46] : memref<320000x128xf32, #tpu.memory_space<hbm>> -> memref<80x128xf32, #tpu.memory_space<hbm>>
    tpu.enqueue_dma source(%dma_start3A_47 : memref<80x128xf32, #tpu.memory_space<hbm>>) target(%arg13 : memref<80x128xf32, #tpu.memory_space<vmem>>) target_semaphore(%arg22 : memref<!tpu.dma_semaphore, #tpu.memory_space<semaphore_mem>>)
    %add3A_48 = arith.constant 0 : i32
    %add3A_49 = arith.addi %mul3A_2, %add3A_48 : i32
    %dma_wait3A = tpu.memref_slice %arg3[%add3A_49] : memref<320000xi32, #tpu.memory_space<hbm>> -> memref<80xi32, #tpu.memory_space<hbm>>
    %dma_wait3A_50 = tpu.memref_slice %arg3[%add3A_49] : memref<320000xi32, #tpu.memory_space<hbm>> -> memref<80xi32, #tpu.memory_space<hbm>>
    tpu.wait_dma2 semaphore(%arg15 : memref<!tpu.dma_semaphore, #tpu.memory_space<semaphore_mem>>) src(%dma_wait3A_50 : memref<80xi32, #tpu.memory_space<hbm>>) dst(%arg6 : memref<80xi32, #tpu.memory_space<vmem>>)
    %add3A_51 = arith.constant 80 : i32
    %add3A_52 = arith.addi %mul3A_2, %add3A_51 : i32
    %dma_wait3A_53 = tpu.memref_slice %arg3[%add3A_52] : memref<320000xi32, #tpu.memory_space<hbm>> -> memref<80xi32, #tpu.memory_space<hbm>>
    %dma_wait3A_54 = tpu.memref_slice %arg3[%add3A_52] : memref<320000xi32, #tpu.memory_space<hbm>> -> memref<80xi32, #tpu.memory_space<hbm>>
    tpu.wait_dma2 semaphore(%arg16 : memref<!tpu.dma_semaphore, #tpu.memory_space<semaphore_mem>>) src(%dma_wait3A_54 : memref<80xi32, #tpu.memory_space<hbm>>) dst(%arg7 : memref<80xi32, #tpu.memory_space<vmem>>)
    %add3A_55 = arith.constant 160 : i32
    %add3A_56 = arith.addi %mul3A_2, %add3A_55 : i32
    %dma_wait3A_57 = tpu.memref_slice %arg3[%add3A_56] : memref<320000xi32, #tpu.memory_space<hbm>> -> memref<80xi32, #tpu.memory_space<hbm>>
    %dma_wait3A_58 = tpu.memref_slice %arg3[%add3A_56] : memref<320000xi32, #tpu.memory_space<hbm>> -> memref<80xi32, #tpu.memory_space<hbm>>
    tpu.wait_dma2 semaphore(%arg17 : memref<!tpu.dma_semaphore, #tpu.memory_space<semaphore_mem>>) src(%dma_wait3A_58 : memref<80xi32, #tpu.memory_space<hbm>>) dst(%arg8 : memref<80xi32, #tpu.memory_space<vmem>>)
    %add3A_59 = arith.constant 240 : i32
    %add3A_60 = arith.addi %mul3A_2, %add3A_59 : i32
    %dma_wait3A_61 = tpu.memref_slice %arg3[%add3A_60] : memref<320000xi32, #tpu.memory_space<hbm>> -> memref<80xi32, #tpu.memory_space<hbm>>
    %dma_wait3A_62 = tpu.memref_slice %arg3[%add3A_60] : memref<320000xi32, #tpu.memory_space<hbm>> -> memref<80xi32, #tpu.memory_space<hbm>>
    tpu.wait_dma2 semaphore(%arg18 : memref<!tpu.dma_semaphore, #tpu.memory_space<semaphore_mem>>) src(%dma_wait3A_62 : memref<80xi32, #tpu.memory_space<hbm>>) dst(%arg9 : memref<80xi32, #tpu.memory_space<vmem>>)
    %scan3A = arith.constant 0 : i32
    %scan3A_63 = arith.constant 0 : i32
    %scan3A_64 = arith.constant 31 : i32
    %scan3A_65 = arith.addi %scan3A_63, %scan3A_64 : i32
    %scan3A_66 = arith.constant 1 : i32
    scf.for %scan3A_90 = %scan3A_63 to %scan3A_65 step %scan3A_66  : i32 {
      %mul3A_91 = arith.constant 4 : i32
      %mul3A_92 = arith.muli %mul3A_91, %scan3A_90 : i32
      %add3A_93 = arith.constant 0 : i32
      %add3A_94 = arith.addi %mul3A_92, %add3A_93 : i32
      %mul3A_95 = arith.constant 80 : i32
      %mul3A_96 = arith.muli %add3A_94, %mul3A_95 : i32
      %add3A_97 = arith.addi %mul3A_2, %mul3A_96 : i32
      %dma_wait3A_98 = arith.constant 0 : i32
      %dma_wait3A_99 = tpu.memref_slice %arg2[%add3A_97, %dma_wait3A_98] : memref<320000x128xf32, #tpu.memory_space<hbm>> -> memref<80x128xf32, #tpu.memory_space<hbm>>
      %dma_wait3A_100 = arith.constant 0 : i32
      %dma_wait3A_101 = tpu.memref_slice %arg2[%add3A_97, %dma_wait3A_100] : memref<320000x128xf32, #tpu.memory_space<hbm>> -> memref<80x128xf32, #tpu.memory_space<hbm>>
      tpu.wait_dma2 semaphore(%arg19 : memref<!tpu.dma_semaphore, #tpu.memory_space<semaphore_mem>>) src(%dma_wait3A_101 : memref<80x128xf32, #tpu.memory_space<hbm>>) dst(%arg10 : memref<80x128xf32, #tpu.memory_space<vmem>>)
      %dma_start3A_102 = arith.constant 0 : i32
      %dma_start3A_103 = arith.constant 0 : i32
      %dma_start3A_104 = tpu.memref_slice %arg14[%dma_start3A_102, %dma_start3A_103] : memref<10000x128xf32, #tpu.memory_space<vmem_shared>> -> memref<10000x128xf32, #tpu.memory_space<vmem_shared>>
      tpu.enqueue_indirect_dma source(%arg10 : memref<80x128xf32, #tpu.memory_space<vmem>>) target(%dma_start3A_104 : memref<10000x128xf32, #tpu.memory_space<vmem_shared>>) offsets(%arg6 : memref<80xi32, #tpu.memory_space<vmem>>) semaphore(%arg23 : memref<!tpu.dma_semaphore, #tpu.memory_space<semaphore_mem>>) {add = true}
      %add3A_105 = arith.constant 1 : i32
      %add3A_106 = arith.addi %mul3A_92, %add3A_105 : i32
      %mul3A_107 = arith.constant 80 : i32
      %mul3A_108 = arith.muli %add3A_106, %mul3A_107 : i32
      %add3A_109 = arith.addi %mul3A_2, %mul3A_108 : i32
      %dma_wait3A_110 = arith.constant 0 : i32
      %dma_wait3A_111 = tpu.memref_slice %arg2[%add3A_109, %dma_wait3A_110] : memref<320000x128xf32, #tpu.memory_space<hbm>> -> memref<80x128xf32, #tpu.memory_space<hbm>>
      %dma_wait3A_112 = arith.constant 0 : i32
      %dma_wait3A_113 = tpu.memref_slice %arg2[%add3A_109, %dma_wait3A_112] : memref<320000x128xf32, #tpu.memory_space<hbm>> -> memref<80x128xf32, #tpu.memory_space<hbm>>
      tpu.wait_dma2 semaphore(%arg20 : memref<!tpu.dma_semaphore, #tpu.memory_space<semaphore_mem>>) src(%dma_wait3A_113 : memref<80x128xf32, #tpu.memory_space<hbm>>) dst(%arg11 : memref<80x128xf32, #tpu.memory_space<vmem>>)
      %dma_start3A_114 = arith.constant 0 : i32
      %dma_start3A_115 = arith.constant 0 : i32
      %dma_start3A_116 = tpu.memref_slice %arg14[%dma_start3A_114, %dma_start3A_115] : memref<10000x128xf32, #tpu.memory_space<vmem_shared>> -> memref<10000x128xf32, #tpu.memory_space<vmem_shared>>
      tpu.enqueue_indirect_dma source(%arg11 : memref<80x128xf32, #tpu.memory_space<vmem>>) target(%dma_start3A_116 : memref<10000x128xf32, #tpu.memory_space<vmem_shared>>) offsets(%arg7 : memref<80xi32, #tpu.memory_space<vmem>>) semaphore(%arg24 : memref<!tpu.dma_semaphore, #tpu.memory_space<semaphore_mem>>) {add = true}
      %add3A_117 = arith.constant 2 : i32
      %add3A_118 = arith.addi %mul3A_92, %add3A_117 : i32
      %mul3A_119 = arith.constant 80 : i32
      %mul3A_120 = arith.muli %add3A_118, %mul3A_119 : i32
      %add3A_121 = arith.addi %mul3A_2, %mul3A_120 : i32
      %dma_wait3A_122 = arith.constant 0 : i32
      %dma_wait3A_123 = tpu.memref_slice %arg2[%add3A_121, %dma_wait3A_122] : memref<320000x128xf32, #tpu.memory_space<hbm>> -> memref<80x128xf32, #tpu.memory_space<hbm>>
      %dma_wait3A_124 = arith.constant 0 : i32
      %dma_wait3A_125 = tpu.memref_slice %arg2[%add3A_121, %dma_wait3A_124] : memref<320000x128xf32, #tpu.memory_space<hbm>> -> memref<80x128xf32, #tpu.memory_space<hbm>>
      tpu.wait_dma2 semaphore(%arg21 : memref<!tpu.dma_semaphore, #tpu.memory_space<semaphore_mem>>) src(%dma_wait3A_125 : memref<80x128xf32, #tpu.memory_space<hbm>>) dst(%arg12 : memref<80x128xf32, #tpu.memory_space<vmem>>)
      %dma_start3A_126 = arith.constant 0 : i32
      %dma_start3A_127 = arith.constant 0 : i32
      %dma_start3A_128 = tpu.memref_slice %arg14[%dma_start3A_126, %dma_start3A_127] : memref<10000x128xf32, #tpu.memory_space<vmem_shared>> -> memref<10000x128xf32, #tpu.memory_space<vmem_shared>>
      tpu.enqueue_indirect_dma source(%arg12 : memref<80x128xf32, #tpu.memory_space<vmem>>) target(%dma_start3A_128 : memref<10000x128xf32, #tpu.memory_space<vmem_shared>>) offsets(%arg8 : memref<80xi32, #tpu.memory_space<vmem>>) semaphore(%arg25 : memref<!tpu.dma_semaphore, #tpu.memory_space<semaphore_mem>>) {add = true}
      %add3A_129 = arith.constant 3 : i32
      %add3A_130 = arith.addi %mul3A_92, %add3A_129 : i32
      %mul3A_131 = arith.constant 80 : i32
      %mul3A_132 = arith.muli %add3A_130, %mul3A_131 : i32
      %add3A_133 = arith.addi %mul3A_2, %mul3A_132 : i32
      %dma_wait3A_134 = arith.constant 0 : i32
      %dma_wait3A_135 = tpu.memref_slice %arg2[%add3A_133, %dma_wait3A_134] : memref<320000x128xf32, #tpu.memory_space<hbm>> -> memref<80x128xf32, #tpu.memory_space<hbm>>
      %dma_wait3A_136 = arith.constant 0 : i32
      %dma_wait3A_137 = tpu.memref_slice %arg2[%add3A_133, %dma_wait3A_136] : memref<320000x128xf32, #tpu.memory_space<hbm>> -> memref<80x128xf32, #tpu.memory_space<hbm>>
      tpu.wait_dma2 semaphore(%arg22 : memref<!tpu.dma_semaphore, #tpu.memory_space<semaphore_mem>>) src(%dma_wait3A_137 : memref<80x128xf32, #tpu.memory_space<hbm>>) dst(%arg13 : memref<80x128xf32, #tpu.memory_space<vmem>>)
      %dma_start3A_138 = arith.constant 0 : i32
      %dma_start3A_139 = arith.constant 0 : i32
      %dma_start3A_140 = tpu.memref_slice %arg14[%dma_start3A_138, %dma_start3A_139] : memref<10000x128xf32, #tpu.memory_space<vmem_shared>> -> memref<10000x128xf32, #tpu.memory_space<vmem_shared>>
      tpu.enqueue_indirect_dma source(%arg13 : memref<80x128xf32, #tpu.memory_space<vmem>>) target(%dma_start3A_140 : memref<10000x128xf32, #tpu.memory_space<vmem_shared>>) offsets(%arg9 : memref<80xi32, #tpu.memory_space<vmem>>) semaphore(%arg26 : memref<!tpu.dma_semaphore, #tpu.memory_space<semaphore_mem>>) {add = true}
      %add3A_141 = arith.constant 4 : i32
      %add3A_142 = arith.addi %mul3A_92, %add3A_141 : i32
      %add3A_143 = arith.constant 0 : i32
      %add3A_144 = arith.addi %add3A_142, %add3A_143 : i32
      %dma_wait3A_145 = arith.constant 0 : i32
      %dma_wait3A_146 = arith.constant 0 : i32
      %dma_wait3A_147 = tpu.memref_slice %arg14[%dma_wait3A_145, %dma_wait3A_146] : memref<10000x128xf32, #tpu.memory_space<vmem_shared>> -> memref<10000x128xf32, #tpu.memory_space<vmem_shared>>
      tpu.wait_indirect_dma semaphore(%arg23 : memref<!tpu.dma_semaphore, #tpu.memory_space<semaphore_mem>>) src(%arg10 : memref<80x128xf32, #tpu.memory_space<vmem>>) dst(%dma_wait3A_147 : memref<10000x128xf32, #tpu.memory_space<vmem_shared>>)
      %lt3A = arith.constant 125 : i32
      %lt3A_148 = arith.cmpi slt, %add3A_144, %lt3A : i32
      %convert_element_type3A_149 = arith.extui %lt3A_148 : i1 to i32
      %cond3A_150 = arith.constant 0 : i32
      %cond3A_151 = arith.cmpi ne, %convert_element_type3A_149, %cond3A_150 : i32
      scf.if %cond3A_151 {
        %mul3A_224 = arith.constant 80 : i32
        %mul3A_225 = arith.muli %add3A_144, %mul3A_224 : i32
        %add3A_226 = arith.addi %mul3A_2, %mul3A_225 : i32
        %dma_start3A_227 = tpu.memref_slice %arg3[%add3A_226] : memref<320000xi32, #tpu.memory_space<hbm>> -> memref<80xi32, #tpu.memory_space<hbm>>
        %dma_start3A_228 = tpu.memref_slice %arg3[%add3A_226] : memref<320000xi32, #tpu.memory_space<hbm>> -> memref<80xi32, #tpu.memory_space<hbm>>
        tpu.enqueue_dma source(%dma_start3A_228 : memref<80xi32, #tpu.memory_space<hbm>>) target(%arg6 : memref<80xi32, #tpu.memory_space<vmem>>) target_semaphore(%arg15 : memref<!tpu.dma_semaphore, #tpu.memory_space<semaphore_mem>>)
        %mul3A_229 = arith.constant 80 : i32
        %mul3A_230 = arith.muli %add3A_144, %mul3A_229 : i32
        %add3A_231 = arith.addi %mul3A_2, %mul3A_230 : i32
        %dma_start3A_232 = arith.constant 0 : i32
        %dma_start3A_233 = tpu.memref_slice %arg2[%add3A_231, %dma_start3A_232] : memref<320000x128xf32, #tpu.memory_space<hbm>> -> memref<80x128xf32, #tpu.memory_space<hbm>>
        %dma_start3A_234 = arith.constant 0 : i32
        %dma_start3A_235 = tpu.memref_slice %arg2[%add3A_231, %dma_start3A_234] : memref<320000x128xf32, #tpu.memory_space<hbm>> -> memref<80x128xf32, #tpu.memory_space<hbm>>
        tpu.enqueue_dma source(%dma_start3A_235 : memref<80x128xf32, #tpu.memory_space<hbm>>) target(%arg10 : memref<80x128xf32, #tpu.memory_space<vmem>>) target_semaphore(%arg19 : memref<!tpu.dma_semaphore, #tpu.memory_space<semaphore_mem>>)
      } else {
      }
      %add3A_152 = arith.constant 4 : i32
      %add3A_153 = arith.addi %mul3A_92, %add3A_152 : i32
      %add3A_154 = arith.constant 1 : i32
      %add3A_155 = arith.addi %add3A_153, %add3A_154 : i32
      %dma_wait3A_156 = arith.constant 0 : i32
      %dma_wait3A_157 = arith.constant 0 : i32
      %dma_wait3A_158 = tpu.memref_slice %arg14[%dma_wait3A_156, %dma_wait3A_157] : memref<10000x128xf32, #tpu.memory_space<vmem_shared>> -> memref<10000x128xf32, #tpu.memory_space<vmem_shared>>
      tpu.wait_indirect_dma semaphore(%arg24 : memref<!tpu.dma_semaphore, #tpu.memory_space<semaphore_mem>>) src(%arg11 : memref<80x128xf32, #tpu.memory_space<vmem>>) dst(%dma_wait3A_158 : memref<10000x128xf32, #tpu.memory_space<vmem_shared>>)
      %lt3A_159 = arith.constant 125 : i32
      %lt3A_160 = arith.cmpi slt, %add3A_155, %lt3A_159 : i32
      %convert_element_type3A_161 = arith.extui %lt3A_160 : i1 to i32
      %cond3A_162 = arith.constant 0 : i32
      %cond3A_163 = arith.cmpi ne, %convert_element_type3A_161, %cond3A_162 : i32
      scf.if %cond3A_163 {
        %mul3A_224 = arith.constant 80 : i32
        %mul3A_225 = arith.muli %add3A_155, %mul3A_224 : i32
        %add3A_226 = arith.addi %mul3A_2, %mul3A_225 : i32
        %dma_start3A_227 = tpu.memref_slice %arg3[%add3A_226] : memref<320000xi32, #tpu.memory_space<hbm>> -> memref<80xi32, #tpu.memory_space<hbm>>
        %dma_start3A_228 = tpu.memref_slice %arg3[%add3A_226] : memref<320000xi32, #tpu.memory_space<hbm>> -> memref<80xi32, #tpu.memory_space<hbm>>
        tpu.enqueue_dma source(%dma_start3A_228 : memref<80xi32, #tpu.memory_space<hbm>>) target(%arg7 : memref<80xi32, #tpu.memory_space<vmem>>) target_semaphore(%arg16 : memref<!tpu.dma_semaphore, #tpu.memory_space<semaphore_mem>>)
        %mul3A_229 = arith.constant 80 : i32
        %mul3A_230 = arith.muli %add3A_155, %mul3A_229 : i32
        %add3A_231 = arith.addi %mul3A_2, %mul3A_230 : i32
        %dma_start3A_232 = arith.constant 0 : i32
        %dma_start3A_233 = tpu.memref_slice %arg2[%add3A_231, %dma_start3A_232] : memref<320000x128xf32, #tpu.memory_space<hbm>> -> memref<80x128xf32, #tpu.memory_space<hbm>>
        %dma_start3A_234 = arith.constant 0 : i32
        %dma_start3A_235 = tpu.memref_slice %arg2[%add3A_231, %dma_start3A_234] : memref<320000x128xf32, #tpu.memory_space<hbm>> -> memref<80x128xf32, #tpu.memory_space<hbm>>
        tpu.enqueue_dma source(%dma_start3A_235 : memref<80x128xf32, #tpu.memory_space<hbm>>) target(%arg11 : memref<80x128xf32, #tpu.memory_space<vmem>>) target_semaphore(%arg20 : memref<!tpu.dma_semaphore, #tpu.memory_space<semaphore_mem>>)
      } else {
      }
      %add3A_164 = arith.constant 4 : i32
      %add3A_165 = arith.addi %mul3A_92, %add3A_164 : i32
      %add3A_166 = arith.constant 2 : i32
      %add3A_167 = arith.addi %add3A_165, %add3A_166 : i32
      %dma_wait3A_168 = arith.constant 0 : i32
      %dma_wait3A_169 = arith.constant 0 : i32
      %dma_wait3A_170 = tpu.memref_slice %arg14[%dma_wait3A_168, %dma_wait3A_169] : memref<10000x128xf32, #tpu.memory_space<vmem_shared>> -> memref<10000x128xf32, #tpu.memory_space<vmem_shared>>
      tpu.wait_indirect_dma semaphore(%arg25 : memref<!tpu.dma_semaphore, #tpu.memory_space<semaphore_mem>>) src(%arg12 : memref<80x128xf32, #tpu.memory_space<vmem>>) dst(%dma_wait3A_170 : memref<10000x128xf32, #tpu.memory_space<vmem_shared>>)
      %lt3A_171 = arith.constant 125 : i32
      %lt3A_172 = arith.cmpi slt, %add3A_167, %lt3A_171 : i32
      %convert_element_type3A_173 = arith.extui %lt3A_172 : i1 to i32
      %cond3A_174 = arith.constant 0 : i32
      %cond3A_175 = arith.cmpi ne, %convert_element_type3A_173, %cond3A_174 : i32
      scf.if %cond3A_175 {
        %mul3A_224 = arith.constant 80 : i32
        %mul3A_225 = arith.muli %add3A_167, %mul3A_224 : i32
        %add3A_226 = arith.addi %mul3A_2, %mul3A_225 : i32
        %dma_start3A_227 = tpu.memref_slice %arg3[%add3A_226] : memref<320000xi32, #tpu.memory_space<hbm>> -> memref<80xi32, #tpu.memory_space<hbm>>
        %dma_start3A_228 = tpu.memref_slice %arg3[%add3A_226] : memref<320000xi32, #tpu.memory_space<hbm>> -> memref<80xi32, #tpu.memory_space<hbm>>
        tpu.enqueue_dma source(%dma_start3A_228 : memref<80xi32, #tpu.memory_space<hbm>>) target(%arg8 : memref<80xi32, #tpu.memory_space<vmem>>) target_semaphore(%arg17 : memref<!tpu.dma_semaphore, #tpu.memory_space<semaphore_mem>>)
        %mul3A_229 = arith.constant 80 : i32
        %mul3A_230 = arith.muli %add3A_167, %mul3A_229 : i32
        %add3A_231 = arith.addi %mul3A_2, %mul3A_230 : i32
        %dma_start3A_232 = arith.constant 0 : i32
        %dma_start3A_233 = tpu.memref_slice %arg2[%add3A_231, %dma_start3A_232] : memref<320000x128xf32, #tpu.memory_space<hbm>> -> memref<80x128xf32, #tpu.memory_space<hbm>>
        %dma_start3A_234 = arith.constant 0 : i32
        %dma_start3A_235 = tpu.memref_slice %arg2[%add3A_231, %dma_start3A_234] : memref<320000x128xf32, #tpu.memory_space<hbm>> -> memref<80x128xf32, #tpu.memory_space<hbm>>
        tpu.enqueue_dma source(%dma_start3A_235 : memref<80x128xf32, #tpu.memory_space<hbm>>) target(%arg12 : memref<80x128xf32, #tpu.memory_space<vmem>>) target_semaphore(%arg21 : memref<!tpu.dma_semaphore, #tpu.memory_space<semaphore_mem>>)
      } else {
      }
      %add3A_176 = arith.constant 4 : i32
      %add3A_177 = arith.addi %mul3A_92, %add3A_176 : i32
      %add3A_178 = arith.constant 3 : i32
      %add3A_179 = arith.addi %add3A_177, %add3A_178 : i32
      %dma_wait3A_180 = arith.constant 0 : i32
      %dma_wait3A_181 = arith.constant 0 : i32
      %dma_wait3A_182 = tpu.memref_slice %arg14[%dma_wait3A_180, %dma_wait3A_181] : memref<10000x128xf32, #tpu.memory_space<vmem_shared>> -> memref<10000x128xf32, #tpu.memory_space<vmem_shared>>
      tpu.wait_indirect_dma semaphore(%arg26 : memref<!tpu.dma_semaphore, #tpu.memory_space<semaphore_mem>>) src(%arg13 : memref<80x128xf32, #tpu.memory_space<vmem>>) dst(%dma_wait3A_182 : memref<10000x128xf32, #tpu.memory_space<vmem_shared>>)
      %lt3A_183 = arith.constant 125 : i32
      %lt3A_184 = arith.cmpi slt, %add3A_179, %lt3A_183 : i32
      %convert_element_type3A_185 = arith.extui %lt3A_184 : i1 to i32
      %cond3A_186 = arith.constant 0 : i32
      %cond3A_187 = arith.cmpi ne, %convert_element_type3A_185, %cond3A_186 : i32
      scf.if %cond3A_187 {
        %mul3A_224 = arith.constant 80 : i32
        %mul3A_225 = arith.muli %add3A_179, %mul3A_224 : i32
        %add3A_226 = arith.addi %mul3A_2, %mul3A_225 : i32
        %dma_start3A_227 = tpu.memref_slice %arg3[%add3A_226] : memref<320000xi32, #tpu.memory_space<hbm>> -> memref<80xi32, #tpu.memory_space<hbm>>
        %dma_start3A_228 = tpu.memref_slice %arg3[%add3A_226] : memref<320000xi32, #tpu.memory_space<hbm>> -> memref<80xi32, #tpu.memory_space<hbm>>
        tpu.enqueue_dma source(%dma_start3A_228 : memref<80xi32, #tpu.memory_space<hbm>>) target(%arg9 : memref<80xi32, #tpu.memory_space<vmem>>) target_semaphore(%arg18 : memref<!tpu.dma_semaphore, #tpu.memory_space<semaphore_mem>>)
        %mul3A_229 = arith.constant 80 : i32
        %mul3A_230 = arith.muli %add3A_179, %mul3A_229 : i32
        %add3A_231 = arith.addi %mul3A_2, %mul3A_230 : i32
        %dma_start3A_232 = arith.constant 0 : i32
        %dma_start3A_233 = tpu.memref_slice %arg2[%add3A_231, %dma_start3A_232] : memref<320000x128xf32, #tpu.memory_space<hbm>> -> memref<80x128xf32, #tpu.memory_space<hbm>>
        %dma_start3A_234 = arith.constant 0 : i32
        %dma_start3A_235 = tpu.memref_slice %arg2[%add3A_231, %dma_start3A_234] : memref<320000x128xf32, #tpu.memory_space<hbm>> -> memref<80x128xf32, #tpu.memory_space<hbm>>
        tpu.enqueue_dma source(%dma_start3A_235 : memref<80x128xf32, #tpu.memory_space<hbm>>) target(%arg13 : memref<80x128xf32, #tpu.memory_space<vmem>>) target_semaphore(%arg22 : memref<!tpu.dma_semaphore, #tpu.memory_space<semaphore_mem>>)
      } else {
      }
      %add3A_188 = arith.constant 4 : i32
      %add3A_189 = arith.addi %mul3A_92, %add3A_188 : i32
      %add3A_190 = arith.constant 0 : i32
      %add3A_191 = arith.addi %add3A_189, %add3A_190 : i32
      %lt3A_192 = arith.constant 125 : i32
      %lt3A_193 = arith.cmpi slt, %add3A_191, %lt3A_192 : i32
      %convert_element_type3A_194 = arith.extui %lt3A_193 : i1 to i32
      %cond3A_195 = arith.constant 0 : i32
      %cond3A_196 = arith.cmpi ne, %convert_element_type3A_194, %cond3A_195 : i32
      scf.if %cond3A_196 {
        %mul3A_224 = arith.constant 80 : i32
        %mul3A_225 = arith.muli %add3A_191, %mul3A_224 : i32
        %add3A_226 = arith.addi %mul3A_2, %mul3A_225 : i32
        %dma_wait3A_227 = tpu.memref_slice %arg3[%add3A_226] : memref<320000xi32, #tpu.memory_space<hbm>> -> memref<80xi32, #tpu.memory_space<hbm>>
        %dma_wait3A_228 = tpu.memref_slice %arg3[%add3A_226] : memref<320000xi32, #tpu.memory_space<hbm>> -> memref<80xi32, #tpu.memory_space<hbm>>
        tpu.wait_dma2 semaphore(%arg15 : memref<!tpu.dma_semaphore, #tpu.memory_space<semaphore_mem>>) src(%dma_wait3A_228 : memref<80xi32, #tpu.memory_space<hbm>>) dst(%arg6 : memref<80xi32, #tpu.memory_space<vmem>>)
      } else {
      }
      %add3A_197 = arith.constant 4 : i32
      %add3A_198 = arith.addi %mul3A_92, %add3A_197 : i32
      %add3A_199 = arith.constant 1 : i32
      %add3A_200 = arith.addi %add3A_198, %add3A_199 : i32
      %lt3A_201 = arith.constant 125 : i32
      %lt3A_202 = arith.cmpi slt, %add3A_200, %lt3A_201 : i32
      %convert_element_type3A_203 = arith.extui %lt3A_202 : i1 to i32
      %cond3A_204 = arith.constant 0 : i32
      %cond3A_205 = arith.cmpi ne, %convert_element_type3A_203, %cond3A_204 : i32
      scf.if %cond3A_205 {
        %mul3A_224 = arith.constant 80 : i32
        %mul3A_225 = arith.muli %add3A_200, %mul3A_224 : i32
        %add3A_226 = arith.addi %mul3A_2, %mul3A_225 : i32
        %dma_wait3A_227 = tpu.memref_slice %arg3[%add3A_226] : memref<320000xi32, #tpu.memory_space<hbm>> -> memref<80xi32, #tpu.memory_space<hbm>>
        %dma_wait3A_228 = tpu.memref_slice %arg3[%add3A_226] : memref<320000xi32, #tpu.memory_space<hbm>> -> memref<80xi32, #tpu.memory_space<hbm>>
        tpu.wait_dma2 semaphore(%arg16 : memref<!tpu.dma_semaphore, #tpu.memory_space<semaphore_mem>>) src(%dma_wait3A_228 : memref<80xi32, #tpu.memory_space<hbm>>) dst(%arg7 : memref<80xi32, #tpu.memory_space<vmem>>)
      } else {
      }
      %add3A_206 = arith.constant 4 : i32
      %add3A_207 = arith.addi %mul3A_92, %add3A_206 : i32
      %add3A_208 = arith.constant 2 : i32
      %add3A_209 = arith.addi %add3A_207, %add3A_208 : i32
      %lt3A_210 = arith.constant 125 : i32
      %lt3A_211 = arith.cmpi slt, %add3A_209, %lt3A_210 : i32
      %convert_element_type3A_212 = arith.extui %lt3A_211 : i1 to i32
      %cond3A_213 = arith.constant 0 : i32
      %cond3A_214 = arith.cmpi ne, %convert_element_type3A_212, %cond3A_213 : i32
      scf.if %cond3A_214 {
        %mul3A_224 = arith.constant 80 : i32
        %mul3A_225 = arith.muli %add3A_209, %mul3A_224 : i32
        %add3A_226 = arith.addi %mul3A_2, %mul3A_225 : i32
        %dma_wait3A_227 = tpu.memref_slice %arg3[%add3A_226] : memref<320000xi32, #tpu.memory_space<hbm>> -> memref<80xi32, #tpu.memory_space<hbm>>
        %dma_wait3A_228 = tpu.memref_slice %arg3[%add3A_226] : memref<320000xi32, #tpu.memory_space<hbm>> -> memref<80xi32, #tpu.memory_space<hbm>>
        tpu.wait_dma2 semaphore(%arg17 : memref<!tpu.dma_semaphore, #tpu.memory_space<semaphore_mem>>) src(%dma_wait3A_228 : memref<80xi32, #tpu.memory_space<hbm>>) dst(%arg8 : memref<80xi32, #tpu.memory_space<vmem>>)
      } else {
      }
      %add3A_215 = arith.constant 4 : i32
      %add3A_216 = arith.addi %mul3A_92, %add3A_215 : i32
      %add3A_217 = arith.constant 3 : i32
      %add3A_218 = arith.addi %add3A_216, %add3A_217 : i32
      %lt3A_219 = arith.constant 125 : i32
      %lt3A_220 = arith.cmpi slt, %add3A_218, %lt3A_219 : i32
      %convert_element_type3A_221 = arith.extui %lt3A_220 : i1 to i32
      %cond3A_222 = arith.constant 0 : i32
      %cond3A_223 = arith.cmpi ne, %convert_element_type3A_221, %cond3A_222 : i32
      scf.if %cond3A_223 {
        %mul3A_224 = arith.constant 80 : i32
        %mul3A_225 = arith.muli %add3A_218, %mul3A_224 : i32
        %add3A_226 = arith.addi %mul3A_2, %mul3A_225 : i32
        %dma_wait3A_227 = tpu.memref_slice %arg3[%add3A_226] : memref<320000xi32, #tpu.memory_space<hbm>> -> memref<80xi32, #tpu.memory_space<hbm>>
        %dma_wait3A_228 = tpu.memref_slice %arg3[%add3A_226] : memref<320000xi32, #tpu.memory_space<hbm>> -> memref<80xi32, #tpu.memory_space<hbm>>
        tpu.wait_dma2 semaphore(%arg18 : memref<!tpu.dma_semaphore, #tpu.memory_space<semaphore_mem>>) src(%dma_wait3A_228 : memref<80xi32, #tpu.memory_space<hbm>>) dst(%arg9 : memref<80xi32, #tpu.memory_space<vmem>>)
      } else {
      }
    }
    %scan3A_67 = arith.constant 31 : i32
    %add3A_68 = arith.constant 9920 : i32
    %add3A_69 = arith.addi %mul3A_2, %add3A_68 : i32
    %dma_wait3A_70 = arith.constant 0 : i32
    %dma_wait3A_71 = tpu.memref_slice %arg2[%add3A_69, %dma_wait3A_70] : memref<320000x128xf32, #tpu.memory_space<hbm>> -> memref<80x128xf32, #tpu.memory_space<hbm>>
    %dma_wait3A_72 = arith.constant 0 : i32
    %dma_wait3A_73 = tpu.memref_slice %arg2[%add3A_69, %dma_wait3A_72] : memref<320000x128xf32, #tpu.memory_space<hbm>> -> memref<80x128xf32, #tpu.memory_space<hbm>>
    tpu.wait_dma2 semaphore(%arg19 : memref<!tpu.dma_semaphore, #tpu.memory_space<semaphore_mem>>) src(%dma_wait3A_73 : memref<80x128xf32, #tpu.memory_space<hbm>>) dst(%arg10 : memref<80x128xf32, #tpu.memory_space<vmem>>)
    %dma_start3A_74 = arith.constant 0 : i32
    %dma_start3A_75 = arith.constant 0 : i32
    %dma_start3A_76 = tpu.memref_slice %arg14[%dma_start3A_74, %dma_start3A_75] : memref<10000x128xf32, #tpu.memory_space<vmem_shared>> -> memref<10000x128xf32, #tpu.memory_space<vmem_shared>>
    tpu.enqueue_indirect_dma source(%arg10 : memref<80x128xf32, #tpu.memory_space<vmem>>) target(%dma_start3A_76 : memref<10000x128xf32, #tpu.memory_space<vmem_shared>>) offsets(%arg6 : memref<80xi32, #tpu.memory_space<vmem>>) semaphore(%arg23 : memref<!tpu.dma_semaphore, #tpu.memory_space<semaphore_mem>>) {add = true}
    %dma_wait3A_77 = arith.constant 0 : i32
    %dma_wait3A_78 = arith.constant 0 : i32
    %dma_wait3A_79 = tpu.memref_slice %arg14[%dma_wait3A_77, %dma_wait3A_78] : memref<10000x128xf32, #tpu.memory_space<vmem_shared>> -> memref<10000x128xf32, #tpu.memory_space<vmem_shared>>
    tpu.wait_indirect_dma semaphore(%arg23 : memref<!tpu.dma_semaphore, #tpu.memory_space<semaphore_mem>>) src(%arg10 : memref<80x128xf32, #tpu.memory_space<vmem>>) dst(%dma_wait3A_79 : memref<10000x128xf32, #tpu.memory_space<vmem_shared>>)
    %barrier3A_80 = arith.constant 0 : index
    tpu.barrier barrier_id(%barrier3A_80)
    %mul3A_81 = arith.constant 624 : i32
    %mul3A_82 = arith.muli %arg1, %mul3A_81 : i32
    %mul3A_83 = arith.constant 624 : i32
    %mul3A_84 = arith.muli %arg1, %mul3A_83 : i32
    "tpu.region"() ({
      %run_scoped3A = tpu.sem_alloc : memref<!tpu.dma_semaphore, #tpu.memory_space<semaphore_mem>>
      %dma_start3A_90 = arith.constant 0 : i32
      %dma_start3A_91 = tpu.memref_slice %arg5[%arg0, %mul3A_84, %dma_start3A_90] : memref<2x10000x128xf32, #tpu.memory_space<hbm>> -> memref<1x624x128xf32, #tpu.memory_space<hbm>>
      %dma_start3A_92 = tpu.memref_squeeze %dma_start3A_91 : memref<1x624x128xf32, #tpu.memory_space<hbm>> -> memref<624x128xf32, #tpu.memory_space<hbm>>
      %dma_start3A_93 = arith.constant 0 : i32
      %dma_start3A_94 = tpu.memref_slice %arg14[%mul3A_82, %dma_start3A_93] : memref<10000x128xf32, #tpu.memory_space<vmem_shared>> -> memref<624x128xf32, #tpu.memory_space<vmem_shared>>
      tpu.enqueue_dma source(%dma_start3A_94 : memref<624x128xf32, #tpu.memory_space<vmem_shared>>) target(%dma_start3A_92 : memref<624x128xf32, #tpu.memory_space<hbm>>) target_semaphore(%run_scoped3A : memref<!tpu.dma_semaphore, #tpu.memory_space<semaphore_mem>>)
      %dma_wait3A_95 = arith.constant 0 : i32
      %dma_wait3A_96 = tpu.memref_slice %arg5[%arg0, %mul3A_84, %dma_wait3A_95] : memref<2x10000x128xf32, #tpu.memory_space<hbm>> -> memref<1x624x128xf32, #tpu.memory_space<hbm>>
      %dma_wait3A_97 = tpu.memref_squeeze %dma_wait3A_96 : memref<1x624x128xf32, #tpu.memory_space<hbm>> -> memref<624x128xf32, #tpu.memory_space<hbm>>
      %dma_wait3A_98 = arith.constant 0 : i32
      %dma_wait3A_99 = tpu.memref_slice %arg14[%mul3A_82, %dma_wait3A_98] : memref<10000x128xf32, #tpu.memory_space<vmem_shared>> -> memref<624x128xf32, #tpu.memory_space<vmem_shared>>
      tpu.wait_dma2 semaphore(%run_scoped3A : memref<!tpu.dma_semaphore, #tpu.memory_space<semaphore_mem>>) src(%dma_wait3A_99 : memref<624x128xf32, #tpu.memory_space<vmem_shared>>) dst(%dma_wait3A_97 : memref<624x128xf32, #tpu.memory_space<hbm>>)
      tpu.yield
    }) : () -> ()
    %eq3A_85 = arith.constant 15 : i32
    %eq3A_86 = arith.cmpi eq, %arg1, %eq3A_85 : i32
    %convert_element_type3A_87 = arith.extui %eq3A_86 : i1 to i32
    %cond3A_88 = arith.constant 0 : i32
    %cond3A_89 = arith.cmpi ne, %convert_element_type3A_87, %cond3A_88 : i32
    scf.if %cond3A_89 {
      "tpu.region"() ({
        %run_scoped3A = tpu.sem_alloc : memref<!tpu.dma_semaphore, #tpu.memory_space<semaphore_mem>>
        %dma_start3A_90 = arith.constant 9984 : i32
        %dma_start3A_91 = arith.constant 0 : i32
        %dma_start3A_92 = tpu.memref_slice %arg5[%arg0, %dma_start3A_90, %dma_start3A_91] : memref<2x10000x128xf32, #tpu.memory_space<hbm>> -> memref<1x16x128xf32, #tpu.memory_space<hbm>>
        %dma_start3A_93 = tpu.memref_squeeze %dma_start3A_92 : memref<1x16x128xf32, #tpu.memory_space<hbm>> -> memref<16x128xf32, #tpu.memory_space<hbm>>
        %dma_start3A_94 = arith.constant 9984 : i32
        %dma_start3A_95 = arith.constant 0 : i32
        %dma_start3A_96 = tpu.memref_slice %arg14[%dma_start3A_94, %dma_start3A_95] : memref<10000x128xf32, #tpu.memory_space<vmem_shared>> -> memref<16x128xf32, #tpu.memory_space<vmem_shared>>
        tpu.enqueue_dma source(%dma_start3A_96 : memref<16x128xf32, #tpu.memory_space<vmem_shared>>) target(%dma_start3A_93 : memref<16x128xf32, #tpu.memory_space<hbm>>) target_semaphore(%run_scoped3A : memref<!tpu.dma_semaphore, #tpu.memory_space<semaphore_mem>>)
        %dma_wait3A_97 = arith.constant 9984 : i32
        %dma_wait3A_98 = arith.constant 0 : i32
        %dma_wait3A_99 = tpu.memref_slice %arg5[%arg0, %dma_wait3A_97, %dma_wait3A_98] : memref<2x10000x128xf32, #tpu.memory_space<hbm>> -> memref<1x16x128xf32, #tpu.memory_space<hbm>>
        %dma_wait3A_100 = tpu.memref_squeeze %dma_wait3A_99 : memref<1x16x128xf32, #tpu.memory_space<hbm>> -> memref<16x128xf32, #tpu.memory_space<hbm>>
        %dma_wait3A_101 = arith.constant 9984 : i32
        %dma_wait3A_102 = arith.constant 0 : i32
        %dma_wait3A_103 = tpu.memref_slice %arg14[%dma_wait3A_101, %dma_wait3A_102] : memref<10000x128xf32, #tpu.memory_space<vmem_shared>> -> memref<16x128xf32, #tpu.memory_space<vmem_shared>>
        tpu.wait_dma2 semaphore(%run_scoped3A : memref<!tpu.dma_semaphore, #tpu.memory_space<semaphore_mem>>) src(%dma_wait3A_103 : memref<16x128xf32, #tpu.memory_space<vmem_shared>>) dst(%dma_wait3A_100 : memref<16x128xf32, #tpu.memory_space<hbm>>)
        tpu.yield
      }) : () -> ()
    } else {
    }
    return
  }
}

#map = affine_map<(d0, d1) -> (0)>
#map1 = affine_map<(d0, d1) -> (0, 0)>
#map2 = affine_map<(d0, d1) -> (0, 0, 0)>
module attributes {stable_mosaic.version = 14 : i64} {
  func.func @sc_deg(%arg0: i32, %arg1: i32, %arg2: memref<320000xi32, #tpu.memory_space<hbm>>, %arg3: memref<10000x128xf32, #tpu.memory_space<hbm>>, %arg4: memref<80x128xf32, #tpu.memory_space<hbm>>, %arg5: memref<2x10000x128xf32, #tpu.memory_space<hbm>>, %arg6: memref<2x10000x128xf32, #tpu.memory_space<hbm>>, %arg7: memref<80x128xf32, #tpu.memory_space<vmem>>, %arg8: memref<80xi32, #tpu.memory_space<vmem>>, %arg9: memref<80xi32, #tpu.memory_space<vmem>>, %arg10: memref<80xi32, #tpu.memory_space<vmem>>, %arg11: memref<80xi32, #tpu.memory_space<vmem>>, %arg12: memref<10000x128xf32, #tpu.memory_space<vmem_shared>>, %arg13: memref<!tpu.dma_semaphore, #tpu.memory_space<semaphore_mem>>, %arg14: memref<!tpu.dma_semaphore, #tpu.memory_space<semaphore_mem>>) attributes {dimension_semantics = [#tpu.dimension_semantics<core_parallel>, #tpu.dimension_semantics<subcore_parallel>], iteration_bounds = array<i64: 2, 16>, scalar_prefetch = 0 : i64, scratch_operands = 8 : i64, tpu.core_type = #tpu.core_type<sc_vector_subcore>, window_params = [{transform_indices = #map}, {transform_indices = #map1}, {transform_indices = #map1}, {transform_indices = #map2}, {transform_indices = #map2}]} {
    %mul3A = arith.constant 16 : i32
    %mul3A_0 = arith.muli %arg0, %mul3A : i32
    %add3A = arith.addi %mul3A_0, %arg1 : i32
    %mul3A_1 = arith.constant 10000 : i32
    %mul3A_2 = arith.muli %add3A, %mul3A_1 : i32
    %mul3A_3 = arith.constant 624 : i32
    %mul3A_4 = arith.muli %arg1, %mul3A_3 : i32
    %mul3A_5 = arith.constant 624 : i32
    %mul3A_6 = arith.muli %arg1, %mul3A_5 : i32
    "tpu.region"() ({
      %run_scoped3A = tpu.sem_alloc : memref<!tpu.dma_semaphore, #tpu.memory_space<semaphore_mem>>
      %dma_start3A_30 = arith.constant 0 : i32
      %dma_start3A_31 = tpu.memref_slice %arg12[%mul3A_6, %dma_start3A_30] : memref<10000x128xf32, #tpu.memory_space<vmem_shared>> -> memref<624x128xf32, #tpu.memory_space<vmem_shared>>
      %dma_start3A_32 = arith.constant 0 : i32
      %dma_start3A_33 = tpu.memref_slice %arg3[%mul3A_4, %dma_start3A_32] : memref<10000x128xf32, #tpu.memory_space<hbm>> -> memref<624x128xf32, #tpu.memory_space<hbm>>
      tpu.enqueue_dma source(%dma_start3A_33 : memref<624x128xf32, #tpu.memory_space<hbm>>) target(%dma_start3A_31 : memref<624x128xf32, #tpu.memory_space<vmem_shared>>) target_semaphore(%run_scoped3A : memref<!tpu.dma_semaphore, #tpu.memory_space<semaphore_mem>>)
      %dma_wait3A_34 = arith.constant 0 : i32
      %dma_wait3A_35 = tpu.memref_slice %arg12[%mul3A_6, %dma_wait3A_34] : memref<10000x128xf32, #tpu.memory_space<vmem_shared>> -> memref<624x128xf32, #tpu.memory_space<vmem_shared>>
      %dma_wait3A_36 = arith.constant 0 : i32
      %dma_wait3A_37 = tpu.memref_slice %arg3[%mul3A_4, %dma_wait3A_36] : memref<10000x128xf32, #tpu.memory_space<hbm>> -> memref<624x128xf32, #tpu.memory_space<hbm>>
      tpu.wait_dma2 semaphore(%run_scoped3A : memref<!tpu.dma_semaphore, #tpu.memory_space<semaphore_mem>>) src(%dma_wait3A_37 : memref<624x128xf32, #tpu.memory_space<hbm>>) dst(%dma_wait3A_35 : memref<624x128xf32, #tpu.memory_space<vmem_shared>>)
      tpu.yield
    }) : () -> ()
    %eq3A = arith.constant 15 : i32
    %eq3A_7 = arith.cmpi eq, %arg1, %eq3A : i32
    %convert_element_type3A = arith.extui %eq3A_7 : i1 to i32
    %cond3A = arith.constant 0 : i32
    %cond3A_8 = arith.cmpi ne, %convert_element_type3A, %cond3A : i32
    scf.if %cond3A_8 {
      "tpu.region"() ({
        %run_scoped3A = tpu.sem_alloc : memref<!tpu.dma_semaphore, #tpu.memory_space<semaphore_mem>>
        %dma_start3A_30 = arith.constant 9984 : i32
        %dma_start3A_31 = arith.constant 0 : i32
        %dma_start3A_32 = tpu.memref_slice %arg12[%dma_start3A_30, %dma_start3A_31] : memref<10000x128xf32, #tpu.memory_space<vmem_shared>> -> memref<16x128xf32, #tpu.memory_space<vmem_shared>>
        %dma_start3A_33 = arith.constant 9984 : i32
        %dma_start3A_34 = arith.constant 0 : i32
        %dma_start3A_35 = tpu.memref_slice %arg3[%dma_start3A_33, %dma_start3A_34] : memref<10000x128xf32, #tpu.memory_space<hbm>> -> memref<16x128xf32, #tpu.memory_space<hbm>>
        tpu.enqueue_dma source(%dma_start3A_35 : memref<16x128xf32, #tpu.memory_space<hbm>>) target(%dma_start3A_32 : memref<16x128xf32, #tpu.memory_space<vmem_shared>>) target_semaphore(%run_scoped3A : memref<!tpu.dma_semaphore, #tpu.memory_space<semaphore_mem>>)
        %dma_wait3A_36 = arith.constant 9984 : i32
        %dma_wait3A_37 = arith.constant 0 : i32
        %dma_wait3A_38 = tpu.memref_slice %arg12[%dma_wait3A_36, %dma_wait3A_37] : memref<10000x128xf32, #tpu.memory_space<vmem_shared>> -> memref<16x128xf32, #tpu.memory_space<vmem_shared>>
        %dma_wait3A_39 = arith.constant 9984 : i32
        %dma_wait3A_40 = arith.constant 0 : i32
        %dma_wait3A_41 = tpu.memref_slice %arg3[%dma_wait3A_39, %dma_wait3A_40] : memref<10000x128xf32, #tpu.memory_space<hbm>> -> memref<16x128xf32, #tpu.memory_space<hbm>>
        tpu.wait_dma2 semaphore(%run_scoped3A : memref<!tpu.dma_semaphore, #tpu.memory_space<semaphore_mem>>) src(%dma_wait3A_41 : memref<16x128xf32, #tpu.memory_space<hbm>>) dst(%dma_wait3A_38 : memref<16x128xf32, #tpu.memory_space<vmem_shared>>)
        tpu.yield
      }) : () -> ()
    } else {
    }
    "tpu.region"() ({
      %run_scoped3A = tpu.sem_alloc : memref<!tpu.dma_semaphore, #tpu.memory_space<semaphore_mem>>
      tpu.enqueue_dma source(%arg4 : memref<80x128xf32, #tpu.memory_space<hbm>>) target(%arg7 : memref<80x128xf32, #tpu.memory_space<vmem>>) target_semaphore(%run_scoped3A : memref<!tpu.dma_semaphore, #tpu.memory_space<semaphore_mem>>)
      tpu.wait_dma2 semaphore(%run_scoped3A : memref<!tpu.dma_semaphore, #tpu.memory_space<semaphore_mem>>) src(%arg4 : memref<80x128xf32, #tpu.memory_space<hbm>>) dst(%arg7 : memref<80x128xf32, #tpu.memory_space<vmem>>)
      tpu.yield
    }) : () -> ()
    %barrier3A = arith.constant 0 : index
    tpu.barrier barrier_id(%barrier3A)
    %scan3A = arith.constant 0 : i32
    %scan3A_9 = arith.constant 0 : i32
    %scan3A_10 = arith.constant 31 : i32
    %scan3A_11 = arith.addi %scan3A_9, %scan3A_10 : i32
    %scan3A_12 = arith.constant 1 : i32
    scf.for %scan3A_30 = %scan3A_9 to %scan3A_11 step %scan3A_12  : i32 {
      %mul3A_31 = arith.constant 4 : i32
      %mul3A_32 = arith.muli %mul3A_31, %scan3A_30 : i32
      %add3A_33 = arith.constant 0 : i32
      %add3A_34 = arith.addi %mul3A_32, %add3A_33 : i32
      %mul3A_35 = arith.constant 80 : i32
      %mul3A_36 = arith.muli %add3A_34, %mul3A_35 : i32
      %add3A_37 = arith.addi %mul3A_2, %mul3A_36 : i32
      %dma_start3A_38 = tpu.memref_slice %arg2[%add3A_37] : memref<320000xi32, #tpu.memory_space<hbm>> -> memref<80xi32, #tpu.memory_space<hbm>>
      %dma_start3A_39 = tpu.memref_slice %arg2[%add3A_37] : memref<320000xi32, #tpu.memory_space<hbm>> -> memref<80xi32, #tpu.memory_space<hbm>>
      tpu.enqueue_dma source(%dma_start3A_39 : memref<80xi32, #tpu.memory_space<hbm>>) target(%arg8 : memref<80xi32, #tpu.memory_space<vmem>>) target_semaphore(%arg13 : memref<!tpu.dma_semaphore, #tpu.memory_space<semaphore_mem>>)
      %add3A_40 = arith.constant 1 : i32
      %add3A_41 = arith.addi %mul3A_32, %add3A_40 : i32
      %mul3A_42 = arith.constant 80 : i32
      %mul3A_43 = arith.muli %add3A_41, %mul3A_42 : i32
      %add3A_44 = arith.addi %mul3A_2, %mul3A_43 : i32
      %dma_start3A_45 = tpu.memref_slice %arg2[%add3A_44] : memref<320000xi32, #tpu.memory_space<hbm>> -> memref<80xi32, #tpu.memory_space<hbm>>
      %dma_start3A_46 = tpu.memref_slice %arg2[%add3A_44] : memref<320000xi32, #tpu.memory_space<hbm>> -> memref<80xi32, #tpu.memory_space<hbm>>
      tpu.enqueue_dma source(%dma_start3A_46 : memref<80xi32, #tpu.memory_space<hbm>>) target(%arg9 : memref<80xi32, #tpu.memory_space<vmem>>) target_semaphore(%arg13 : memref<!tpu.dma_semaphore, #tpu.memory_space<semaphore_mem>>)
      %add3A_47 = arith.constant 2 : i32
      %add3A_48 = arith.addi %mul3A_32, %add3A_47 : i32
      %mul3A_49 = arith.constant 80 : i32
      %mul3A_50 = arith.muli %add3A_48, %mul3A_49 : i32
      %add3A_51 = arith.addi %mul3A_2, %mul3A_50 : i32
      %dma_start3A_52 = tpu.memref_slice %arg2[%add3A_51] : memref<320000xi32, #tpu.memory_space<hbm>> -> memref<80xi32, #tpu.memory_space<hbm>>
      %dma_start3A_53 = tpu.memref_slice %arg2[%add3A_51] : memref<320000xi32, #tpu.memory_space<hbm>> -> memref<80xi32, #tpu.memory_space<hbm>>
      tpu.enqueue_dma source(%dma_start3A_53 : memref<80xi32, #tpu.memory_space<hbm>>) target(%arg10 : memref<80xi32, #tpu.memory_space<vmem>>) target_semaphore(%arg13 : memref<!tpu.dma_semaphore, #tpu.memory_space<semaphore_mem>>)
      %add3A_54 = arith.constant 3 : i32
      %add3A_55 = arith.addi %mul3A_32, %add3A_54 : i32
      %mul3A_56 = arith.constant 80 : i32
      %mul3A_57 = arith.muli %add3A_55, %mul3A_56 : i32
      %add3A_58 = arith.addi %mul3A_2, %mul3A_57 : i32
      %dma_start3A_59 = tpu.memref_slice %arg2[%add3A_58] : memref<320000xi32, #tpu.memory_space<hbm>> -> memref<80xi32, #tpu.memory_space<hbm>>
      %dma_start3A_60 = tpu.memref_slice %arg2[%add3A_58] : memref<320000xi32, #tpu.memory_space<hbm>> -> memref<80xi32, #tpu.memory_space<hbm>>
      tpu.enqueue_dma source(%dma_start3A_60 : memref<80xi32, #tpu.memory_space<hbm>>) target(%arg11 : memref<80xi32, #tpu.memory_space<vmem>>) target_semaphore(%arg13 : memref<!tpu.dma_semaphore, #tpu.memory_space<semaphore_mem>>)
      %add3A_61 = arith.constant 0 : i32
      %add3A_62 = arith.addi %mul3A_32, %add3A_61 : i32
      %mul3A_63 = arith.constant 80 : i32
      %mul3A_64 = arith.muli %add3A_62, %mul3A_63 : i32
      %add3A_65 = arith.addi %mul3A_2, %mul3A_64 : i32
      %dma_wait3A_66 = tpu.memref_slice %arg2[%add3A_65] : memref<320000xi32, #tpu.memory_space<hbm>> -> memref<80xi32, #tpu.memory_space<hbm>>
      %dma_wait3A_67 = tpu.memref_slice %arg2[%add3A_65] : memref<320000xi32, #tpu.memory_space<hbm>> -> memref<80xi32, #tpu.memory_space<hbm>>
      tpu.wait_dma2 semaphore(%arg13 : memref<!tpu.dma_semaphore, #tpu.memory_space<semaphore_mem>>) src(%dma_wait3A_67 : memref<80xi32, #tpu.memory_space<hbm>>) dst(%arg8 : memref<80xi32, #tpu.memory_space<vmem>>)
      %dma_start3A_68 = arith.constant 0 : i32
      %dma_start3A_69 = arith.constant 0 : i32
      %dma_start3A_70 = tpu.memref_slice %arg12[%dma_start3A_68, %dma_start3A_69] : memref<10000x128xf32, #tpu.memory_space<vmem_shared>> -> memref<10000x128xf32, #tpu.memory_space<vmem_shared>>
      tpu.enqueue_indirect_dma source(%arg7 : memref<80x128xf32, #tpu.memory_space<vmem>>) target(%dma_start3A_70 : memref<10000x128xf32, #tpu.memory_space<vmem_shared>>) offsets(%arg8 : memref<80xi32, #tpu.memory_space<vmem>>) semaphore(%arg14 : memref<!tpu.dma_semaphore, #tpu.memory_space<semaphore_mem>>) {add = true}
      %add3A_71 = arith.constant 1 : i32
      %add3A_72 = arith.addi %mul3A_32, %add3A_71 : i32
      %mul3A_73 = arith.constant 80 : i32
      %mul3A_74 = arith.muli %add3A_72, %mul3A_73 : i32
      %add3A_75 = arith.addi %mul3A_2, %mul3A_74 : i32
      %dma_wait3A_76 = tpu.memref_slice %arg2[%add3A_75] : memref<320000xi32, #tpu.memory_space<hbm>> -> memref<80xi32, #tpu.memory_space<hbm>>
      %dma_wait3A_77 = tpu.memref_slice %arg2[%add3A_75] : memref<320000xi32, #tpu.memory_space<hbm>> -> memref<80xi32, #tpu.memory_space<hbm>>
      tpu.wait_dma2 semaphore(%arg13 : memref<!tpu.dma_semaphore, #tpu.memory_space<semaphore_mem>>) src(%dma_wait3A_77 : memref<80xi32, #tpu.memory_space<hbm>>) dst(%arg9 : memref<80xi32, #tpu.memory_space<vmem>>)
      %dma_start3A_78 = arith.constant 0 : i32
      %dma_start3A_79 = arith.constant 0 : i32
      %dma_start3A_80 = tpu.memref_slice %arg12[%dma_start3A_78, %dma_start3A_79] : memref<10000x128xf32, #tpu.memory_space<vmem_shared>> -> memref<10000x128xf32, #tpu.memory_space<vmem_shared>>
      tpu.enqueue_indirect_dma source(%arg7 : memref<80x128xf32, #tpu.memory_space<vmem>>) target(%dma_start3A_80 : memref<10000x128xf32, #tpu.memory_space<vmem_shared>>) offsets(%arg9 : memref<80xi32, #tpu.memory_space<vmem>>) semaphore(%arg14 : memref<!tpu.dma_semaphore, #tpu.memory_space<semaphore_mem>>) {add = true}
      %add3A_81 = arith.constant 2 : i32
      %add3A_82 = arith.addi %mul3A_32, %add3A_81 : i32
      %mul3A_83 = arith.constant 80 : i32
      %mul3A_84 = arith.muli %add3A_82, %mul3A_83 : i32
      %add3A_85 = arith.addi %mul3A_2, %mul3A_84 : i32
      %dma_wait3A_86 = tpu.memref_slice %arg2[%add3A_85] : memref<320000xi32, #tpu.memory_space<hbm>> -> memref<80xi32, #tpu.memory_space<hbm>>
      %dma_wait3A_87 = tpu.memref_slice %arg2[%add3A_85] : memref<320000xi32, #tpu.memory_space<hbm>> -> memref<80xi32, #tpu.memory_space<hbm>>
      tpu.wait_dma2 semaphore(%arg13 : memref<!tpu.dma_semaphore, #tpu.memory_space<semaphore_mem>>) src(%dma_wait3A_87 : memref<80xi32, #tpu.memory_space<hbm>>) dst(%arg10 : memref<80xi32, #tpu.memory_space<vmem>>)
      %dma_start3A_88 = arith.constant 0 : i32
      %dma_start3A_89 = arith.constant 0 : i32
      %dma_start3A_90 = tpu.memref_slice %arg12[%dma_start3A_88, %dma_start3A_89] : memref<10000x128xf32, #tpu.memory_space<vmem_shared>> -> memref<10000x128xf32, #tpu.memory_space<vmem_shared>>
      tpu.enqueue_indirect_dma source(%arg7 : memref<80x128xf32, #tpu.memory_space<vmem>>) target(%dma_start3A_90 : memref<10000x128xf32, #tpu.memory_space<vmem_shared>>) offsets(%arg10 : memref<80xi32, #tpu.memory_space<vmem>>) semaphore(%arg14 : memref<!tpu.dma_semaphore, #tpu.memory_space<semaphore_mem>>) {add = true}
      %add3A_91 = arith.constant 3 : i32
      %add3A_92 = arith.addi %mul3A_32, %add3A_91 : i32
      %mul3A_93 = arith.constant 80 : i32
      %mul3A_94 = arith.muli %add3A_92, %mul3A_93 : i32
      %add3A_95 = arith.addi %mul3A_2, %mul3A_94 : i32
      %dma_wait3A_96 = tpu.memref_slice %arg2[%add3A_95] : memref<320000xi32, #tpu.memory_space<hbm>> -> memref<80xi32, #tpu.memory_space<hbm>>
      %dma_wait3A_97 = tpu.memref_slice %arg2[%add3A_95] : memref<320000xi32, #tpu.memory_space<hbm>> -> memref<80xi32, #tpu.memory_space<hbm>>
      tpu.wait_dma2 semaphore(%arg13 : memref<!tpu.dma_semaphore, #tpu.memory_space<semaphore_mem>>) src(%dma_wait3A_97 : memref<80xi32, #tpu.memory_space<hbm>>) dst(%arg11 : memref<80xi32, #tpu.memory_space<vmem>>)
      %dma_start3A_98 = arith.constant 0 : i32
      %dma_start3A_99 = arith.constant 0 : i32
      %dma_start3A_100 = tpu.memref_slice %arg12[%dma_start3A_98, %dma_start3A_99] : memref<10000x128xf32, #tpu.memory_space<vmem_shared>> -> memref<10000x128xf32, #tpu.memory_space<vmem_shared>>
      tpu.enqueue_indirect_dma source(%arg7 : memref<80x128xf32, #tpu.memory_space<vmem>>) target(%dma_start3A_100 : memref<10000x128xf32, #tpu.memory_space<vmem_shared>>) offsets(%arg11 : memref<80xi32, #tpu.memory_space<vmem>>) semaphore(%arg14 : memref<!tpu.dma_semaphore, #tpu.memory_space<semaphore_mem>>) {add = true}
      %dma_wait3A_101 = arith.constant 0 : i32
      %dma_wait3A_102 = arith.constant 0 : i32
      %dma_wait3A_103 = tpu.memref_slice %arg12[%dma_wait3A_101, %dma_wait3A_102] : memref<10000x128xf32, #tpu.memory_space<vmem_shared>> -> memref<10000x128xf32, #tpu.memory_space<vmem_shared>>
      tpu.wait_indirect_dma semaphore(%arg14 : memref<!tpu.dma_semaphore, #tpu.memory_space<semaphore_mem>>) src(%arg7 : memref<80x128xf32, #tpu.memory_space<vmem>>) dst(%dma_wait3A_103 : memref<10000x128xf32, #tpu.memory_space<vmem_shared>>)
      %dma_wait3A_104 = arith.constant 0 : i32
      %dma_wait3A_105 = arith.constant 0 : i32
      %dma_wait3A_106 = tpu.memref_slice %arg12[%dma_wait3A_104, %dma_wait3A_105] : memref<10000x128xf32, #tpu.memory_space<vmem_shared>> -> memref<10000x128xf32, #tpu.memory_space<vmem_shared>>
      tpu.wait_indirect_dma semaphore(%arg14 : memref<!tpu.dma_semaphore, #tpu.memory_space<semaphore_mem>>) src(%arg7 : memref<80x128xf32, #tpu.memory_space<vmem>>) dst(%dma_wait3A_106 : memref<10000x128xf32, #tpu.memory_space<vmem_shared>>)
      %dma_wait3A_107 = arith.constant 0 : i32
      %dma_wait3A_108 = arith.constant 0 : i32
      %dma_wait3A_109 = tpu.memref_slice %arg12[%dma_wait3A_107, %dma_wait3A_108] : memref<10000x128xf32, #tpu.memory_space<vmem_shared>> -> memref<10000x128xf32, #tpu.memory_space<vmem_shared>>
      tpu.wait_indirect_dma semaphore(%arg14 : memref<!tpu.dma_semaphore, #tpu.memory_space<semaphore_mem>>) src(%arg7 : memref<80x128xf32, #tpu.memory_space<vmem>>) dst(%dma_wait3A_109 : memref<10000x128xf32, #tpu.memory_space<vmem_shared>>)
      %dma_wait3A_110 = arith.constant 0 : i32
      %dma_wait3A_111 = arith.constant 0 : i32
      %dma_wait3A_112 = tpu.memref_slice %arg12[%dma_wait3A_110, %dma_wait3A_111] : memref<10000x128xf32, #tpu.memory_space<vmem_shared>> -> memref<10000x128xf32, #tpu.memory_space<vmem_shared>>
      tpu.wait_indirect_dma semaphore(%arg14 : memref<!tpu.dma_semaphore, #tpu.memory_space<semaphore_mem>>) src(%arg7 : memref<80x128xf32, #tpu.memory_space<vmem>>) dst(%dma_wait3A_112 : memref<10000x128xf32, #tpu.memory_space<vmem_shared>>)
    }
    %scan3A_13 = arith.constant 31 : i32
    %add3A_14 = arith.constant 9920 : i32
    %add3A_15 = arith.addi %mul3A_2, %add3A_14 : i32
    "tpu.region"() ({
      %run_scoped3A = tpu.sem_alloc : memref<!tpu.dma_semaphore, #tpu.memory_space<semaphore_mem>>
      %dma_start3A_30 = tpu.memref_slice %arg2[%add3A_15] : memref<320000xi32, #tpu.memory_space<hbm>> -> memref<80xi32, #tpu.memory_space<hbm>>
      %dma_start3A_31 = tpu.memref_slice %arg2[%add3A_15] : memref<320000xi32, #tpu.memory_space<hbm>> -> memref<80xi32, #tpu.memory_space<hbm>>
      tpu.enqueue_dma source(%dma_start3A_31 : memref<80xi32, #tpu.memory_space<hbm>>) target(%arg8 : memref<80xi32, #tpu.memory_space<vmem>>) target_semaphore(%run_scoped3A : memref<!tpu.dma_semaphore, #tpu.memory_space<semaphore_mem>>)
      %dma_wait3A_32 = tpu.memref_slice %arg2[%add3A_15] : memref<320000xi32, #tpu.memory_space<hbm>> -> memref<80xi32, #tpu.memory_space<hbm>>
      %dma_wait3A_33 = tpu.memref_slice %arg2[%add3A_15] : memref<320000xi32, #tpu.memory_space<hbm>> -> memref<80xi32, #tpu.memory_space<hbm>>
      tpu.wait_dma2 semaphore(%run_scoped3A : memref<!tpu.dma_semaphore, #tpu.memory_space<semaphore_mem>>) src(%dma_wait3A_33 : memref<80xi32, #tpu.memory_space<hbm>>) dst(%arg8 : memref<80xi32, #tpu.memory_space<vmem>>)
      tpu.yield
    }) : () -> ()
    %dma_start3A = arith.constant 0 : i32
    %dma_start3A_16 = arith.constant 0 : i32
    %dma_start3A_17 = tpu.memref_slice %arg12[%dma_start3A, %dma_start3A_16] : memref<10000x128xf32, #tpu.memory_space<vmem_shared>> -> memref<10000x128xf32, #tpu.memory_space<vmem_shared>>
    tpu.enqueue_indirect_dma source(%arg7 : memref<80x128xf32, #tpu.memory_space<vmem>>) target(%dma_start3A_17 : memref<10000x128xf32, #tpu.memory_space<vmem_shared>>) offsets(%arg8 : memref<80xi32, #tpu.memory_space<vmem>>) semaphore(%arg14 : memref<!tpu.dma_semaphore, #tpu.memory_space<semaphore_mem>>) {add = true}
    %dma_wait3A = arith.constant 0 : i32
    %dma_wait3A_18 = arith.constant 0 : i32
    %dma_wait3A_19 = tpu.memref_slice %arg12[%dma_wait3A, %dma_wait3A_18] : memref<10000x128xf32, #tpu.memory_space<vmem_shared>> -> memref<10000x128xf32, #tpu.memory_space<vmem_shared>>
    tpu.wait_indirect_dma semaphore(%arg14 : memref<!tpu.dma_semaphore, #tpu.memory_space<semaphore_mem>>) src(%arg7 : memref<80x128xf32, #tpu.memory_space<vmem>>) dst(%dma_wait3A_19 : memref<10000x128xf32, #tpu.memory_space<vmem_shared>>)
    %barrier3A_20 = arith.constant 0 : index
    tpu.barrier barrier_id(%barrier3A_20)
    %mul3A_21 = arith.constant 624 : i32
    %mul3A_22 = arith.muli %arg1, %mul3A_21 : i32
    %mul3A_23 = arith.constant 624 : i32
    %mul3A_24 = arith.muli %arg1, %mul3A_23 : i32
    "tpu.region"() ({
      %run_scoped3A = tpu.sem_alloc : memref<!tpu.dma_semaphore, #tpu.memory_space<semaphore_mem>>
      %dma_start3A_30 = arith.constant 0 : i32
      %dma_start3A_31 = tpu.memref_slice %arg6[%arg0, %mul3A_24, %dma_start3A_30] : memref<2x10000x128xf32, #tpu.memory_space<hbm>> -> memref<1x624x128xf32, #tpu.memory_space<hbm>>
      %dma_start3A_32 = tpu.memref_squeeze %dma_start3A_31 : memref<1x624x128xf32, #tpu.memory_space<hbm>> -> memref<624x128xf32, #tpu.memory_space<hbm>>
      %dma_start3A_33 = arith.constant 0 : i32
      %dma_start3A_34 = tpu.memref_slice %arg12[%mul3A_22, %dma_start3A_33] : memref<10000x128xf32, #tpu.memory_space<vmem_shared>> -> memref<624x128xf32, #tpu.memory_space<vmem_shared>>
      tpu.enqueue_dma source(%dma_start3A_34 : memref<624x128xf32, #tpu.memory_space<vmem_shared>>) target(%dma_start3A_32 : memref<624x128xf32, #tpu.memory_space<hbm>>) target_semaphore(%run_scoped3A : memref<!tpu.dma_semaphore, #tpu.memory_space<semaphore_mem>>)
      %dma_wait3A_35 = arith.constant 0 : i32
      %dma_wait3A_36 = tpu.memref_slice %arg6[%arg0, %mul3A_24, %dma_wait3A_35] : memref<2x10000x128xf32, #tpu.memory_space<hbm>> -> memref<1x624x128xf32, #tpu.memory_space<hbm>>
      %dma_wait3A_37 = tpu.memref_squeeze %dma_wait3A_36 : memref<1x624x128xf32, #tpu.memory_space<hbm>> -> memref<624x128xf32, #tpu.memory_space<hbm>>
      %dma_wait3A_38 = arith.constant 0 : i32
      %dma_wait3A_39 = tpu.memref_slice %arg12[%mul3A_22, %dma_wait3A_38] : memref<10000x128xf32, #tpu.memory_space<vmem_shared>> -> memref<624x128xf32, #tpu.memory_space<vmem_shared>>
      tpu.wait_dma2 semaphore(%run_scoped3A : memref<!tpu.dma_semaphore, #tpu.memory_space<semaphore_mem>>) src(%dma_wait3A_39 : memref<624x128xf32, #tpu.memory_space<vmem_shared>>) dst(%dma_wait3A_37 : memref<624x128xf32, #tpu.memory_space<hbm>>)
      tpu.yield
    }) : () -> ()
    %eq3A_25 = arith.constant 15 : i32
    %eq3A_26 = arith.cmpi eq, %arg1, %eq3A_25 : i32
    %convert_element_type3A_27 = arith.extui %eq3A_26 : i1 to i32
    %cond3A_28 = arith.constant 0 : i32
    %cond3A_29 = arith.cmpi ne, %convert_element_type3A_27, %cond3A_28 : i32
    scf.if %cond3A_29 {
      "tpu.region"() ({
        %run_scoped3A = tpu.sem_alloc : memref<!tpu.dma_semaphore, #tpu.memory_space<semaphore_mem>>
        %dma_start3A_30 = arith.constant 9984 : i32
        %dma_start3A_31 = arith.constant 0 : i32
        %dma_start3A_32 = tpu.memref_slice %arg6[%arg0, %dma_start3A_30, %dma_start3A_31] : memref<2x10000x128xf32, #tpu.memory_space<hbm>> -> memref<1x16x128xf32, #tpu.memory_space<hbm>>
        %dma_start3A_33 = tpu.memref_squeeze %dma_start3A_32 : memref<1x16x128xf32, #tpu.memory_space<hbm>> -> memref<16x128xf32, #tpu.memory_space<hbm>>
        %dma_start3A_34 = arith.constant 9984 : i32
        %dma_start3A_35 = arith.constant 0 : i32
        %dma_start3A_36 = tpu.memref_slice %arg12[%dma_start3A_34, %dma_start3A_35] : memref<10000x128xf32, #tpu.memory_space<vmem_shared>> -> memref<16x128xf32, #tpu.memory_space<vmem_shared>>
        tpu.enqueue_dma source(%dma_start3A_36 : memref<16x128xf32, #tpu.memory_space<vmem_shared>>) target(%dma_start3A_33 : memref<16x128xf32, #tpu.memory_space<hbm>>) target_semaphore(%run_scoped3A : memref<!tpu.dma_semaphore, #tpu.memory_space<semaphore_mem>>)
        %dma_wait3A_37 = arith.constant 9984 : i32
        %dma_wait3A_38 = arith.constant 0 : i32
        %dma_wait3A_39 = tpu.memref_slice %arg6[%arg0, %dma_wait3A_37, %dma_wait3A_38] : memref<2x10000x128xf32, #tpu.memory_space<hbm>> -> memref<1x16x128xf32, #tpu.memory_space<hbm>>
        %dma_wait3A_40 = tpu.memref_squeeze %dma_wait3A_39 : memref<1x16x128xf32, #tpu.memory_space<hbm>> -> memref<16x128xf32, #tpu.memory_space<hbm>>
        %dma_wait3A_41 = arith.constant 9984 : i32
        %dma_wait3A_42 = arith.constant 0 : i32
        %dma_wait3A_43 = tpu.memref_slice %arg12[%dma_wait3A_41, %dma_wait3A_42] : memref<10000x128xf32, #tpu.memory_space<vmem_shared>> -> memref<16x128xf32, #tpu.memory_space<vmem_shared>>
        tpu.wait_dma2 semaphore(%run_scoped3A : memref<!tpu.dma_semaphore, #tpu.memory_space<semaphore_mem>>) src(%dma_wait3A_43 : memref<16x128xf32, #tpu.memory_space<vmem_shared>>) dst(%dma_wait3A_40 : memref<16x128xf32, #tpu.memory_space<hbm>>)
        tpu.yield
      }) : () -> ()
    } else {
    }
    return
  }
}

module attributes {stable_mosaic.version = 14 : i64} {
  func.func @_node_mlps_body(%arg0: i32, %arg1: memref<1000x128xf32, #tpu.memory_space<vmem>>, %arg2: memref<128x128xf32, #tpu.memory_space<vmem>>, %arg3: memref<1x128xf32, #tpu.memory_space<vmem>>, %arg4: memref<128x128xf32, #tpu.memory_space<vmem>>, %arg5: memref<1x128xf32, #tpu.memory_space<vmem>>, %arg6: memref<128x128xf32, #tpu.memory_space<vmem>>, %arg7: memref<1x128xf32, #tpu.memory_space<vmem>>, %arg8: memref<128x128xf32, #tpu.memory_space<vmem>>, %arg9: memref<1x128xf32, #tpu.memory_space<vmem>>, %arg10: memref<1000x128xf32, #tpu.memory_space<vmem>>, %arg11: memref<1000x128xf32, #tpu.memory_space<vmem>>) attributes {dimension_semantics = [#tpu.dimension_semantics<arbitrary>], iteration_bounds = array<i64: 10>, scalar_prefetch = 0 : i64, scratch_operands = 0 : i64, tpu.core_type = #tpu.core_type<tc>, window_params = [{transform_indices = @transform_0, window_bounds = array<i64: 1000, 128>}, {pipeline_mode = #tpu.pipeline_mode<synchronous>, transform_indices = @transform_1, window_bounds = array<i64: 128, 128>}, {pipeline_mode = #tpu.pipeline_mode<synchronous>, transform_indices = @transform_2, window_bounds = array<i64: 1, 128>}, {pipeline_mode = #tpu.pipeline_mode<synchronous>, transform_indices = @transform_3, window_bounds = array<i64: 128, 128>}, {pipeline_mode = #tpu.pipeline_mode<synchronous>, transform_indices = @transform_4, window_bounds = array<i64: 1, 128>}, {pipeline_mode = #tpu.pipeline_mode<synchronous>, transform_indices = @transform_5, window_bounds = array<i64: 128, 128>}, {pipeline_mode = #tpu.pipeline_mode<synchronous>, transform_indices = @transform_6, window_bounds = array<i64: 1, 128>}, {pipeline_mode = #tpu.pipeline_mode<synchronous>, transform_indices = @transform_7, window_bounds = array<i64: 128, 128>}, {pipeline_mode = #tpu.pipeline_mode<synchronous>, transform_indices = @transform_8, window_bounds = array<i64: 1, 128>}, {transform_indices = @transform_9, window_bounds = array<i64: 1000, 128>}, {transform_indices = @transform_10, window_bounds = array<i64: 1000, 128>}]} {
    %get3A = arith.constant 0 : index
    %get3A_0 = arith.constant 0 : index
    %get3A_1 = vector.load %arg1[%get3A, %get3A_0] : memref<1000x128xf32, #tpu.memory_space<vmem>>, vector<1000x128xf32>
    %get3A_2 = arith.constant 0 : index
    %get3A_3 = arith.constant 0 : index
    %get3A_4 = vector.load %arg2[%get3A_2, %get3A_3] : memref<128x128xf32, #tpu.memory_space<vmem>>, vector<128x128xf32>
    %dot_general3A = arith.constant dense<0.000000e+00> : vector<1000x128xf32>
    %dot_general3A_5 = tpu.matmul %get3A_1, %get3A_4, %dot_general3A {dimension_numbers = #tpu.dot_dimension_numbers<[1], [0], [0], [1], [0, 0, 1, 1], [], []>, transpose_lhs_hint = false} : vector<1000x128xf32>, vector<128x128xf32>, vector<1000x128xf32> -> vector<1000x128xf32>
    %get3A_6 = arith.constant 0 : index
    %get3A_7 = arith.constant 0 : index
    %get3A_8 = vector.load %arg3[%get3A_6, %get3A_7] : memref<1x128xf32, #tpu.memory_space<vmem>>, vector<1x128xf32>
    %add3A = vector.broadcast %get3A_8 : vector<1x128xf32> to vector<1000x128xf32>
    %add3A_9 = arith.addf %dot_general3A_5, %add3A : vector<1000x128xf32>
    %logistic3A = arith.negf %add3A_9 : vector<1000x128xf32>
    %logistic3A_10 = math.exp %logistic3A : vector<1000x128xf32>
    %logistic3A_11 = arith.constant 1.000000e+00 : f32
    %logistic3A_12 = vector.broadcast %logistic3A_11 : f32 to vector<1000x128xf32>
    %logistic3A_13 = arith.addf %logistic3A_12, %logistic3A_10 : vector<1000x128xf32>
    %logistic3A_14 = arith.divf %logistic3A_12, %logistic3A_13 : vector<1000x128xf32>
    %mul3A = arith.mulf %add3A_9, %logistic3A_14 : vector<1000x128xf32>
    %get3A_15 = arith.constant 0 : index
    %get3A_16 = arith.constant 0 : index
    %get3A_17 = vector.load %arg4[%get3A_15, %get3A_16] : memref<128x128xf32, #tpu.memory_space<vmem>>, vector<128x128xf32>
    %dot_general3A_18 = arith.constant dense<0.000000e+00> : vector<1000x128xf32>
    %dot_general3A_19 = tpu.matmul %mul3A, %get3A_17, %dot_general3A_18 {dimension_numbers = #tpu.dot_dimension_numbers<[1], [0], [0], [1], [0, 0, 1, 1], [], []>, transpose_lhs_hint = false} : vector<1000x128xf32>, vector<128x128xf32>, vector<1000x128xf32> -> vector<1000x128xf32>
    %get3A_20 = arith.constant 0 : index
    %get3A_21 = arith.constant 0 : index
    %get3A_22 = vector.load %arg5[%get3A_20, %get3A_21] : memref<1x128xf32, #tpu.memory_space<vmem>>, vector<1x128xf32>
    %add3A_23 = vector.broadcast %get3A_22 : vector<1x128xf32> to vector<1000x128xf32>
    %add3A_24 = arith.addf %dot_general3A_19, %add3A_23 : vector<1000x128xf32>
    %logistic3A_25 = arith.negf %add3A_24 : vector<1000x128xf32>
    %logistic3A_26 = math.exp %logistic3A_25 : vector<1000x128xf32>
    %logistic3A_27 = arith.constant 1.000000e+00 : f32
    %logistic3A_28 = vector.broadcast %logistic3A_27 : f32 to vector<1000x128xf32>
    %logistic3A_29 = arith.addf %logistic3A_28, %logistic3A_26 : vector<1000x128xf32>
    %logistic3A_30 = arith.divf %logistic3A_28, %logistic3A_29 : vector<1000x128xf32>
    %mul3A_31 = arith.mulf %add3A_24, %logistic3A_30 : vector<1000x128xf32>
    %swap3A = arith.constant 0 : index
    %swap3A_32 = arith.constant 0 : index
    %swap3A_33 = vector.load %arg10[%swap3A, %swap3A_32] : memref<1000x128xf32, #tpu.memory_space<vmem>>, vector<1000x128xf32>
    tpu.vector_store %arg10[%swap3A, %swap3A_32], %mul3A_31 {strides = array<i32>} : memref<1000x128xf32, #tpu.memory_space<vmem>>, vector<1000x128xf32>,
    %get3A_34 = arith.constant 0 : index
    %get3A_35 = arith.constant 0 : index
    %get3A_36 = vector.load %arg6[%get3A_34, %get3A_35] : memref<128x128xf32, #tpu.memory_space<vmem>>, vector<128x128xf32>
    %dot_general3A_37 = arith.constant dense<0.000000e+00> : vector<1000x128xf32>
    %dot_general3A_38 = tpu.matmul %get3A_1, %get3A_36, %dot_general3A_37 {dimension_numbers = #tpu.dot_dimension_numbers<[1], [0], [0], [1], [0, 0, 1, 1], [], []>, transpose_lhs_hint = false} : vector<1000x128xf32>, vector<128x128xf32>, vector<1000x128xf32> -> vector<1000x128xf32>
    %get3A_39 = arith.constant 0 : index
    %get3A_40 = arith.constant 0 : index
    %get3A_41 = vector.load %arg7[%get3A_39, %get3A_40] : memref<1x128xf32, #tpu.memory_space<vmem>>, vector<1x128xf32>
    %add3A_42 = vector.broadcast %get3A_41 : vector<1x128xf32> to vector<1000x128xf32>
    %add3A_43 = arith.addf %dot_general3A_38, %add3A_42 : vector<1000x128xf32>
    %logistic3A_44 = arith.negf %add3A_43 : vector<1000x128xf32>
    %logistic3A_45 = math.exp %logistic3A_44 : vector<1000x128xf32>
    %logistic3A_46 = arith.constant 1.000000e+00 : f32
    %logistic3A_47 = vector.broadcast %logistic3A_46 : f32 to vector<1000x128xf32>
    %logistic3A_48 = arith.addf %logistic3A_47, %logistic3A_45 : vector<1000x128xf32>
    %logistic3A_49 = arith.divf %logistic3A_47, %logistic3A_48 : vector<1000x128xf32>
    %mul3A_50 = arith.mulf %add3A_43, %logistic3A_49 : vector<1000x128xf32>
    %get3A_51 = arith.constant 0 : index
    %get3A_52 = arith.constant 0 : index
    %get3A_53 = vector.load %arg8[%get3A_51, %get3A_52] : memref<128x128xf32, #tpu.memory_space<vmem>>, vector<128x128xf32>
    %dot_general3A_54 = arith.constant dense<0.000000e+00> : vector<1000x128xf32>
    %dot_general3A_55 = tpu.matmul %mul3A_50, %get3A_53, %dot_general3A_54 {dimension_numbers = #tpu.dot_dimension_numbers<[1], [0], [0], [1], [0, 0, 1, 1], [], []>, transpose_lhs_hint = false} : vector<1000x128xf32>, vector<128x128xf32>, vector<1000x128xf32> -> vector<1000x128xf32>
    %get3A_56 = arith.constant 0 : index
    %get3A_57 = arith.constant 0 : index
    %get3A_58 = vector.load %arg9[%get3A_56, %get3A_57] : memref<1x128xf32, #tpu.memory_space<vmem>>, vector<1x128xf32>
    %add3A_59 = vector.broadcast %get3A_58 : vector<1x128xf32> to vector<1000x128xf32>
    %add3A_60 = arith.addf %dot_general3A_55, %add3A_59 : vector<1000x128xf32>
    %logistic3A_61 = arith.negf %add3A_60 : vector<1000x128xf32>
    %logistic3A_62 = math.exp %logistic3A_61 : vector<1000x128xf32>
    %logistic3A_63 = arith.constant 1.000000e+00 : f32
    %logistic3A_64 = vector.broadcast %logistic3A_63 : f32 to vector<1000x128xf32>
    %logistic3A_65 = arith.addf %logistic3A_64, %logistic3A_62 : vector<1000x128xf32>
    %logistic3A_66 = arith.divf %logistic3A_64, %logistic3A_65 : vector<1000x128xf32>
    %mul3A_67 = arith.mulf %add3A_60, %logistic3A_66 : vector<1000x128xf32>
    %swap3A_68 = arith.constant 0 : index
    %swap3A_69 = arith.constant 0 : index
    %swap3A_70 = vector.load %arg11[%swap3A_68, %swap3A_69] : memref<1000x128xf32, #tpu.memory_space<vmem>>, vector<1000x128xf32>
    tpu.vector_store %arg11[%swap3A_68, %swap3A_69], %mul3A_67 {strides = array<i32>} : memref<1000x128xf32, #tpu.memory_space<vmem>>, vector<1000x128xf32>,
    return
  }
  func.func @transform_0(%arg0: i32) -> (i32, i32) {
    %c0_i32 = arith.constant 0 : i32
    %c0_i32_0 = arith.constant 0 : i32
    return %arg0, %c0_i32 : i32, i32
  }
  func.func @transform_1(%arg0: i32) -> (i32, i32) {
    %c0_i32 = arith.constant 0 : i32
    %c0_i32_0 = arith.constant 0 : i32
    %c0_i32_1 = arith.constant 0 : i32
    return %c0_i32, %c0_i32_0 : i32, i32
  }
  func.func @transform_2(%arg0: i32) -> (i32, i32) {
    %c0_i32 = arith.constant 0 : i32
    %c0_i32_0 = arith.constant 0 : i32
    %c0_i32_1 = arith.constant 0 : i32
    return %c0_i32, %c0_i32_0 : i32, i32
  }
  func.func @transform_3(%arg0: i32) -> (i32, i32) {
    %c0_i32 = arith.constant 0 : i32
    %c0_i32_0 = arith.constant 0 : i32
    %c0_i32_1 = arith.constant 0 : i32
    return %c0_i32, %c0_i32_0 : i32, i32
  }
  func.func @transform_4(%arg0: i32) -> (i32, i32) {
    %c0_i32 = arith.constant 0 : i32
    %c0_i32_0 = arith.constant 0 : i32
    %c0_i32_1 = arith.constant 0 : i32
    return %c0_i32, %c0_i32_0 : i32, i32
  }
  func.func @transform_5(%arg0: i32) -> (i32, i32) {
    %c0_i32 = arith.constant 0 : i32
    %c0_i32_0 = arith.constant 0 : i32
    %c0_i32_1 = arith.constant 0 : i32
    return %c0_i32, %c0_i32_0 : i32, i32
  }
  func.func @transform_6(%arg0: i32) -> (i32, i32) {
    %c0_i32 = arith.constant 0 : i32
    %c0_i32_0 = arith.constant 0 : i32
    %c0_i32_1 = arith.constant 0 : i32
    return %c0_i32, %c0_i32_0 : i32, i32
  }
  func.func @transform_7(%arg0: i32) -> (i32, i32) {
    %c0_i32 = arith.constant 0 : i32
    %c0_i32_0 = arith.constant 0 : i32
    %c0_i32_1 = arith.constant 0 : i32
    return %c0_i32, %c0_i32_0 : i32, i32
  }
  func.func @transform_8(%arg0: i32) -> (i32, i32) {
    %c0_i32 = arith.constant 0 : i32
    %c0_i32_0 = arith.constant 0 : i32
    %c0_i32_1 = arith.constant 0 : i32
    return %c0_i32, %c0_i32_0 : i32, i32
  }
  func.func @transform_9(%arg0: i32) -> (i32, i32) {
    %c0_i32 = arith.constant 0 : i32
    %c0_i32_0 = arith.constant 0 : i32
    return %arg0, %c0_i32 : i32, i32
  }
  func.func @transform_10(%arg0: i32) -> (i32, i32) {
    %c0_i32 = arith.constant 0 : i32
    %c0_i32_0 = arith.constant 0 : i32
    return %arg0, %c0_i32 : i32, i32
  }
}

module attributes {stable_mosaic.version = 14 : i64} {
  func.func @_edge_mlp_body(%arg0: i32, %arg1: memref<400x128xf32, #tpu.memory_space<vmem>>, %arg2: memref<128x1024xf32, #tpu.memory_space<vmem>>, %arg3: memref<1x1024xf32, #tpu.memory_space<vmem>>, %arg4: memref<128x128xf32, #tpu.memory_space<vmem>>, %arg5: memref<1x128xf32, #tpu.memory_space<vmem>>, %arg6: memref<8x400x128xf32, #tpu.memory_space<vmem>>) attributes {dimension_semantics = [#tpu.dimension_semantics<arbitrary>], iteration_bounds = array<i64: 100>, scalar_prefetch = 0 : i64, scratch_operands = 0 : i64, tpu.core_type = #tpu.core_type<tc>, window_params = [{transform_indices = @transform_0, window_bounds = array<i64: 400, 128>}, {pipeline_mode = #tpu.pipeline_mode<synchronous>, transform_indices = @transform_1, window_bounds = array<i64: 128, 1024>}, {pipeline_mode = #tpu.pipeline_mode<synchronous>, transform_indices = @transform_2, window_bounds = array<i64: 1, 1024>}, {pipeline_mode = #tpu.pipeline_mode<synchronous>, transform_indices = @transform_3, window_bounds = array<i64: 128, 128>}, {pipeline_mode = #tpu.pipeline_mode<synchronous>, transform_indices = @transform_4, window_bounds = array<i64: 1, 128>}, {transform_indices = @transform_5, window_bounds = array<i64: 8, 400, 128>}]} {
    %get3A = arith.constant 0 : index
    %get3A_0 = arith.constant 0 : index
    %get3A_1 = vector.load %arg1[%get3A, %get3A_0] : memref<400x128xf32, #tpu.memory_space<vmem>>, vector<400x128xf32>
    %get3A_2 = arith.constant 0 : index
    %get3A_3 = arith.constant 0 : index
    %get3A_4 = vector.load %arg2[%get3A_2, %get3A_3] : memref<128x1024xf32, #tpu.memory_space<vmem>>, vector<128x1024xf32>
    %dot_general3A = arith.constant dense<0.000000e+00> : vector<400x1024xf32>
    %dot_general3A_5 = tpu.matmul %get3A_1, %get3A_4, %dot_general3A {dimension_numbers = #tpu.dot_dimension_numbers<[1], [0], [0], [1], [0, 0, 1, 1], [], []>, transpose_lhs_hint = false} : vector<400x128xf32>, vector<128x1024xf32>, vector<400x1024xf32> -> vector<400x1024xf32>
    %get3A_6 = arith.constant 0 : index
    %get3A_7 = arith.constant 0 : index
    %get3A_8 = vector.load %arg3[%get3A_6, %get3A_7] : memref<1x1024xf32, #tpu.memory_space<vmem>>, vector<1x1024xf32>
    %add3A = vector.broadcast %get3A_8 : vector<1x1024xf32> to vector<400x1024xf32>
    %add3A_9 = arith.addf %dot_general3A_5, %add3A : vector<400x1024xf32>
    %logistic3A = arith.negf %add3A_9 : vector<400x1024xf32>
    %logistic3A_10 = math.exp %logistic3A : vector<400x1024xf32>
    %logistic3A_11 = arith.constant 1.000000e+00 : f32
    %logistic3A_12 = vector.broadcast %logistic3A_11 : f32 to vector<400x1024xf32>
    %logistic3A_13 = arith.addf %logistic3A_12, %logistic3A_10 : vector<400x1024xf32>
    %logistic3A_14 = arith.divf %logistic3A_12, %logistic3A_13 : vector<400x1024xf32>
    %mul3A = arith.mulf %add3A_9, %logistic3A_14 : vector<400x1024xf32>
    %slice3A = vector.extract_strided_slice %mul3A {offsets = [0, 0], sizes = [400, 128], strides = [1, 1]} : vector<400x1024xf32> to vector<400x128xf32>
    %get3A_15 = arith.constant 0 : index
    %get3A_16 = arith.constant 0 : index
    %get3A_17 = vector.load %arg4[%get3A_15, %get3A_16] : memref<128x128xf32, #tpu.memory_space<vmem>>, vector<128x128xf32>
    %dot_general3A_18 = arith.constant dense<0.000000e+00> : vector<400x128xf32>
    %dot_general3A_19 = tpu.matmul %slice3A, %get3A_17, %dot_general3A_18 {dimension_numbers = #tpu.dot_dimension_numbers<[1], [0], [0], [1], [0, 0, 1, 1], [], []>, transpose_lhs_hint = false} : vector<400x128xf32>, vector<128x128xf32>, vector<400x128xf32> -> vector<400x128xf32>
    %get3A_20 = arith.constant 0 : index
    %get3A_21 = arith.constant 0 : index
    %get3A_22 = vector.load %arg5[%get3A_20, %get3A_21] : memref<1x128xf32, #tpu.memory_space<vmem>>, vector<1x128xf32>
    %add3A_23 = vector.broadcast %get3A_22 : vector<1x128xf32> to vector<400x128xf32>
    %add3A_24 = arith.addf %dot_general3A_19, %add3A_23 : vector<400x128xf32>
    %logistic3A_25 = arith.negf %add3A_24 : vector<400x128xf32>
    %logistic3A_26 = math.exp %logistic3A_25 : vector<400x128xf32>
    %logistic3A_27 = arith.constant 1.000000e+00 : f32
    %logistic3A_28 = vector.broadcast %logistic3A_27 : f32 to vector<400x128xf32>
    %logistic3A_29 = arith.addf %logistic3A_28, %logistic3A_26 : vector<400x128xf32>
    %logistic3A_30 = arith.divf %logistic3A_28, %logistic3A_29 : vector<400x128xf32>
    %mul3A_31 = arith.mulf %add3A_24, %logistic3A_30 : vector<400x128xf32>
    %swap3A = arith.constant 0 : index
    %swap3A_32 = arith.constant 0 : index
    %swap3A_33 = arith.constant 0 : index
    %swap3A_34 = vector.load %arg6[%swap3A, %swap3A_32, %swap3A_33] : memref<8x400x128xf32, #tpu.memory_space<vmem>>, vector<1x400x128xf32>
    %swap3A_35 = vector.shape_cast %swap3A_34 : vector<1x400x128xf32> to vector<400x128xf32>
    %swap3A_36 = vector.shape_cast %mul3A_31 : vector<400x128xf32> to vector<1x400x128xf32>
    tpu.vector_store %arg6[%swap3A, %swap3A_32, %swap3A_33], %swap3A_36 {strides = array<i32>} : memref<8x400x128xf32, #tpu.memory_space<vmem>>, vector<1x400x128xf32>,
    %slice3A_37 = vector.extract_strided_slice %mul3A {offsets = [0, 128], sizes = [400, 128], strides = [1, 1]} : vector<400x1024xf32> to vector<400x128xf32>
    %get3A_38 = arith.constant 0 : index
    %get3A_39 = arith.constant 0 : index
    %get3A_40 = vector.load %arg4[%get3A_38, %get3A_39] : memref<128x128xf32, #tpu.memory_space<vmem>>, vector<128x128xf32>
    %dot_general3A_41 = arith.constant dense<0.000000e+00> : vector<400x128xf32>
    %dot_general3A_42 = tpu.matmul %slice3A_37, %get3A_40, %dot_general3A_41 {dimension_numbers = #tpu.dot_dimension_numbers<[1], [0], [0], [1], [0, 0, 1, 1], [], []>, transpose_lhs_hint = false} : vector<400x128xf32>, vector<128x128xf32>, vector<400x128xf32> -> vector<400x128xf32>
    %get3A_43 = arith.constant 0 : index
    %get3A_44 = arith.constant 0 : index
    %get3A_45 = vector.load %arg5[%get3A_43, %get3A_44] : memref<1x128xf32, #tpu.memory_space<vmem>>, vector<1x128xf32>
    %add3A_46 = vector.broadcast %get3A_45 : vector<1x128xf32> to vector<400x128xf32>
    %add3A_47 = arith.addf %dot_general3A_42, %add3A_46 : vector<400x128xf32>
    %logistic3A_48 = arith.negf %add3A_47 : vector<400x128xf32>
    %logistic3A_49 = math.exp %logistic3A_48 : vector<400x128xf32>
    %logistic3A_50 = arith.constant 1.000000e+00 : f32
    %logistic3A_51 = vector.broadcast %logistic3A_50 : f32 to vector<400x128xf32>
    %logistic3A_52 = arith.addf %logistic3A_51, %logistic3A_49 : vector<400x128xf32>
    %logistic3A_53 = arith.divf %logistic3A_51, %logistic3A_52 : vector<400x128xf32>
    %mul3A_54 = arith.mulf %add3A_47, %logistic3A_53 : vector<400x128xf32>
    %swap3A_55 = arith.constant 1 : index
    %swap3A_56 = arith.constant 0 : index
    %swap3A_57 = arith.constant 0 : index
    %swap3A_58 = vector.load %arg6[%swap3A_55, %swap3A_56, %swap3A_57] : memref<8x400x128xf32, #tpu.memory_space<vmem>>, vector<1x400x128xf32>
    %swap3A_59 = vector.shape_cast %swap3A_58 : vector<1x400x128xf32> to vector<400x128xf32>
    %swap3A_60 = vector.shape_cast %mul3A_54 : vector<400x128xf32> to vector<1x400x128xf32>
    tpu.vector_store %arg6[%swap3A_55, %swap3A_56, %swap3A_57], %swap3A_60 {strides = array<i32>} : memref<8x400x128xf32, #tpu.memory_space<vmem>>, vector<1x400x128xf32>,
    %slice3A_61 = vector.extract_strided_slice %mul3A {offsets = [0, 256], sizes = [400, 128], strides = [1, 1]} : vector<400x1024xf32> to vector<400x128xf32>
    %get3A_62 = arith.constant 0 : index
    %get3A_63 = arith.constant 0 : index
    %get3A_64 = vector.load %arg4[%get3A_62, %get3A_63] : memref<128x128xf32, #tpu.memory_space<vmem>>, vector<128x128xf32>
    %dot_general3A_65 = arith.constant dense<0.000000e+00> : vector<400x128xf32>
    %dot_general3A_66 = tpu.matmul %slice3A_61, %get3A_64, %dot_general3A_65 {dimension_numbers = #tpu.dot_dimension_numbers<[1], [0], [0], [1], [0, 0, 1, 1], [], []>, transpose_lhs_hint = false} : vector<400x128xf32>, vector<128x128xf32>, vector<400x128xf32> -> vector<400x128xf32>
    %get3A_67 = arith.constant 0 : index
    %get3A_68 = arith.constant 0 : index
    %get3A_69 = vector.load %arg5[%get3A_67, %get3A_68] : memref<1x128xf32, #tpu.memory_space<vmem>>, vector<1x128xf32>
    %add3A_70 = vector.broadcast %get3A_69 : vector<1x128xf32> to vector<400x128xf32>
    %add3A_71 = arith.addf %dot_general3A_66, %add3A_70 : vector<400x128xf32>
    %logistic3A_72 = arith.negf %add3A_71 : vector<400x128xf32>
    %logistic3A_73 = math.exp %logistic3A_72 : vector<400x128xf32>
    %logistic3A_74 = arith.constant 1.000000e+00 : f32
    %logistic3A_75 = vector.broadcast %logistic3A_74 : f32 to vector<400x128xf32>
    %logistic3A_76 = arith.addf %logistic3A_75, %logistic3A_73 : vector<400x128xf32>
    %logistic3A_77 = arith.divf %logistic3A_75, %logistic3A_76 : vector<400x128xf32>
    %mul3A_78 = arith.mulf %add3A_71, %logistic3A_77 : vector<400x128xf32>
    %swap3A_79 = arith.constant 2 : index
    %swap3A_80 = arith.constant 0 : index
    %swap3A_81 = arith.constant 0 : index
    %swap3A_82 = vector.load %arg6[%swap3A_79, %swap3A_80, %swap3A_81] : memref<8x400x128xf32, #tpu.memory_space<vmem>>, vector<1x400x128xf32>
    %swap3A_83 = vector.shape_cast %swap3A_82 : vector<1x400x128xf32> to vector<400x128xf32>
    %swap3A_84 = vector.shape_cast %mul3A_78 : vector<400x128xf32> to vector<1x400x128xf32>
    tpu.vector_store %arg6[%swap3A_79, %swap3A_80, %swap3A_81], %swap3A_84 {strides = array<i32>} : memref<8x400x128xf32, #tpu.memory_space<vmem>>, vector<1x400x128xf32>,
    %slice3A_85 = vector.extract_strided_slice %mul3A {offsets = [0, 384], sizes = [400, 128], strides = [1, 1]} : vector<400x1024xf32> to vector<400x128xf32>
    %get3A_86 = arith.constant 0 : index
    %get3A_87 = arith.constant 0 : index
    %get3A_88 = vector.load %arg4[%get3A_86, %get3A_87] : memref<128x128xf32, #tpu.memory_space<vmem>>, vector<128x128xf32>
    %dot_general3A_89 = arith.constant dense<0.000000e+00> : vector<400x128xf32>
    %dot_general3A_90 = tpu.matmul %slice3A_85, %get3A_88, %dot_general3A_89 {dimension_numbers = #tpu.dot_dimension_numbers<[1], [0], [0], [1], [0, 0, 1, 1], [], []>, transpose_lhs_hint = false} : vector<400x128xf32>, vector<128x128xf32>, vector<400x128xf32> -> vector<400x128xf32>
    %get3A_91 = arith.constant 0 : index
    %get3A_92 = arith.constant 0 : index
    %get3A_93 = vector.load %arg5[%get3A_91, %get3A_92] : memref<1x128xf32, #tpu.memory_space<vmem>>, vector<1x128xf32>
    %add3A_94 = vector.broadcast %get3A_93 : vector<1x128xf32> to vector<400x128xf32>
    %add3A_95 = arith.addf %dot_general3A_90, %add3A_94 : vector<400x128xf32>
    %logistic3A_96 = arith.negf %add3A_95 : vector<400x128xf32>
    %logistic3A_97 = math.exp %logistic3A_96 : vector<400x128xf32>
    %logistic3A_98 = arith.constant 1.000000e+00 : f32
    %logistic3A_99 = vector.broadcast %logistic3A_98 : f32 to vector<400x128xf32>
    %logistic3A_100 = arith.addf %logistic3A_99, %logistic3A_97 : vector<400x128xf32>
    %logistic3A_101 = arith.divf %logistic3A_99, %logistic3A_100 : vector<400x128xf32>
    %mul3A_102 = arith.mulf %add3A_95, %logistic3A_101 : vector<400x128xf32>
    %swap3A_103 = arith.constant 3 : index
    %swap3A_104 = arith.constant 0 : index
    %swap3A_105 = arith.constant 0 : index
    %swap3A_106 = vector.load %arg6[%swap3A_103, %swap3A_104, %swap3A_105] : memref<8x400x128xf32, #tpu.memory_space<vmem>>, vector<1x400x128xf32>
    %swap3A_107 = vector.shape_cast %swap3A_106 : vector<1x400x128xf32> to vector<400x128xf32>
    %swap3A_108 = vector.shape_cast %mul3A_102 : vector<400x128xf32> to vector<1x400x128xf32>
    tpu.vector_store %arg6[%swap3A_103, %swap3A_104, %swap3A_105], %swap3A_108 {strides = array<i32>} : memref<8x400x128xf32, #tpu.memory_space<vmem>>, vector<1x400x128xf32>,
    %slice3A_109 = vector.extract_strided_slice %mul3A {offsets = [0, 512], sizes = [400, 128], strides = [1, 1]} : vector<400x1024xf32> to vector<400x128xf32>
    %get3A_110 = arith.constant 0 : index
    %get3A_111 = arith.constant 0 : index
    %get3A_112 = vector.load %arg4[%get3A_110, %get3A_111] : memref<128x128xf32, #tpu.memory_space<vmem>>, vector<128x128xf32>
    %dot_general3A_113 = arith.constant dense<0.000000e+00> : vector<400x128xf32>
    %dot_general3A_114 = tpu.matmul %slice3A_109, %get3A_112, %dot_general3A_113 {dimension_numbers = #tpu.dot_dimension_numbers<[1], [0], [0], [1], [0, 0, 1, 1], [], []>, transpose_lhs_hint = false} : vector<400x128xf32>, vector<128x128xf32>, vector<400x128xf32> -> vector<400x128xf32>
    %get3A_115 = arith.constant 0 : index
    %get3A_116 = arith.constant 0 : index
    %get3A_117 = vector.load %arg5[%get3A_115, %get3A_116] : memref<1x128xf32, #tpu.memory_space<vmem>>, vector<1x128xf32>
    %add3A_118 = vector.broadcast %get3A_117 : vector<1x128xf32> to vector<400x128xf32>
    %add3A_119 = arith.addf %dot_general3A_114, %add3A_118 : vector<400x128xf32>
    %logistic3A_120 = arith.negf %add3A_119 : vector<400x128xf32>
    %logistic3A_121 = math.exp %logistic3A_120 : vector<400x128xf32>
    %logistic3A_122 = arith.constant 1.000000e+00 : f32
    %logistic3A_123 = vector.broadcast %logistic3A_122 : f32 to vector<400x128xf32>
    %logistic3A_124 = arith.addf %logistic3A_123, %logistic3A_121 : vector<400x128xf32>
    %logistic3A_125 = arith.divf %logistic3A_123, %logistic3A_124 : vector<400x128xf32>
    %mul3A_126 = arith.mulf %add3A_119, %logistic3A_125 : vector<400x128xf32>
    %swap3A_127 = arith.constant 4 : index
    %swap3A_128 = arith.constant 0 : index
    %swap3A_129 = arith.constant 0 : index
    %swap3A_130 = vector.load %arg6[%swap3A_127, %swap3A_128, %swap3A_129] : memref<8x400x128xf32, #tpu.memory_space<vmem>>, vector<1x400x128xf32>
    %swap3A_131 = vector.shape_cast %swap3A_130 : vector<1x400x128xf32> to vector<400x128xf32>
    %swap3A_132 = vector.shape_cast %mul3A_126 : vector<400x128xf32> to vector<1x400x128xf32>
    tpu.vector_store %arg6[%swap3A_127, %swap3A_128, %swap3A_129], %swap3A_132 {strides = array<i32>} : memref<8x400x128xf32, #tpu.memory_space<vmem>>, vector<1x400x128xf32>,
    %slice3A_133 = vector.extract_strided_slice %mul3A {offsets = [0, 640], sizes = [400, 128], strides = [1, 1]} : vector<400x1024xf32> to vector<400x128xf32>
    %get3A_134 = arith.constant 0 : index
    %get3A_135 = arith.constant 0 : index
    %get3A_136 = vector.load %arg4[%get3A_134, %get3A_135] : memref<128x128xf32, #tpu.memory_space<vmem>>, vector<128x128xf32>
    %dot_general3A_137 = arith.constant dense<0.000000e+00> : vector<400x128xf32>
    %dot_general3A_138 = tpu.matmul %slice3A_133, %get3A_136, %dot_general3A_137 {dimension_numbers = #tpu.dot_dimension_numbers<[1], [0], [0], [1], [0, 0, 1, 1], [], []>, transpose_lhs_hint = false} : vector<400x128xf32>, vector<128x128xf32>, vector<400x128xf32> -> vector<400x128xf32>
    %get3A_139 = arith.constant 0 : index
    %get3A_140 = arith.constant 0 : index
    %get3A_141 = vector.load %arg5[%get3A_139, %get3A_140] : memref<1x128xf32, #tpu.memory_space<vmem>>, vector<1x128xf32>
    %add3A_142 = vector.broadcast %get3A_141 : vector<1x128xf32> to vector<400x128xf32>
    %add3A_143 = arith.addf %dot_general3A_138, %add3A_142 : vector<400x128xf32>
    %logistic3A_144 = arith.negf %add3A_143 : vector<400x128xf32>
    %logistic3A_145 = math.exp %logistic3A_144 : vector<400x128xf32>
    %logistic3A_146 = arith.constant 1.000000e+00 : f32
    %logistic3A_147 = vector.broadcast %logistic3A_146 : f32 to vector<400x128xf32>
    %logistic3A_148 = arith.addf %logistic3A_147, %logistic3A_145 : vector<400x128xf32>
    %logistic3A_149 = arith.divf %logistic3A_147, %logistic3A_148 : vector<400x128xf32>
    %mul3A_150 = arith.mulf %add3A_143, %logistic3A_149 : vector<400x128xf32>
    %swap3A_151 = arith.constant 5 : index
    %swap3A_152 = arith.constant 0 : index
    %swap3A_153 = arith.constant 0 : index
    %swap3A_154 = vector.load %arg6[%swap3A_151, %swap3A_152, %swap3A_153] : memref<8x400x128xf32, #tpu.memory_space<vmem>>, vector<1x400x128xf32>
    %swap3A_155 = vector.shape_cast %swap3A_154 : vector<1x400x128xf32> to vector<400x128xf32>
    %swap3A_156 = vector.shape_cast %mul3A_150 : vector<400x128xf32> to vector<1x400x128xf32>
    tpu.vector_store %arg6[%swap3A_151, %swap3A_152, %swap3A_153], %swap3A_156 {strides = array<i32>} : memref<8x400x128xf32, #tpu.memory_space<vmem>>, vector<1x400x128xf32>,
    %slice3A_157 = vector.extract_strided_slice %mul3A {offsets = [0, 768], sizes = [400, 128], strides = [1, 1]} : vector<400x1024xf32> to vector<400x128xf32>
    %get3A_158 = arith.constant 0 : index
    %get3A_159 = arith.constant 0 : index
    %get3A_160 = vector.load %arg4[%get3A_158, %get3A_159] : memref<128x128xf32, #tpu.memory_space<vmem>>, vector<128x128xf32>
    %dot_general3A_161 = arith.constant dense<0.000000e+00> : vector<400x128xf32>
    %dot_general3A_162 = tpu.matmul %slice3A_157, %get3A_160, %dot_general3A_161 {dimension_numbers = #tpu.dot_dimension_numbers<[1], [0], [0], [1], [0, 0, 1, 1], [], []>, transpose_lhs_hint = false} : vector<400x128xf32>, vector<128x128xf32>, vector<400x128xf32> -> vector<400x128xf32>
    %get3A_163 = arith.constant 0 : index
    %get3A_164 = arith.constant 0 : index
    %get3A_165 = vector.load %arg5[%get3A_163, %get3A_164] : memref<1x128xf32, #tpu.memory_space<vmem>>, vector<1x128xf32>
    %add3A_166 = vector.broadcast %get3A_165 : vector<1x128xf32> to vector<400x128xf32>
    %add3A_167 = arith.addf %dot_general3A_162, %add3A_166 : vector<400x128xf32>
    %logistic3A_168 = arith.negf %add3A_167 : vector<400x128xf32>
    %logistic3A_169 = math.exp %logistic3A_168 : vector<400x128xf32>
    %logistic3A_170 = arith.constant 1.000000e+00 : f32
    %logistic3A_171 = vector.broadcast %logistic3A_170 : f32 to vector<400x128xf32>
    %logistic3A_172 = arith.addf %logistic3A_171, %logistic3A_169 : vector<400x128xf32>
    %logistic3A_173 = arith.divf %logistic3A_171, %logistic3A_172 : vector<400x128xf32>
    %mul3A_174 = arith.mulf %add3A_167, %logistic3A_173 : vector<400x128xf32>
    %swap3A_175 = arith.constant 6 : index
    %swap3A_176 = arith.constant 0 : index
    %swap3A_177 = arith.constant 0 : index
    %swap3A_178 = vector.load %arg6[%swap3A_175, %swap3A_176, %swap3A_177] : memref<8x400x128xf32, #tpu.memory_space<vmem>>, vector<1x400x128xf32>
    %swap3A_179 = vector.shape_cast %swap3A_178 : vector<1x400x128xf32> to vector<400x128xf32>
    %swap3A_180 = vector.shape_cast %mul3A_174 : vector<400x128xf32> to vector<1x400x128xf32>
    tpu.vector_store %arg6[%swap3A_175, %swap3A_176, %swap3A_177], %swap3A_180 {strides = array<i32>} : memref<8x400x128xf32, #tpu.memory_space<vmem>>, vector<1x400x128xf32>,
    %slice3A_181 = vector.extract_strided_slice %mul3A {offsets = [0, 896], sizes = [400, 128], strides = [1, 1]} : vector<400x1024xf32> to vector<400x128xf32>
    %get3A_182 = arith.constant 0 : index
    %get3A_183 = arith.constant 0 : index
    %get3A_184 = vector.load %arg4[%get3A_182, %get3A_183] : memref<128x128xf32, #tpu.memory_space<vmem>>, vector<128x128xf32>
    %dot_general3A_185 = arith.constant dense<0.000000e+00> : vector<400x128xf32>
    %dot_general3A_186 = tpu.matmul %slice3A_181, %get3A_184, %dot_general3A_185 {dimension_numbers = #tpu.dot_dimension_numbers<[1], [0], [0], [1], [0, 0, 1, 1], [], []>, transpose_lhs_hint = false} : vector<400x128xf32>, vector<128x128xf32>, vector<400x128xf32> -> vector<400x128xf32>
    %get3A_187 = arith.constant 0 : index
    %get3A_188 = arith.constant 0 : index
    %get3A_189 = vector.load %arg5[%get3A_187, %get3A_188] : memref<1x128xf32, #tpu.memory_space<vmem>>, vector<1x128xf32>
    %add3A_190 = vector.broadcast %get3A_189 : vector<1x128xf32> to vector<400x128xf32>
    %add3A_191 = arith.addf %dot_general3A_186, %add3A_190 : vector<400x128xf32>
    %logistic3A_192 = arith.negf %add3A_191 : vector<400x128xf32>
    %logistic3A_193 = math.exp %logistic3A_192 : vector<400x128xf32>
    %logistic3A_194 = arith.constant 1.000000e+00 : f32
    %logistic3A_195 = vector.broadcast %logistic3A_194 : f32 to vector<400x128xf32>
    %logistic3A_196 = arith.addf %logistic3A_195, %logistic3A_193 : vector<400x128xf32>
    %logistic3A_197 = arith.divf %logistic3A_195, %logistic3A_196 : vector<400x128xf32>
    %mul3A_198 = arith.mulf %add3A_191, %logistic3A_197 : vector<400x128xf32>
    %swap3A_199 = arith.constant 7 : index
    %swap3A_200 = arith.constant 0 : index
    %swap3A_201 = arith.constant 0 : index
    %swap3A_202 = vector.load %arg6[%swap3A_199, %swap3A_200, %swap3A_201] : memref<8x400x128xf32, #tpu.memory_space<vmem>>, vector<1x400x128xf32>
    %swap3A_203 = vector.shape_cast %swap3A_202 : vector<1x400x128xf32> to vector<400x128xf32>
    %swap3A_204 = vector.shape_cast %mul3A_198 : vector<400x128xf32> to vector<1x400x128xf32>
    tpu.vector_store %arg6[%swap3A_199, %swap3A_200, %swap3A_201], %swap3A_204 {strides = array<i32>} : memref<8x400x128xf32, #tpu.memory_space<vmem>>, vector<1x400x128xf32>,
    return
  }
  func.func @transform_0(%arg0: i32) -> (i32, i32) {
    %c0_i32 = arith.constant 0 : i32
    %c0_i32_0 = arith.constant 0 : i32
    return %arg0, %c0_i32 : i32, i32
  }
  func.func @transform_1(%arg0: i32) -> (i32, i32) {
    %c0_i32 = arith.constant 0 : i32
    %c0_i32_0 = arith.constant 0 : i32
    %c0_i32_1 = arith.constant 0 : i32
    return %c0_i32, %c0_i32_0 : i32, i32
  }
  func.func @transform_2(%arg0: i32) -> (i32, i32) {
    %c0_i32 = arith.constant 0 : i32
    %c0_i32_0 = arith.constant 0 : i32
    %c0_i32_1 = arith.constant 0 : i32
    return %c0_i32, %c0_i32_0 : i32, i32
  }
  func.func @transform_3(%arg0: i32) -> (i32, i32) {
    %c0_i32 = arith.constant 0 : i32
    %c0_i32_0 = arith.constant 0 : i32
    %c0_i32_1 = arith.constant 0 : i32
    return %c0_i32, %c0_i32_0 : i32, i32
  }
  func.func @transform_4(%arg0: i32) -> (i32, i32) {
    %c0_i32 = arith.constant 0 : i32
    %c0_i32_0 = arith.constant 0 : i32
    %c0_i32_1 = arith.constant 0 : i32
    return %c0_i32, %c0_i32_0 : i32, i32
  }
  func.func @transform_5(%arg0: i32) -> (i32, i32, i32) {
    %c0_i32 = arith.constant 0 : i32
    %c0_i32_0 = arith.constant 0 : i32
    %c0_i32_1 = arith.constant 0 : i32
    return %c0_i32, %arg0, %c0_i32_0 : i32, i32, i32
  }
}

module attributes {stable_mosaic.version = 14 : i64} {
  func.func @_node_out_body(%arg0: i32, %arg1: memref<1000x128xf32, #tpu.memory_space<vmem>>, %arg2: memref<2x1000x128xf32, #tpu.memory_space<vmem>>, %arg3: memref<2x1000x128xf32, #tpu.memory_space<vmem>>, %arg4: memref<2x1000x128xf32, #tpu.memory_space<vmem>>, %arg5: memref<1000x128xf32, #tpu.memory_space<vmem>>, %arg6: memref<128x128xf32, #tpu.memory_space<vmem>>, %arg7: memref<128x128xf32, #tpu.memory_space<vmem>>, %arg8: memref<1x128xf32, #tpu.memory_space<vmem>>, %arg9: memref<128x128xf32, #tpu.memory_space<vmem>>, %arg10: memref<1x128xf32, #tpu.memory_space<vmem>>, %arg11: memref<1000x128xf32, #tpu.memory_space<vmem>>) attributes {dimension_semantics = [#tpu.dimension_semantics<arbitrary>], iteration_bounds = array<i64: 10>, scalar_prefetch = 0 : i64, scratch_operands = 0 : i64, tpu.core_type = #tpu.core_type<tc>, window_params = [{transform_indices = @transform_0, window_bounds = array<i64: 1000, 128>}, {transform_indices = @transform_1, window_bounds = array<i64: 2, 1000, 128>}, {transform_indices = @transform_2, window_bounds = array<i64: 2, 1000, 128>}, {transform_indices = @transform_3, window_bounds = array<i64: 2, 1000, 128>}, {transform_indices = @transform_4, window_bounds = array<i64: 1000, 128>}, {pipeline_mode = #tpu.pipeline_mode<synchronous>, transform_indices = @transform_5, window_bounds = array<i64: 128, 128>}, {pipeline_mode = #tpu.pipeline_mode<synchronous>, transform_indices = @transform_6, window_bounds = array<i64: 128, 128>}, {pipeline_mode = #tpu.pipeline_mode<synchronous>, transform_indices = @transform_7, window_bounds = array<i64: 1, 128>}, {pipeline_mode = #tpu.pipeline_mode<synchronous>, transform_indices = @transform_8, window_bounds = array<i64: 128, 128>}, {pipeline_mode = #tpu.pipeline_mode<synchronous>, transform_indices = @transform_9, window_bounds = array<i64: 1, 128>}, {transform_indices = @transform_10, window_bounds = array<i64: 1000, 128>}]} {
    %get3A = arith.constant 0 : index
    %get3A_0 = arith.constant 0 : index
    %get3A_1 = vector.load %arg1[%get3A, %get3A_0] : memref<1000x128xf32, #tpu.memory_space<vmem>>, vector<1000x128xf32>
    %get3A_2 = arith.constant 0 : index
    %get3A_3 = arith.constant 0 : index
    %get3A_4 = arith.constant 0 : index
    %get3A_5 = vector.load %arg4[%get3A_2, %get3A_3, %get3A_4] : memref<2x1000x128xf32, #tpu.memory_space<vmem>>, vector<1x1000x1xf32>
    %get3A_6 = vector.shape_cast %get3A_5 : vector<1x1000x1xf32> to vector<1000x1xf32>
    %get3A_7 = arith.constant 1 : index
    %get3A_8 = arith.constant 0 : index
    %get3A_9 = arith.constant 0 : index
    %get3A_10 = vector.load %arg4[%get3A_7, %get3A_8, %get3A_9] : memref<2x1000x128xf32, #tpu.memory_space<vmem>>, vector<1x1000x1xf32>
    %get3A_11 = vector.shape_cast %get3A_10 : vector<1x1000x1xf32> to vector<1000x1xf32>
    %add3A = arith.addf %get3A_6, %get3A_11 : vector<1000x1xf32>
    %get3A_12 = arith.constant 0 : index
    %get3A_13 = arith.constant 0 : index
    %get3A_14 = arith.constant 0 : index
    %get3A_15 = vector.load %arg2[%get3A_12, %get3A_13, %get3A_14] : memref<2x1000x128xf32, #tpu.memory_space<vmem>>, vector<1x1000x128xf32>
    %get3A_16 = vector.shape_cast %get3A_15 : vector<1x1000x128xf32> to vector<1000x128xf32>
    %get3A_17 = arith.constant 1 : index
    %get3A_18 = arith.constant 0 : index
    %get3A_19 = arith.constant 0 : index
    %get3A_20 = vector.load %arg2[%get3A_17, %get3A_18, %get3A_19] : memref<2x1000x128xf32, #tpu.memory_space<vmem>>, vector<1x1000x128xf32>
    %get3A_21 = vector.shape_cast %get3A_20 : vector<1x1000x128xf32> to vector<1000x128xf32>
    %add3A_22 = arith.addf %get3A_16, %get3A_21 : vector<1000x128xf32>
    %get3A_23 = arith.constant 0 : index
    %get3A_24 = arith.constant 0 : index
    %get3A_25 = arith.constant 0 : index
    %get3A_26 = vector.load %arg3[%get3A_23, %get3A_24, %get3A_25] : memref<2x1000x128xf32, #tpu.memory_space<vmem>>, vector<1x1000x128xf32>
    %get3A_27 = vector.shape_cast %get3A_26 : vector<1x1000x128xf32> to vector<1000x128xf32>
    %get3A_28 = arith.constant 1 : index
    %get3A_29 = arith.constant 0 : index
    %get3A_30 = arith.constant 0 : index
    %get3A_31 = vector.load %arg3[%get3A_28, %get3A_29, %get3A_30] : memref<2x1000x128xf32, #tpu.memory_space<vmem>>, vector<1x1000x128xf32>
    %get3A_32 = vector.shape_cast %get3A_31 : vector<1x1000x128xf32> to vector<1000x128xf32>
    %add3A_33 = arith.addf %get3A_27, %get3A_32 : vector<1000x128xf32>
    %add3A_34 = arith.addf %add3A_22, %add3A_33 : vector<1000x128xf32>
    %get3A_35 = arith.constant 0 : index
    %get3A_36 = arith.constant 0 : index
    %get3A_37 = vector.load %arg5[%get3A_35, %get3A_36] : memref<1000x128xf32, #tpu.memory_space<vmem>>, vector<1000x128xf32>
    %mul3A = vector.broadcast %add3A : vector<1000x1xf32> to vector<1000x128xf32>
    %mul3A_38 = arith.mulf %mul3A, %get3A_37 : vector<1000x128xf32>
    %add3A_39 = arith.addf %add3A_34, %mul3A_38 : vector<1000x128xf32>
    %get3A_40 = arith.constant 0 : index
    %get3A_41 = arith.constant 0 : index
    %get3A_42 = vector.load %arg6[%get3A_40, %get3A_41] : memref<128x128xf32, #tpu.memory_space<vmem>>, vector<128x128xf32>
    %dot_general3A = arith.constant dense<0.000000e+00> : vector<1000x128xf32>
    %dot_general3A_43 = tpu.matmul %get3A_1, %get3A_42, %dot_general3A {dimension_numbers = #tpu.dot_dimension_numbers<[1], [0], [0], [1], [0, 0, 1, 1], [], []>, transpose_lhs_hint = false} : vector<1000x128xf32>, vector<128x128xf32>, vector<1000x128xf32> -> vector<1000x128xf32>
    %get3A_44 = arith.constant 0 : index
    %get3A_45 = arith.constant 0 : index
    %get3A_46 = vector.load %arg7[%get3A_44, %get3A_45] : memref<128x128xf32, #tpu.memory_space<vmem>>, vector<128x128xf32>
    %dot_general3A_47 = arith.constant dense<0.000000e+00> : vector<1000x128xf32>
    %dot_general3A_48 = tpu.matmul %add3A_39, %get3A_46, %dot_general3A_47 {dimension_numbers = #tpu.dot_dimension_numbers<[1], [0], [0], [1], [0, 0, 1, 1], [], []>, transpose_lhs_hint = false} : vector<1000x128xf32>, vector<128x128xf32>, vector<1000x128xf32> -> vector<1000x128xf32>
    %add3A_49 = arith.addf %dot_general3A_43, %dot_general3A_48 : vector<1000x128xf32>
    %get3A_50 = arith.constant 0 : index
    %get3A_51 = arith.constant 0 : index
    %get3A_52 = vector.load %arg8[%get3A_50, %get3A_51] : memref<1x128xf32, #tpu.memory_space<vmem>>, vector<1x128xf32>
    %add3A_53 = vector.broadcast %get3A_52 : vector<1x128xf32> to vector<1000x128xf32>
    %add3A_54 = arith.addf %add3A_49, %add3A_53 : vector<1000x128xf32>
    %logistic3A = arith.negf %add3A_54 : vector<1000x128xf32>
    %logistic3A_55 = math.exp %logistic3A : vector<1000x128xf32>
    %logistic3A_56 = arith.constant 1.000000e+00 : f32
    %logistic3A_57 = vector.broadcast %logistic3A_56 : f32 to vector<1000x128xf32>
    %logistic3A_58 = arith.addf %logistic3A_57, %logistic3A_55 : vector<1000x128xf32>
    %logistic3A_59 = arith.divf %logistic3A_57, %logistic3A_58 : vector<1000x128xf32>
    %mul3A_60 = arith.mulf %add3A_54, %logistic3A_59 : vector<1000x128xf32>
    %get3A_61 = arith.constant 0 : index
    %get3A_62 = arith.constant 0 : index
    %get3A_63 = vector.load %arg9[%get3A_61, %get3A_62] : memref<128x128xf32, #tpu.memory_space<vmem>>, vector<128x128xf32>
    %dot_general3A_64 = arith.constant dense<0.000000e+00> : vector<1000x128xf32>
    %dot_general3A_65 = tpu.matmul %mul3A_60, %get3A_63, %dot_general3A_64 {dimension_numbers = #tpu.dot_dimension_numbers<[1], [0], [0], [1], [0, 0, 1, 1], [], []>, transpose_lhs_hint = false} : vector<1000x128xf32>, vector<128x128xf32>, vector<1000x128xf32> -> vector<1000x128xf32>
    %get3A_66 = arith.constant 0 : index
    %get3A_67 = arith.constant 0 : index
    %get3A_68 = vector.load %arg10[%get3A_66, %get3A_67] : memref<1x128xf32, #tpu.memory_space<vmem>>, vector<1x128xf32>
    %add3A_69 = vector.broadcast %get3A_68 : vector<1x128xf32> to vector<1000x128xf32>
    %add3A_70 = arith.addf %dot_general3A_65, %add3A_69 : vector<1000x128xf32>
    %swap3A = arith.constant 0 : index
    %swap3A_71 = arith.constant 0 : index
    %swap3A_72 = vector.load %arg11[%swap3A, %swap3A_71] : memref<1000x128xf32, #tpu.memory_space<vmem>>, vector<1000x128xf32>
    tpu.vector_store %arg11[%swap3A, %swap3A_71], %add3A_70 {strides = array<i32>} : memref<1000x128xf32, #tpu.memory_space<vmem>>, vector<1000x128xf32>,
    return
  }
  func.func @transform_0(%arg0: i32) -> (i32, i32) {
    %c0_i32 = arith.constant 0 : i32
    %c0_i32_0 = arith.constant 0 : i32
    return %arg0, %c0_i32 : i32, i32
  }
  func.func @transform_1(%arg0: i32) -> (i32, i32, i32) {
    %c0_i32 = arith.constant 0 : i32
    %c0_i32_0 = arith.constant 0 : i32
    %c0_i32_1 = arith.constant 0 : i32
    return %c0_i32, %arg0, %c0_i32_0 : i32, i32, i32
  }
  func.func @transform_2(%arg0: i32) -> (i32, i32, i32) {
    %c0_i32 = arith.constant 0 : i32
    %c0_i32_0 = arith.constant 0 : i32
    %c0_i32_1 = arith.constant 0 : i32
    return %c0_i32, %arg0, %c0_i32_0 : i32, i32, i32
  }
  func.func @transform_3(%arg0: i32) -> (i32, i32, i32) {
    %c0_i32 = arith.constant 0 : i32
    %c0_i32_0 = arith.constant 0 : i32
    %c0_i32_1 = arith.constant 0 : i32
    return %c0_i32, %arg0, %c0_i32_0 : i32, i32, i32
  }
  func.func @transform_4(%arg0: i32) -> (i32, i32) {
    %c0_i32 = arith.constant 0 : i32
    %c0_i32_0 = arith.constant 0 : i32
    return %arg0, %c0_i32 : i32, i32
  }
  func.func @transform_5(%arg0: i32) -> (i32, i32) {
    %c0_i32 = arith.constant 0 : i32
    %c0_i32_0 = arith.constant 0 : i32
    %c0_i32_1 = arith.constant 0 : i32
    return %c0_i32, %c0_i32_0 : i32, i32
  }
  func.func @transform_6(%arg0: i32) -> (i32, i32) {
    %c0_i32 = arith.constant 0 : i32
    %c0_i32_0 = arith.constant 0 : i32
    %c0_i32_1 = arith.constant 0 : i32
    return %c0_i32, %c0_i32_0 : i32, i32
  }
  func.func @transform_7(%arg0: i32) -> (i32, i32) {
    %c0_i32 = arith.constant 0 : i32
    %c0_i32_0 = arith.constant 0 : i32
    %c0_i32_1 = arith.constant 0 : i32
    return %c0_i32, %c0_i32_0 : i32, i32
  }
  func.func @transform_8(%arg0: i32) -> (i32, i32) {
    %c0_i32 = arith.constant 0 : i32
    %c0_i32_0 = arith.constant 0 : i32
    %c0_i32_1 = arith.constant 0 : i32
    return %c0_i32, %c0_i32_0 : i32, i32
  }
  func.func @transform_9(%arg0: i32) -> (i32, i32) {
    %c0_i32 = arith.constant 0 : i32
    %c0_i32_0 = arith.constant 0 : i32
    %c0_i32_1 = arith.constant 0 : i32
    return %c0_i32, %c0_i32_0 : i32, i32
  }
  func.func @transform_10(%arg0: i32) -> (i32, i32) {
    %c0_i32 = arith.constant 0 : i32
    %c0_i32_0 = arith.constant 0 : i32
    return %arg0, %c0_i32 : i32, i32
  }
}

</mosaic_0001>

<sc_bundles>
// kernel: kernel.11.cloned.1.call-start
scs
__scs_entry_jumppad:
0x0: {  	(pc) =	sbr.rel $0x88, $3  }
0x1: {  	(tag) =	ssettag $0x0;
	lr =	simm.s32 $0x1  }
0x2: {  	[smem:$0x3F8E] =	sst lr;
	_ =	strace $0xD0000000  }
0x3: {  	_ = 	snop  }
0x4: {  	_ = 	snop  }
0x5: {  	_ = 	snop  }
0x6: {  	_ = 	snop  }
0x7: {  	_ = 	snop  }
__scs_overlays_trampoline_lowered:
0x8: {  	[smem:$0x3F9D] =	sst s0  }
0x9: {  	[smem:$0x3F9E] =	sst s1  }
0xa: {  	[smem:$0x3F9F] =	sst s2  }
0xb: {  	[smem:$0x3FA0] =	sst s3  }
0xc: {  	[smem:$0x3FA1] =	sst s4  }
0xd: {  	[smem:$0x3FA2] =	sst s5  }
0xe: {  	[smem:$0x3FA3] =	sst s6  }
0xf: {  	[smem:$0x3FA4] =	sst s7  }
0x10: {  	[smem:$0x3FA5] =	sst s8  }
0x11: {  	[smem:$0x3FA6] =	sst s9;
	s0 =	simm.s32 @!p0 $0x0  }
0x12: {  	s1 =	sld [smem:$0x3F8C];
	s0 =	simm.s32 @p0 $0x1  }
0x13: {  	[smem:$0x3FA7] =	sst s0;
	s0 =	simm.s32 @!p1 $0x0  }
0x14: {  	s2 =	sld [smem:$0x3F8B];
	s0 =	simm.s32 @p1 $0x1  }
0x15: {  	[smem:$0x3FA8] =	sst s0;
	s0 =	simm.s32 @!p2 $0x0  }
0x16: {  	s3 =	sld [smem:$0x3FDB];
	s0 =	simm.s32 @p2 $0x1  }
0x17: {  	s4 =	simm.s32 $0x1BF5;
	[smem:$0x3FAA] =	sst s0  }
0x18: {  	s0 =	sld [smem:$0x3F8D];
	_ =	swait.ge [sflag:s4], $0x0  }
0x19: {  	s7 =	sld [smem:$0x3F8E]  }
0x1a: {  	s8 =	sadd.s32 $0xFFFFE003, lr  }
0x1b: {  	s9 =	sadd.s32 $0xFFFFFEF7, lr;
	s5 =	simm.s32 $0xFFFFFFFF;
	p2 =	slt.u32 s8, $0xFFFFF086  }
0x1c: {  	p1 =	slt.u32 s9, $0xF7A;
	s5 =	simm.s32 @!p2 $0x0  }
0x1d: {  	s5 =	simm.s32 @p1 $0x1;
	p0 =	seq.s32 s7, s2  }
0x1e: {  	s7 =	smul.u32 @!p0 $0xF7A, s2;
	p2 =	seq.s32 @!p0 s5, $0x0  }
0x1f: {  	s9 =	smul.u32 $0xF7A, s1;
	s8 =	simm.s32 @!p0 $0x1BF5;
	p2 =	por !p2, p0  }
0x20: {  	[sflag:s8] =	ssyncset.s32 @!p0 $0xFFFFF086;
	s6 =	sadd.s32 @!p0 s3, s7;
	s7 =	simm.s32 @!p0 $0x108  }
0x21: {  	s3 =	sadd.s32 s3, s9;
	s6 =	sadd.s32 @!p0 $0x88, s6;
	s7 =	simm.s32 @p2 $0x1082  }
0x22: {  	[simem:s7], [sflag:s8] =	dma.local @!p0 [hbm:s6], $0xF7A  }
0x23: {  	s9 =	sor.u32 $0xD0000000, s2;
	s6 =	simm.s32 $0x108;
	_ =	swait.ge @!p0 [sflag:s8], $0x0  }
0x24: {  	s3 =	sadd.s32 $0x88, s3;
	s6 =	simm.s32 @!p1 $0x1082;
	[sflag:s4] =	ssyncset.s32 $0xFFFFF086  }
0x25: {  	[simem:s6], [sflag:s4] =	dma.local [hbm:s3], $0xF7A  }
0x26: {  	[smem:$0x3F8E] =	sst s1;
	(tag) =	ssettag s2;
	_ =	strace s9  }
0x27: {  	s1 =	sld [smem:$0x3F9E]  }
0x28: {  	s2 =	sld [smem:$0x3F9F]  }
0x29: {  	s4 =	sld [smem:$0x3FA1]  }
0x2a: {  	p0 =	seq.s32 s5, $0x0;
	s5 =	sld [smem:$0x3FA2]  }
0x2b: {  	s6 =	sld [smem:$0x3FA3]  }
0x2c: {  	s7 =	sld [smem:$0x3FA4]  }
0x2d: {  	s3 =	simm.s32 $0x108;
	s8 =	sld [smem:$0x3FA5]  }
0x2e: {  	s3 =	simm.s32 @!p0 $0x1082;
	s9 =	sld [smem:$0x3FA6]  }
0x2f: {  	lr =	sadd.s32 s0, s3;
	s0 =	sld [smem:$0x3F9D]  }
0x30: {  	s3 =	sld [smem:$0x3FA0]  }
0x31: {  	[smem:$0x3FA9] =	sst s10  }
0x32: {  	s10 =	sld [smem:$0x3FA7];
	_ =	sdelay $0x3  }
0x33: {  	p0 =	seq.s32 s10, $0x1;
	s10 =	sld [smem:$0x3FA9];
	_ =	sdelay $0x3  }
0x34: {  	[smem:$0x3FA9] =	sst s10  }
0x35: {  	s10 =	sld [smem:$0x3FA8];
	_ =	sdelay $0x3  }
0x36: {  	p1 =	seq.s32 s10, $0x1;
	s10 =	sld [smem:$0x3FA9];
	_ =	sdelay $0x3  }
0x37: {  	[smem:$0x3FA9] =	sst s10  }
0x38: {  	s10 =	sld [smem:$0x3FAA]  }
0x39: {  	_ = 	snop;
	(pc) =	sbr.ind lr, $3  }
0x3a: {  	_ = 	snop  }
0x3b: {  	_ = 	snop  }
0x3c: {  	p2 =	seq.s32 s10, $0x1;
	s10 =	sld [smem:$0x3FA9]  }
0x3d: {  	_ =	shalt  }
0x3e: {  	_ =	shalt  }
0x3f: {  	_ =	shalt  }
0x40: {  	_ =	shalt  }
0x41: {  	_ =	shalt  }
0x42: {  	_ =	shalt  }
0x43: {  	_ =	shalt  }
0x44: {  	_ =	shalt  }
0x45: {  	_ =	shalt  }
0x46: {  	_ =	shalt  }
0x47: {  	_ =	shalt  }
0x48: {  	_ =	shalt  }
0x49: {  	_ =	shalt  }
0x4a: {  	_ =	shalt  }
0x4b: {  	_ =	shalt  }
0x4c: {  	_ =	shalt  }
0x4d: {  	_ =	shalt  }
0x4e: {  	_ =	shalt  }
0x4f: {  	_ =	shalt  }
0x50: {  	_ =	shalt  }
0x51: {  	_ =	shalt  }
0x52: {  	_ =	shalt  }
0x53: {  	_ =	shalt  }
0x54: {  	_ =	shalt  }
0x55: {  	_ =	shalt  }
0x56: {  	_ =	shalt  }
0x57: {  	_ =	shalt  }
0x58: {  	_ =	shalt  }
0x59: {  	_ =	shalt  }
0x5a: {  	_ =	shalt  }
0x5b: {  	_ =	shalt  }
0x5c: {  	_ =	shalt  }
0x5d: {  	_ =	shalt  }
0x5e: {  	_ =	shalt  }
0x5f: {  	_ =	shalt  }
0x60: {  	_ =	shalt  }
0x61: {  	_ =	shalt  }
0x62: {  	_ =	shalt  }
0x63: {  	_ =	shalt  }
0x64: {  	_ =	shalt  }
0x65: {  	_ =	shalt  }
0x66: {  	_ =	shalt  }
0x67: {  	_ =	shalt  }
0x68: {  	_ =	shalt  }
0x69: {  	_ =	shalt  }
0x6a: {  	_ =	shalt  }
0x6b: {  	_ =	shalt  }
0x6c: {  	_ =	shalt  }
0x6d: {  	_ =	shalt  }
0x6e: {  	_ =	shalt  }
0x6f: {  	_ =	shalt  }
0x70: {  	_ =	shalt  }
0x71: {  	_ =	shalt  }
0x72: {  	_ =	shalt  }
0x73: {  	_ =	shalt  }
0x74: {  	_ =	shalt  }
0x75: {  	_ =	shalt  }
0x76: {  	_ =	shalt  }
0x77: {  	_ =	shalt  }
0x78: {  	_ =	shalt  }
0x79: {  	_ =	shalt  }
0x7a: {  	_ =	shalt  }
0x7b: {  	_ =	shalt  }
0x7c: {  	_ =	shalt  }
0x7d: {  	_ =	shalt  }
0x7e: {  	_ =	shalt  }
0x7f: {  	_ =	shalt  }
0x80: {  	_ =	shalt  }
0x81: {  	_ =	shalt  }
0x82: {  	_ =	shalt  }
0x83: {  	_ =	shalt  }
0x84: {  	_ =	shalt  }
0x85: {  	_ =	shalt  }
0x86: {  	_ =	shalt  }
0x87: {  	_ =	shalt  }
.Lfunc_end0:
.L_simem_size_0:
called_computation.1_lowered:
.L_overlay_start_0:
0x88: {  	s2 =	sld [smem:$0x3FD9]  }
0x89: {  	s3 =	sld [smem:$0x3FFE];
	_ =	sdelay $0x1  }
0x8a: {  	s1 =	srdreg.scid  }
0x8b: {  	s0 =	sand.u32 $0x1, s1  }
0x8c: {  	s17 =	sshll.u32 s0, $0xA;
	s2 =	sadd.s32 s3, s2  }
0x8d: {  	s2 =	sadd.s32 s2, s17  }
0x8e: {  	[smem:$0x3FB5] =	sst s2  }
0x8f: {  	_ = 	snop  }
0x90: {  	s18 =	sld [smem:$0x3FD0];
	(tm) =	ssettm $0x1  }
0x91: {  	s19 =	sld [smem:$0x3FFB];
	_ =	sdelay $0x3  }
0x92: {  	_ =	strace s19  }
0x93: {  	s2 =	sld [smem:$0x3FFC];
	_ =	sdelay $0x3  }
0x94: {  	_ =	strace s2  }
0x95: {  	s2 =	sld [smem:$0x3FFD];
	_ =	sdelay $0x3  }
0x96: {  	_ =	strace s2  }
0x97: {  	_ =	strace $0x8FFFFFFF  }
0x98: {  	s20 =	sld [smem:$0x3FDB];
	_ =	sdelay $0x1  }
0x99: {  	s4 =	simm.s32 $_scs_section_size  }
0x9a: {  	s5 =	simm.s32 $_size__tile_overlayer_lowered;
	s6 =	simm.s32 $_tile_overlayer_lowered  }
0x9b: {  	s7 =	simm.s32 $0x1BFF;
	s21 =	sshll.u32 s6, $0x1;
	s4 =	sadd.s32 s4, s20  }
0x9c: {  	s22 =	simm.s32 $0x0;
	s5 =	sshll.u32 s5, $0x1;
	s6 =	sadd.s32 s21, s4  }
0x9d: {  	[timem:s22], [sflag:s7] =	dma.local [hbm:s6], s5  }
0x9e: {  	_ =	swait.ge [sflag:s7], s5  }
0x9f: {  	s5 =	ssub.s32 $0x0, s5;
	[sflag:s7] =	ssyncset.done $0x0  }
0xa0: {  	[sflag:s7] =	ssyncadd.s32 s5;
	_ =	sdelay $0x1  }
0xa1: {  	s23 =	simm.s32 $0x1B8B  }
0xa2: {  	_ =	swait.ge [sflag:s23], $0x1  }
0xa3: {  	[sflag:s23] =	ssyncset.done $0x0  }
0xa4: {  	[sflag:s23] =	ssyncadd.s32 $0xFFFFFFFF  }
0xa5: {  	s5 =	sld [smem:$0x0]  }
0xa6: {  	s6 =	sand.u32 $0xFFFFFFFE, s1  }
0xa7: {  	p0 =	sne.s32 s1, s6  }
0xa8: {  	s6 =	sshll.u32 @p0 s6, $0xE  }
0xa9: {  	s6 =	sadd.s32 @p0 $0x11B8D, s6;
	s7 =	sshll.u32 @p0 s5, $0x11  }
0xaa: {  	s6 =	sor.u32 @p0 s7, s6  }
0xab: {  	[sflag:s6] =	ssyncadd.remote.s32 @p0 $0x1;
	_ =	sdelay $0x1  }
0xac: {  	s6 =	simm.s32 @p0 $0x1B8D  }
0xad: {  	_ =	swait.eq @p0 [sflag:s6], $0x1  }
0xae: {  	[sflag:s6] =	ssyncadd.s32 @p0 $0xFFFFFFFF  }
0xaf: {  	s7 =	sshll.u32 @!p0 s1, $0xE  }
0xb0: {  	s7 =	sor.u32 @!p0 $0x4000, s7;
	s6 =	simm.s32 @!p0 $0x1B8D  }
0xb1: {  	s5 =	sshll.u32 @!p0 s5, $0x11;
	s7 =	sadd.s32 @!p0 $0x11B8D, s7;
	_ =	swait.eq @!p0 [sflag:s6], $0x1  }
0xb2: {  	s5 =	sor.u32 @!p0 s5, s7;
	[sflag:s6] =	ssyncadd.s32 @!p0 $0xFFFFFFFF  }
0xb3: {  	s25 =	simm.s32 $0x1B8E;
	s24 =	sld [smem:$0x3FFE];
	[sflag:s5] =	ssyncadd.remote.s32 @!p0 $0x1  }
0xb4: {  	s26 =	simm.s32 $execute0_lowered;
	[smem:$0x3FD2] =	sst s25  }
0xb5: {  	s6 =	sshll.u32 s26, $0x1;
	_ =	strace $0x8000004C;
	[dreg:$0x1] =	wrdreg $0xFFFFFFFF  }
0xb6: {  	s28 =	simm.s32 $_size_execute0_lowered;
	s4 =	sadd.s32 s4, s6;
	[dreg:$0x0] =	wrdreg $0x0  }
0xb7: {  	s6 =	sshll.u32 s28, $0x1;
	[dreg:$0x2] =	wrdreg s4  }
0xb8: {  	[dreg:$0x3] =	wrdreg s6  }
0xb9: {  	[dreg:$0x4] =	wrdreg $0xC0  }
0xba: {  	_ =	task [dreg:s22], $0x5FFFF  }
0xbb: {  	[dreg:$0x1] =	wrdreg $0xFFFFFFFF  }
0xbc: {  	[dreg:$0x0] =	wrdreg $0x60  }
0xbd: {  	[dreg:$0x2] =	wrdreg s24  }
0xbe: {  	[dreg:$0x3] =	wrdreg s18  }
0xbf: {  	[dreg:$0x4] =	wrdreg $0x2A000  }
0xc0: {  	[dreg:$0x5] =	wrdreg $0xA  }
0xc1: {  	_ =	task.clear_ibuf [dreg:s22], $0x6FFFF;
	_ =	strace $0x9000004C  }
0xc2: {  	s29 =	simm.s32 $0xA;
	_ =	strace $0x8000004E  }
0xc3: {  	_ =	swait.ge [sflag:s29], $0x1  }
0xc4: {  	[sflag:s29] =	ssyncadd.s32 $0xFFFFFFFF  }
0xc5: {  	_ =	strace $0x9000004E  }
0xc6: {  	_ =	sfence  }
0xc7: {  	s30 =	sld [smem:$0x0];
	_ =	sdelay $0x2  }
0xc8: {  	s31 =	sshll.u32 s1, $0xD;
	s1 =	sshrl.u32 s1, $0x2  }
0xc9: {  	s4 =	sand.u32 $0x4000, s31;
	s1 =	sadd.s32 s1, s30  }
0xca: {  	s0 =	sor.u32 s4, s0;
	s1 =	sshll.u32 s1, $0x11  }
0xcb: {  	s0 =	sor.u32 s1, s0  }
0xcc: {  	s0 =	sadd.s32 $0x8F2B, s0  }
0xcd: {  	[sflag:s0] =	ssyncadd.remote.s32 $0x1  }
0xce: {  	_ =	sfence.sel $0xFFFF  }
0xcf: {  	[dreg:$0x0] =	wrdreg $0xFFFFFFFF;
	(pc) =	sbr.abs _section_cstart, $3  }
0xd0: {  	[dreg:$0x1] =	wrdreg $0xFFFFFFFF  }
0xd1: {  	_ =	task.clear_ibuf [dreg:s22], $0x2FFFF;
	_ =	strace $0x9FFFFFFF  }
0xd2: {  	(tm) =	ssettm $0x7FFFFFFF  }
0xd3: {  	_ =	shalt  }
tec
execute0_lowered:
.L_overlay_start_1:
0x0: {  	(tag) =	ssettag $0x1  }
0x1: {  	s7 =	rddreg [dreg:$0x0]  }
0x2: {  	s2 =	rddreg [dreg:$0x1]  }
0x3: {  	s3 =	rddreg [dreg:$0x2];
	s4 =	simm.s32 $0x0;
	s1 =	stileid.u32  }
0x4: {  	s6 =	srdreg.scid;
	s20 =	simm.s32 $0x2880;
	s21 =	simm.s32 $0x2900  }
0x5: {  	s22 =	simm.s32 $0x2980;
	s23 =	simm.s32 $0x1;
	s24 =	simm.s32 $0x50  }
0x6: {  	[smem:$0x7FF] =	sst s4;
	s9 =	smul.u32 $0x13800, s1;
	s15 =	sadd.s32 $0xF600, s7  }
0x7: {  	s8 =	sand.u32 $0x1, s6;
	s25 =	smul.u32 $0x4E000, s1;
	s10 =	sadd.s32 $0x5E5C00, s7  }
0x8: {  	s18 =	sadd.s32 $0x138000, s3;
	s30 =	smul.u32 $0x2710, s1;
	p0 =	sne.s32 s1, $0xF  }
0x9: {  	s26 =	sshll.u32 s1, $0x6;
	_ =	strace $0x8000004D;
	s28 =	smul.u32 $0x138800, s8  }
0xa: {  	s11 =	ssub.s32 $0x2, s8;
	s12 =	sshll.u32 s8, $0x4;
	s14 =	smul.u32 $0x27100, s8  }
0xb: {  	s18 =	sshrl.u32 @!p0 s18, $0x3;
	s5 =	sshrl.u32 s9, $0x3;
	s13 =	sshrl.u32 s11, $0x1  }
0xc: {  	s12 =	sor.u32 s1, s12;
	s6 =	sshrl.u32 s25, $0x2;
	s25 =	simm.s32 $0x2  }
0xd: {  	s5 =	sadd.s32 s5, s7;
	s11 =	ssub.s32 s11, s13;
	s12 =	smul.u32 $0x2710, s12  }
0xe: {  	s16 =	sadd.s32 s6, s3;
	s6 =	sor.u32 $0x1C03, s26;
	s7 =	sadd.s32 $0x67600, s7  }
0xf: {  	s9 =	sadd.s32 s9, s28;
	s13 =	sshrl.u32 s28, $0x3;
	s14 =	sadd.s32 s30, s14  }
0x10: {  	s26 =	simm.s32 $0x0;
	s5 =	sadd.s32 $0x40600, s5;
	s9 =	sshrl.u32 s9, $0x3  }
0x11: {  	s11 =	smax.u32 s11, $0x1;
	s31 =	sadd.s32 $0xA0, s14;
	s17 =	sadd.s32 $0x50, s14  }
0x12: {  	s19 =	sshrl.u32 s14, $0x3;
	s16 =	sshrl.u32 s16, $0x3;
	s12 =	sshrl.u32 s12, $0x3  }
0x13: {  	s9 =	sadd.s32 s10, s9;
	s10 =	sadd.s32 s10, s13;
	s13 =	sshrl.u32 s31, $0x3  }
0x14: {  	s17 =	sshrl.u32 s17, $0x3;
	s29 =	sadd.s32 s15, s12;
	s12 =	sadd.s32 $0xF0, s14  }
0x15: {  	s10 =	sadd.s32 $0x27000, s10;
	s13 =	sadd.s32 s13, s15;
	s14 =	sadd.s32 s17, s15  }
0x16: {  	s17 =	simm.s32 $0x3;
	s8 =	sadd.s32 $0x4D8, s29;
	s12 =	sshrl.u32 s12, $0x3  }
0x17: {  	s12 =	sadd.s32 s12, s15;
	s15 =	sadd.s32 s19, s15;
	s19 =	simm.s32 $0x2800  }
.LBB2_1:
0x18: {  	[spmem:s16], [sflag:s6] =	dma.local [hbm:s5], $0x2700  }
0x19: {  	_ =	swait.ge [sflag:s17], $0x2700  }
0x1a: {  	[sflag:s17] =	ssyncset.done $0x0  }
0x1b: {  	s28 =	simm.s32 @!p0 $0x3;
	[sflag:s17] =	ssyncadd.s32 $0xFFFFD900  }
0x1c: {  	[spmem:s18], [sflag:s6] =	dma.local @!p0 [hbm:s7], $0x100  }
0x1d: {  	_ =	swait.ge @!p0 [sflag:s28], $0x100  }
0x1e: {  	[sflag:s28] =	ssyncset.done @!p0 $0x0  }
0x1f: {  	[sflag:s28] =	ssyncadd.s32 @!p0 $0xFFFFFF00  }
0x20: {  	[tilespmem:s4], [sflag:$0x3] =	stream.linear.gather [hbm4b:s2+s4], $0x2800, $0x38;
	[tilespmem:$0x16280] =	vst v63  }
0x21: {  	_ =	swait.ge [sflag:s17], $0x2800  }
0x22: {  	[sflag:s17] =	ssyncset.done $0x0  }
0x23: {  	[sflag:s17] =	ssyncadd.s32 $0xFFFFD800  }
0x24: {  	s28 =	sadd.s32 $0x0, s15;
	[bflag:$0x0] =	sbarrier.arrive $0xFFFF  }
0x25: {  	[tilespmem:s19], [sflag:$0x1] =	stream.linear.gather [hbm4b:s28+s4], $0x50, $0x38;
	[tilespmem:$0x16280] =	vst v63  }
0x26: {  	s28 =	sadd.s32 $0x0, s14  }
0x27: {  	[tilespmem:s20], [sflag:$0x1] =	stream.linear.gather [hbm4b:s28+s4], $0x50, $0x38;
	[tilespmem:$0x16280] =	vst v63  }
0x28: {  	s28 =	sadd.s32 $0x0, s13  }
0x29: {  	[tilespmem:s21], [sflag:$0x1] =	stream.linear.gather [hbm4b:s28+s4], $0x50, $0x38;
	[tilespmem:$0x16280] =	vst v63  }
0x2a: {  	s28 =	sadd.s32 $0x0, s12  }
0x2b: {  	[tilespmem:s22], [sflag:$0x1] =	stream.linear.gather [hbm4b:s28+s4], $0x50, $0x38;
	[tilespmem:$0x16280] =	vst v63  }
0x2c: {  	_ =	swait.ge [sflag:s23], $0x50  }
0x2d: {  	[sflag:s23] =	ssyncset.done $0x0  }
0x2e: {  	[sflag:s23] =	ssyncadd.s32 $0xFFFFFFB0  }
0x2f: {  	[spmem:s3] =	stream.indirect.scatter.add.f32 [tilespmem:s4], [sflag:$0x2], $0x80, s19, s24, $0xb8;
	[tilespmem:$0x16280] =	vst v63  }
0x30: {  	_ =	swait.ge [sflag:s23], $0x50  }
0x31: {  	[sflag:s23] =	ssyncset.done $0x0  }
0x32: {  	[sflag:s23] =	ssyncadd.s32 $0xFFFFFFB0  }
0x33: {  	[spmem:s3] =	stream.indirect.scatter.add.f32 [tilespmem:s4], [sflag:$0x2], $0x80, s20, s24, $0xb8;
	[tilespmem:$0x16280] =	vst v63  }
0x34: {  	_ =	swait.ge [sflag:s23], $0x50  }
0x35: {  	[sflag:s23] =	ssyncset.done $0x0  }
0x36: {  	[sflag:s23] =	ssyncadd.s32 $0xFFFFFFB0  }
0x37: {  	[spmem:s3] =	stream.indirect.scatter.add.f32 [tilespmem:s4], [sflag:$0x2], $0x80, s21, s24, $0xb8;
	[tilespmem:$0x16280] =	vst v63  }
0x38: {  	_ =	swait.ge [sflag:s23], $0x50  }
0x39: {  	[sflag:s23] =	ssyncset.done $0x0  }
0x3a: {  	[sflag:s23] =	ssyncadd.s32 $0xFFFFFFB0  }
0x3b: {  	[spmem:s3] =	stream.indirect.scatter.add.f32 [tilespmem:s4], [sflag:$0x2], $0x80, s22, s24, $0xb8;
	[tilespmem:$0x16280] =	vst v63  }
0x3c: {  	_ =	swait.ge [sflag:s25], $0x2800  }
0x3d: {  	[sflag:s25] =	ssyncset.done $0x0  }
0x3e: {  	[sflag:s25] =	ssyncadd.s32 $0xFFFFD800  }
0x3f: {  	_ =	swait.ge [sflag:s25], $0x2800  }
0x40: {  	[sflag:s25] =	ssyncset.done $0x0  }
0x41: {  	[sflag:s25] =	ssyncadd.s32 $0xFFFFD800  }
0x42: {  	_ =	swait.ge [sflag:s25], $0x2800  }
0x43: {  	[sflag:s25] =	ssyncset.done $0x0  }
0x44: {  	[sflag:s25] =	ssyncadd.s32 $0xFFFFD800  }
0x45: {  	_ =	swait.ge [sflag:s25], $0x2800  }
0x46: {  	s30 =	simm.s32 $0x50;
	s28 =	simm.s32 $0x28;
	[sflag:s25] =	ssyncset.done $0x0  }
.LBB2_2:
0x47: {  	s31 =	sadd.s32 s28, s15  }
0x48: {  	[sflag:s25] =	ssyncadd.s32 $0xFFFFD800;
	s0 =	smov.u32 s30;
	s29 =	sadd.s32 $0x28, s30  }
0x49: {  	[tilespmem:s19], [sflag:$0x1] =	stream.linear.gather [hbm4b:s31+s4], $0x50, $0x38;
	[tilespmem:$0x16280] =	vst v63  }
0x4a: {  	p1 =	sne.s32 s30, $0x4B0;
	s30 =	sadd.s32 s28, s14  }
0x4b: {  	[tilespmem:s20], [sflag:$0x1] =	stream.linear.gather [hbm4b:s30+s4], $0x50, $0x38;
	[tilespmem:$0x16280] =	vst v63  }
0x4c: {  	s30 =	sadd.s32 s28, s13  }
0x4d: {  	[tilespmem:s21], [sflag:$0x1] =	stream.linear.gather [hbm4b:s30+s4], $0x50, $0x38;
	[tilespmem:$0x16280] =	vst v63  }
0x4e: {  	s30 =	sadd.s32 s28, s12;
	s28 =	smov.u32 s0  }
0x4f: {  	[tilespmem:s22], [sflag:$0x1] =	stream.linear.gather [hbm4b:s30+s4], $0x50, $0x38;
	[tilespmem:$0x16280] =	vst v63  }
0x50: {  	_ =	swait.ge [sflag:s23], $0x50  }
0x51: {  	[sflag:s23] =	ssyncset.done $0x0  }
0x52: {  	[sflag:s23] =	ssyncadd.s32 $0xFFFFFFB0  }
0x53: {  	[spmem:s3] =	stream.indirect.scatter.add.f32 [tilespmem:s4], [sflag:$0x2], $0x80, s19, s24, $0xb8;
	[tilespmem:$0x16280] =	vst v63  }
0x54: {  	_ =	swait.ge [sflag:s23], $0x50  }
0x55: {  	[sflag:s23] =	ssyncset.done $0x0  }
0x56: {  	[sflag:s23] =	ssyncadd.s32 $0xFFFFFFB0  }
0x57: {  	[spmem:s3] =	stream.indirect.scatter.add.f32 [tilespmem:s4], [sflag:$0x2], $0x80, s20, s24, $0xb8;
	[tilespmem:$0x16280] =	vst v63  }
0x58: {  	_ =	swait.ge [sflag:s23], $0x50  }
0x59: {  	[sflag:s23] =	ssyncset.done $0x0  }
0x5a: {  	[sflag:s23] =	ssyncadd.s32 $0xFFFFFFB0  }
0x5b: {  	[spmem:s3] =	stream.indirect.scatter.add.f32 [tilespmem:s4], [sflag:$0x2], $0x80, s21, s24, $0xb8;
	[tilespmem:$0x16280] =	vst v63  }
0x5c: {  	_ =	swait.ge [sflag:s23], $0x50  }
0x5d: {  	[sflag:s23] =	ssyncset.done $0x0  }
0x5e: {  	[sflag:s23] =	ssyncadd.s32 $0xFFFFFFB0  }
0x5f: {  	[spmem:s3] =	stream.indirect.scatter.add.f32 [tilespmem:s4], [sflag:$0x2], $0x80, s22, s24, $0xb8;
	[tilespmem:$0x16280] =	vst v63  }
0x60: {  	_ =	swait.ge [sflag:s25], $0x2800  }
0x61: {  	[sflag:s25] =	ssyncset.done $0x0  }
0x62: {  	[sflag:s25] =	ssyncadd.s32 $0xFFFFD800  }
0x63: {  	_ =	swait.ge [sflag:s25], $0x2800  }
0x64: {  	[sflag:s25] =	ssyncset.done $0x0  }
0x65: {  	[sflag:s25] =	ssyncadd.s32 $0xFFFFD800  }
.Ltmp0:
0x66: {  	_ =	swait.ge [sflag:s25], $0x2800;
	(pc) =	sbr.rel @p1 .LBB2_2-.Ltmp0, $4  }
0x67: {  	[sflag:s25] =	ssyncset.done $0x0  }
0x68: {  	[sflag:s25] =	ssyncadd.s32 $0xFFFFD800  }
0x69: {  	_ =	swait.ge [sflag:s25], $0x2800  }
0x6a: {  	s30 =	smov.u32 s29;
	[sflag:s25] =	ssyncset.done $0x0  }
0x6b: {  	s0 =	sadd.s32 s28, s15;
	[sflag:s25] =	ssyncadd.s32 $0xFFFFD800  }
0x6c: {  	[tilespmem:s19], [sflag:$0x1] =	stream.linear.gather [hbm4b:s0+s4], $0x50, $0x38;
	[tilespmem:$0x16280] =	vst v63  }
0x6d: {  	s29 =	sadd.s32 s28, s14  }
0x6e: {  	[tilespmem:s20], [sflag:$0x1] =	stream.linear.gather [hbm4b:s29+s4], $0x50, $0x38;
	[tilespmem:$0x16280] =	vst v63  }
0x6f: {  	s30 =	sadd.s32 s28, s13  }
0x70: {  	[tilespmem:s21], [sflag:$0x1] =	stream.linear.gather [hbm4b:s30+s4], $0x50, $0x38;
	[tilespmem:$0x16280] =	vst v63  }
0x71: {  	s31 =	sadd.s32 s28, s12  }
0x72: {  	[tilespmem:s22], [sflag:$0x1] =	stream.linear.gather [hbm4b:s31+s4], $0x50, $0x38;
	[tilespmem:$0x16280] =	vst v63  }
0x73: {  	_ =	swait.ge [sflag:s23], $0x50  }
0x74: {  	[sflag:s23] =	ssyncset.done $0x0  }
0x75: {  	[sflag:s23] =	ssyncadd.s32 $0xFFFFFFB0  }
0x76: {  	[spmem:s3] =	stream.indirect.scatter.add.f32 [tilespmem:s4], [sflag:$0x2], $0x80, s19, s24, $0xb8;
	[tilespmem:$0x16280] =	vst v63  }
0x77: {  	_ =	swait.ge [sflag:s23], $0x50  }
0x78: {  	[sflag:s23] =	ssyncset.done $0x0  }
0x79: {  	[sflag:s23] =	ssyncadd.s32 $0xFFFFFFB0  }
0x7a: {  	[spmem:s3] =	stream.indirect.scatter.add.f32 [tilespmem:s4], [sflag:$0x2], $0x80, s20, s24, $0xb8;
	[tilespmem:$0x16280] =	vst v63  }
0x7b: {  	_ =	swait.ge [sflag:s23], $0x50  }
0x7c: {  	[sflag:s23] =	ssyncset.done $0x0  }
0x7d: {  	[sflag:s23] =	ssyncadd.s32 $0xFFFFFFB0  }
0x7e: {  	[spmem:s3] =	stream.indirect.scatter.add.f32 [tilespmem:s4], [sflag:$0x2], $0x80, s21, s24, $0xb8;
	[tilespmem:$0x16280] =	vst v63  }
0x7f: {  	_ =	swait.ge [sflag:s23], $0x50  }
0x80: {  	[sflag:s23] =	ssyncset.done $0x0  }
0x81: {  	[sflag:s23] =	ssyncadd.s32 $0xFFFFFFB0  }
0x82: {  	[spmem:s3] =	stream.indirect.scatter.add.f32 [tilespmem:s4], [sflag:$0x2], $0x80, s22, s24, $0xb8;
	[tilespmem:$0x16280] =	vst v63  }
0x83: {  	_ =	swait.ge [sflag:s25], $0x2800  }
0x84: {  	[sflag:s25] =	ssyncset.done $0x0  }
0x85: {  	[sflag:s25] =	ssyncadd.s32 $0xFFFFD800  }
0x86: {  	_ =	swait.ge [sflag:s25], $0x2800  }
0x87: {  	[sflag:s25] =	ssyncset.done $0x0  }
0x88: {  	[sflag:s25] =	ssyncadd.s32 $0xFFFFD800  }
0x89: {  	_ =	swait.ge [sflag:s25], $0x2800  }
0x8a: {  	[sflag:s25] =	ssyncset.done $0x0  }
0x8b: {  	[sflag:s25] =	ssyncadd.s32 $0xFFFFD800  }
0x8c: {  	_ =	swait.ge [sflag:s25], $0x2800  }
0x8d: {  	[sflag:s25] =	ssyncset.done $0x0  }
0x8e: {  	[sflag:s25] =	ssyncadd.s32 $0xFFFFD800  }
0x8f: {  	[tilespmem:s19], [sflag:$0x3] =	stream.linear.gather [hbm4b:s8+s4], $0x50, $0x38;
	[tilespmem:$0x16280] =	vst v63  }
0x90: {  	_ =	swait.ge [sflag:s17], $0x50  }
0x91: {  	[sflag:s17] =	ssyncset.done $0x0  }
0x92: {  	[sflag:s17] =	ssyncadd.s32 $0xFFFFFFB0  }
0x93: {  	[spmem:s3] =	stream.indirect.scatter.add.f32 [tilespmem:s4], [sflag:$0x2], $0x80, s19, s24, $0xb8;
	[tilespmem:$0x16280] =	vst v63  }
0x94: {  	_ =	swait.ge [sflag:s25], $0x2800  }
0x95: {  	[sflag:s25] =	ssyncset.done $0x0  }
0x96: {  	[sflag:s25] =	ssyncadd.s32 $0xFFFFD800  }
0x97: {  	[bflag:$0x0] =	sbarrier.arrive $0xFFFF  }
0x98: {  	[hbm:s9], [sflag:s6] =	dma.local [spmem:s16], $0x2700  }
0x99: {  	s26 =	sadd.s32 $0x1, s26;
	_ =	swait.ge [sflag:s17], $0x2700  }
0x9a: {  	p1 =	sne.s32 s26, s11;
	[sflag:s17] =	ssyncset.done $0x0  }
.Ltmp1:
0x9b: {  	s0 =	simm.s32 @!p0 $0x3;
	[sflag:s17] =	ssyncadd.s32 $0xFFFFD900;
	(pc) =	sbr.rel @p1 .LBB2_1-.Ltmp1, $4  }
0x9c: {  	[hbm:s10], [sflag:s6] =	dma.local @!p0 [spmem:s18], $0x100  }
0x9d: {  	_ =	swait.ge @!p0 [sflag:s0], $0x100  }
0x9e: {  	[sflag:s0] =	ssyncset.done @!p0 $0x0  }
0x9f: {  	[sflag:s0] =	ssyncadd.s32 @!p0 $0xFFFFFF00  }
0xa0: {  	_ =	sfence.sel $0x180000  }
0xa1: {  	[bflag:$0x0] =	sbarrier.arrive $0xFFFF  }
0xa2: {  	_ =	strace $0x9000004D  }
0xa3: {  	[bflag:$0x2] =	sbarrier.arrive $0xFFFF  }
0xa4: {  	p0 =	sne.s32 s1, $0x0;
	s0 =	rddreg [dreg:$0x3]  }
0xa5: {  	s0 =	sadd.s32 @!p0 $0x100000, s0  }
0xa6: {  	[sflag:s0] =	ssyncadd.tile.s32 @!p0 $0x1;
	_ =	shalt  }
.Lfunc_end2:
_tile_overlayer_lowered:
.L_overlay_start_2:
0xa7: {  	(tag) =	ssettag $0x2  }
0xa8: {  	s0 =	rddreg [dreg:$0x0];
	s2 =	stileid.u32  }
0xa9: {  	s1 =	rddreg [dreg:$0x1];
	p0 =	sne.s32 s2, $0x0  }
0xaa: {  	s3 =	rddreg [dreg:$0x2];
	[bflag:$0x3] =	sbarrier.arrive $0xFFFF;
	s2 =	simm.s32 @!p0 $0x1C03  }
0xab: {  	[timem:s3], [sflag:s2] =	dma.local @!p0 [hbm:s0], s1  }
0xac: {  	s0 =	simm.s32 @!p0 $0x3  }
0xad: {  	_ =	swait.ge @!p0 [sflag:s0], s1  }
0xae: {  	s1 =	ssub.s32 @!p0 $0x0, s1;
	[sflag:s0] =	ssyncset.done @!p0 $0x0  }
0xaf: {  	[sflag:s0] =	ssyncadd.s32 @!p0 s1  }
0xb0: {  	[bflag:$0x3] =	sbarrier.arrive $0xFFFF  }
0xb1: {  	_ =	shalt  }

// kernel: kernel.14.cloned.1.call-start
scs
__scs_entry_jumppad:
0x0: {  	(pc) =	sbr.rel $0x88, $3  }
0x1: {  	(tag) =	ssettag $0x0;
	lr =	simm.s32 $0x1  }
0x2: {  	[smem:$0x3F8E] =	sst lr;
	_ =	strace $0xD0000000  }
0x3: {  	_ = 	snop  }
0x4: {  	_ = 	snop  }
0x5: {  	_ = 	snop  }
0x6: {  	_ = 	snop  }
0x7: {  	_ = 	snop  }
__scs_overlays_trampoline_lowered:
0x8: {  	[smem:$0x3F9D] =	sst s0  }
0x9: {  	[smem:$0x3F9E] =	sst s1  }
0xa: {  	[smem:$0x3F9F] =	sst s2  }
0xb: {  	[smem:$0x3FA0] =	sst s3  }
0xc: {  	[smem:$0x3FA1] =	sst s4  }
0xd: {  	[smem:$0x3FA2] =	sst s5  }
0xe: {  	[smem:$0x3FA3] =	sst s6  }
0xf: {  	[smem:$0x3FA4] =	sst s7  }
0x10: {  	[smem:$0x3FA5] =	sst s8  }
0x11: {  	[smem:$0x3FA6] =	sst s9;
	s0 =	simm.s32 @!p0 $0x0  }
0x12: {  	s1 =	sld [smem:$0x3F8C];
	s0 =	simm.s32 @p0 $0x1  }
0x13: {  	[smem:$0x3FA7] =	sst s0;
	s0 =	simm.s32 @!p1 $0x0  }
0x14: {  	s2 =	sld [smem:$0x3F8B];
	s0 =	simm.s32 @p1 $0x1  }
0x15: {  	[smem:$0x3FA8] =	sst s0;
	s0 =	simm.s32 @!p2 $0x0  }
0x16: {  	s3 =	sld [smem:$0x3FDB];
	s0 =	simm.s32 @p2 $0x1  }
0x17: {  	s4 =	simm.s32 $0x1BF5;
	[smem:$0x3FAA] =	sst s0  }
0x18: {  	s0 =	sld [smem:$0x3F8D];
	_ =	swait.ge [sflag:s4], $0x0  }
0x19: {  	s7 =	sld [smem:$0x3F8E]  }
0x1a: {  	s8 =	sadd.s32 $0xFFFFE003, lr  }
0x1b: {  	s9 =	sadd.s32 $0xFFFFFEF7, lr;
	s5 =	simm.s32 $0xFFFFFFFF;
	p2 =	slt.u32 s8, $0xFFFFF086  }
0x1c: {  	p1 =	slt.u32 s9, $0xF7A;
	s5 =	simm.s32 @!p2 $0x0  }
0x1d: {  	s5 =	simm.s32 @p1 $0x1;
	p0 =	seq.s32 s7, s2  }
0x1e: {  	s7 =	smul.u32 @!p0 $0xF7A, s2;
	p2 =	seq.s32 @!p0 s5, $0x0  }
0x1f: {  	s9 =	smul.u32 $0xF7A, s1;
	s8 =	simm.s32 @!p0 $0x1BF5;
	p2 =	por !p2, p0  }
0x20: {  	[sflag:s8] =	ssyncset.s32 @!p0 $0xFFFFF086;
	s6 =	sadd.s32 @!p0 s3, s7;
	s7 =	simm.s32 @!p0 $0x108  }
0x21: {  	s3 =	sadd.s32 s3, s9;
	s6 =	sadd.s32 @!p0 $0x88, s6;
	s7 =	simm.s32 @p2 $0x1082  }
0x22: {  	[simem:s7], [sflag:s8] =	dma.local @!p0 [hbm:s6], $0xF7A  }
0x23: {  	s9 =	sor.u32 $0xD0000000, s2;
	s6 =	simm.s32 $0x108;
	_ =	swait.ge @!p0 [sflag:s8], $0x0  }
0x24: {  	s3 =	sadd.s32 $0x88, s3;
	s6 =	simm.s32 @!p1 $0x1082;
	[sflag:s4] =	ssyncset.s32 $0xFFFFF086  }
0x25: {  	[simem:s6], [sflag:s4] =	dma.local [hbm:s3], $0xF7A  }
0x26: {  	[smem:$0x3F8E] =	sst s1;
	(tag) =	ssettag s2;
	_ =	strace s9  }
0x27: {  	s1 =	sld [smem:$0x3F9E]  }
0x28: {  	s2 =	sld [smem:$0x3F9F]  }
0x29: {  	s4 =	sld [smem:$0x3FA1]  }
0x2a: {  	p0 =	seq.s32 s5, $0x0;
	s5 =	sld [smem:$0x3FA2]  }
0x2b: {  	s6 =	sld [smem:$0x3FA3]  }
0x2c: {  	s7 =	sld [smem:$0x3FA4]  }
0x2d: {  	s3 =	simm.s32 $0x108;
	s8 =	sld [smem:$0x3FA5]  }
0x2e: {  	s3 =	simm.s32 @!p0 $0x1082;
	s9 =	sld [smem:$0x3FA6]  }
0x2f: {  	lr =	sadd.s32 s0, s3;
	s0 =	sld [smem:$0x3F9D]  }
0x30: {  	s3 =	sld [smem:$0x3FA0]  }
0x31: {  	[smem:$0x3FA9] =	sst s10  }
0x32: {  	s10 =	sld [smem:$0x3FA7];
	_ =	sdelay $0x3  }
0x33: {  	p0 =	seq.s32 s10, $0x1;
	s10 =	sld [smem:$0x3FA9];
	_ =	sdelay $0x3  }
0x34: {  	[smem:$0x3FA9] =	sst s10  }
0x35: {  	s10 =	sld [smem:$0x3FA8];
	_ =	sdelay $0x3  }
0x36: {  	p1 =	seq.s32 s10, $0x1;
	s10 =	sld [smem:$0x3FA9];
	_ =	sdelay $0x3  }
0x37: {  	[smem:$0x3FA9] =	sst s10  }
0x38: {  	s10 =	sld [smem:$0x3FAA]  }
0x39: {  	_ = 	snop;
	(pc) =	sbr.ind lr, $3  }
0x3a: {  	_ = 	snop  }
0x3b: {  	_ = 	snop  }
0x3c: {  	p2 =	seq.s32 s10, $0x1;
	s10 =	sld [smem:$0x3FA9]  }
0x3d: {  	_ =	shalt  }
0x3e: {  	_ =	shalt  }
0x3f: {  	_ =	shalt  }
0x40: {  	_ =	shalt  }
0x41: {  	_ =	shalt  }
0x42: {  	_ =	shalt  }
0x43: {  	_ =	shalt  }
0x44: {  	_ =	shalt  }
0x45: {  	_ =	shalt  }
0x46: {  	_ =	shalt  }
0x47: {  	_ =	shalt  }
0x48: {  	_ =	shalt  }
0x49: {  	_ =	shalt  }
0x4a: {  	_ =	shalt  }
0x4b: {  	_ =	shalt  }
0x4c: {  	_ =	shalt  }
0x4d: {  	_ =	shalt  }
0x4e: {  	_ =	shalt  }
0x4f: {  	_ =	shalt  }
0x50: {  	_ =	shalt  }
0x51: {  	_ =	shalt  }
0x52: {  	_ =	shalt  }
0x53: {  	_ =	shalt  }
0x54: {  	_ =	shalt  }
0x55: {  	_ =	shalt  }
0x56: {  	_ =	shalt  }
0x57: {  	_ =	shalt  }
0x58: {  	_ =	shalt  }
0x59: {  	_ =	shalt  }
0x5a: {  	_ =	shalt  }
0x5b: {  	_ =	shalt  }
0x5c: {  	_ =	shalt  }
0x5d: {  	_ =	shalt  }
0x5e: {  	_ =	shalt  }
0x5f: {  	_ =	shalt  }
0x60: {  	_ =	shalt  }
0x61: {  	_ =	shalt  }
0x62: {  	_ =	shalt  }
0x63: {  	_ =	shalt  }
0x64: {  	_ =	shalt  }
0x65: {  	_ =	shalt  }
0x66: {  	_ =	shalt  }
0x67: {  	_ =	shalt  }
0x68: {  	_ =	shalt  }
0x69: {  	_ =	shalt  }
0x6a: {  	_ =	shalt  }
0x6b: {  	_ =	shalt  }
0x6c: {  	_ =	shalt  }
0x6d: {  	_ =	shalt  }
0x6e: {  	_ =	shalt  }
0x6f: {  	_ =	shalt  }
0x70: {  	_ =	shalt  }
0x71: {  	_ =	shalt  }
0x72: {  	_ =	shalt  }
0x73: {  	_ =	shalt  }
0x74: {  	_ =	shalt  }
0x75: {  	_ =	shalt  }
0x76: {  	_ =	shalt  }
0x77: {  	_ =	shalt  }
0x78: {  	_ =	shalt  }
0x79: {  	_ =	shalt  }
0x7a: {  	_ =	shalt  }
0x7b: {  	_ =	shalt  }
0x7c: {  	_ =	shalt  }
0x7d: {  	_ =	shalt  }
0x7e: {  	_ =	shalt  }
0x7f: {  	_ =	shalt  }
0x80: {  	_ =	shalt  }
0x81: {  	_ =	shalt  }
0x82: {  	_ =	shalt  }
0x83: {  	_ =	shalt  }
0x84: {  	_ =	shalt  }
0x85: {  	_ =	shalt  }
0x86: {  	_ =	shalt  }
0x87: {  	_ =	shalt  }
.Lfunc_end0:
.L_simem_size_0:
called_computation.2_lowered:
.L_overlay_start_0:
0x88: {  	s2 =	sld [smem:$0x3FD9]  }
0x89: {  	s3 =	sld [smem:$0x3FFE];
	_ =	sdelay $0x1  }
0x8a: {  	s1 =	srdreg.scid  }
0x8b: {  	s0 =	sand.u32 $0x1, s1  }
0x8c: {  	s17 =	sshll.u32 s0, $0xA;
	s2 =	sadd.s32 s3, s2  }
0x8d: {  	s2 =	sadd.s32 s2, s17  }
0x8e: {  	[smem:$0x3FB5] =	sst s2  }
0x8f: {  	_ = 	snop  }
0x90: {  	(tm) =	ssettm $0x1  }
0x91: {  	s18 =	sld [smem:$0x3FFB];
	_ =	sdelay $0x3  }
0x92: {  	_ =	strace s18  }
0x93: {  	s2 =	sld [smem:$0x3FFC];
	_ =	sdelay $0x3  }
0x94: {  	_ =	strace s2  }
0x95: {  	s2 =	sld [smem:$0x3FFD];
	_ =	sdelay $0x3  }
0x96: {  	_ =	strace s2  }
0x97: {  	_ =	strace $0x8FFFFFFF  }
0x98: {  	s19 =	sld [smem:$0x3FDB];
	_ =	sdelay $0x1  }
0x99: {  	s20 =	simm.s32 $_scs_section_size  }
0x9a: {  	s4 =	simm.s32 $_size__tile_overlayer_lowered;
	s5 =	simm.s32 $_tile_overlayer_lowered  }
0x9b: {  	s6 =	simm.s32 $0x1BFF;
	s21 =	sshll.u32 s5, $0x1;
	s3 =	sadd.s32 s20, s19  }
0x9c: {  	s22 =	simm.s32 $0x0;
	s4 =	sshll.u32 s4, $0x1;
	s5 =	sadd.s32 s21, s3  }
0x9d: {  	[timem:s22], [sflag:s6] =	dma.local [hbm:s5], s4  }
0x9e: {  	_ =	swait.ge [sflag:s6], s4  }
0x9f: {  	s4 =	ssub.s32 $0x0, s4;
	[sflag:s6] =	ssyncset.done $0x0  }
0xa0: {  	[sflag:s6] =	ssyncadd.s32 s4;
	_ =	sdelay $0x1  }
0xa1: {  	s23 =	simm.s32 $0x1B8B  }
0xa2: {  	_ =	swait.ge [sflag:s23], $0x1  }
0xa3: {  	[sflag:s23] =	ssyncset.done $0x0  }
0xa4: {  	[sflag:s23] =	ssyncadd.s32 $0xFFFFFFFF  }
0xa5: {  	s4 =	sld [smem:$0x0]  }
0xa6: {  	s5 =	sand.u32 $0xFFFFFFFE, s1  }
0xa7: {  	p0 =	sne.s32 s1, s5  }
0xa8: {  	s5 =	sshll.u32 @p0 s5, $0xE  }
0xa9: {  	s5 =	sadd.s32 @p0 $0x11B8D, s5;
	s6 =	sshll.u32 @p0 s4, $0x11  }
0xaa: {  	s5 =	sor.u32 @p0 s6, s5  }
0xab: {  	[sflag:s5] =	ssyncadd.remote.s32 @p0 $0x1;
	_ =	sdelay $0x1  }
0xac: {  	s5 =	simm.s32 @p0 $0x1B8D  }
0xad: {  	_ =	swait.eq @p0 [sflag:s5], $0x1  }
0xae: {  	[sflag:s5] =	ssyncadd.s32 @p0 $0xFFFFFFFF  }
0xaf: {  	s6 =	sshll.u32 @!p0 s1, $0xE  }
0xb0: {  	s6 =	sor.u32 @!p0 $0x4000, s6;
	s5 =	simm.s32 @!p0 $0x1B8D  }
0xb1: {  	s4 =	sshll.u32 @!p0 s4, $0x11;
	s6 =	sadd.s32 @!p0 $0x11B8D, s6;
	_ =	swait.eq @!p0 [sflag:s5], $0x1  }
0xb2: {  	s4 =	sor.u32 @!p0 s4, s6;
	[sflag:s5] =	ssyncadd.s32 @!p0 $0xFFFFFFFF  }
0xb3: {  	s25 =	simm.s32 $0x1B8E;
	s24 =	sld [smem:$0x3FFE];
	[sflag:s4] =	ssyncadd.remote.s32 @!p0 $0x1  }
0xb4: {  	s26 =	simm.s32 $execute0_lowered;
	[smem:$0x3FD2] =	sst s25  }
0xb5: {  	s5 =	sshll.u32 s26, $0x1;
	_ =	strace $0x80000049;
	[dreg:$0x1] =	wrdreg $0xFFFFFFFF  }
0xb6: {  	s28 =	simm.s32 $_size_execute0_lowered;
	s3 =	sadd.s32 s3, s5;
	[dreg:$0x0] =	wrdreg $0x0  }
0xb7: {  	s5 =	sshll.u32 s28, $0x1;
	[dreg:$0x2] =	wrdreg s3  }
0xb8: {  	[dreg:$0x3] =	wrdreg s5  }
0xb9: {  	[dreg:$0x4] =	wrdreg $0xC0  }
0xba: {  	_ =	task [dreg:s22], $0x5FFFF  }
0xbb: {  	[dreg:$0x1] =	wrdreg $0xFFFFFFFF  }
0xbc: {  	[dreg:$0x0] =	wrdreg $0x60  }
0xbd: {  	[dreg:$0x2] =	wrdreg s24  }
0xbe: {  	[dreg:$0x3] =	wrdreg $0xA2000  }
0xbf: {  	[dreg:$0x4] =	wrdreg $0x9  }
0xc0: {  	_ =	task.clear_ibuf [dreg:s22], $0x5FFFF;
	_ =	strace $0x90000049  }
0xc1: {  	s29 =	simm.s32 $0x9;
	_ =	strace $0x8000004B  }
0xc2: {  	_ =	swait.ge [sflag:s29], $0x1  }
0xc3: {  	[sflag:s29] =	ssyncadd.s32 $0xFFFFFFFF  }
0xc4: {  	_ =	strace $0x9000004B  }
0xc5: {  	_ =	sfence  }
0xc6: {  	s30 =	sld [smem:$0x0];
	_ =	sdelay $0x2  }
0xc7: {  	s31 =	sshll.u32 s1, $0xD;
	s1 =	sshrl.u32 s1, $0x2  }
0xc8: {  	s4 =	sand.u32 $0x4000, s31;
	s1 =	sadd.s32 s1, s30  }
0xc9: {  	s0 =	sor.u32 s4, s0;
	s1 =	sshll.u32 s1, $0x11  }
0xca: {  	s0 =	sor.u32 s1, s0  }
0xcb: {  	s0 =	sadd.s32 $0x8F2B, s0  }
0xcc: {  	[sflag:s0] =	ssyncadd.remote.s32 $0x1  }
0xcd: {  	_ =	sfence.sel $0xFFFF  }
0xce: {  	[dreg:$0x0] =	wrdreg $0xFFFFFFFF;
	(pc) =	sbr.abs _section_cstart, $3  }
0xcf: {  	[dreg:$0x1] =	wrdreg $0xFFFFFFFF  }
0xd0: {  	_ =	task.clear_ibuf [dreg:s22], $0x2FFFF;
	_ =	strace $0x9FFFFFFF  }
0xd1: {  	(tm) =	ssettm $0x7FFFFFFF  }
tec
execute0_lowered:
.L_overlay_start_1:
0x0: {  	(tag) =	ssettag $0x1  }
0x1: {  	s0 =	rddreg [dreg:$0x0]  }
0x2: {  	s2 =	rddreg [dreg:$0x1]  }
0x3: {  	s3 =	simm.s32 $0x0;
	s14 =	stileid.u32;
	s4 =	srdreg.scid  }
0x4: {  	s28 =	simm.s32 $0x200;
	s29 =	simm.s32 $0x80;
	s30 =	simm.s32 $0x2A00  }
0x5: {  	s31 =	simm.s32 $0x100;
	[smem:$0x7FF] =	sst s3;
	s1 =	smul.u32 $0x13800, s14  }
0x6: {  	s5 =	sadd.s32 $0xB5A00, s0;
	s7 =	sand.u32 $0x1, s4;
	s4 =	sadd.s32 $0xF600, s0  }
0x7: {  	s11 =	smul.u32 $0x4E000, s14;
	s12 =	sadd.s32 $0x597A00, s0;
	s13 =	sshll.u32 s14, $0x6  }
0x8: {  	s26 =	sadd.s32 $0x138000, s2;
	p0 =	sne.s32 s14, $0xF;
	_ =	strace $0x8000004A  }
0x9: {  	s8 =	ssub.s32 $0x2, s7;
	s10 =	sshll.u32 s7, $0x4;
	s20 =	sor.u32 $0x1C0D, s13  }
0xa: {  	[dreg:$0x6] =	wrdreg s26;
	s6 =	sshrl.u32 s1, $0x3;
	s9 =	sshrl.u32 s8, $0x1  }
0xb: {  	s25 =	sor.u32 s14, s10;
	s11 =	sshrl.u32 s11, $0x2;
	[dreg:$0x5] =	wrdreg s20  }
0xc: {  	s6 =	sadd.s32 s6, s0;
	s8 =	ssub.s32 s8, s9;
	s11 =	sadd.s32 s11, s2  }
0xd: {  	s10 =	smul.u32 $0x2710, s25;
	s0 =	sadd.s32 $0x67600, s0;
	[dreg:$0x3] =	wrdreg s11  }
0xe: {  	s9 =	smul.u32 $0x27100, s25;
	s6 =	sadd.s32 $0x40600, s6;
	[dreg:$0x7] =	wrdreg s0  }
0xf: {  	s25 =	smul.u32 $0x138800, s7;
	[dreg:$0x4] =	wrdreg s6;
	s11 =	sshrl.u32 s10, $0x3  }
0x10: {  	s15 =	sadd.s32 $0x50, s10;
	s16 =	sadd.s32 s5, s9;
	s18 =	sadd.s32 $0xA0, s10  }
0x11: {  	s22 =	sadd.s32 $0xF0, s10;
	s9 =	smul.u32 $0x271000, s7;
	s1 =	sadd.s32 s1, s25  }
0x12: {  	s10 =	sshrl.u32 s25, $0x3;
	s7 =	smul.u32 $0x27100, s7;
	s13 =	sadd.s32 s4, s11  }
0x13: {  	[dreg:$0x9] =	wrdreg s16;
	s17 =	sshrl.u32 s15, $0x3;
	s0 =	sshll.u32 s15, $0x4  }
0x14: {  	s19 =	sshrl.u32 s18, $0x3;
	s23 =	sshll.u32 s18, $0x4;
	s11 =	smul.u32 $0x27100, s14  }
0x15: {  	s24 =	sshrl.u32 s22, $0x3;
	s1 =	sshrl.u32 s1, $0x3;
	s15 =	smul.u32 $0x2710, s14  }
0x16: {  	s18 =	smax.u32 s8, $0x1;
	s8 =	simm.s32 $0x2;
	s14 =	simm.s32 $0x7  }
0x17: {  	[dreg:$0x8] =	wrdreg s13;
	s6 =	sadd.s32 s4, s17;
	s0 =	sadd.s32 s5, s0  }
0x18: {  	s21 =	sadd.s32 s4, s19;
	s26 =	sadd.s32 s4, s24;
	[dreg:$0x12] =	wrdreg s18  }
0x19: {  	s1 =	sadd.s32 s12, s1;
	s13 =	sadd.s32 s12, s10;
	[dreg:$0xa] =	wrdreg s6  }
0x1a: {  	s17 =	sadd.s32 s9, s5;
	s9 =	simm.s32 $0x3;
	[dreg:$0xb] =	wrdreg s0  }
0x1b: {  	s10 =	simm.s32 $0x4;
	s12 =	simm.s32 $0x50;
	[dreg:$0xc] =	wrdreg s21  }
0x1c: {  	s18 =	simm.s32 $0xB;
	s6 =	sadd.s32 s5, s23;
	[dreg:$0xe] =	wrdreg s26  }
0x1d: {  	s0 =	sshll.u32 s22, $0x4;
	[dreg:$0xf] =	wrdreg s1;
	s16 =	sadd.s32 $0x27000, s13  }
0x1e: {  	s21 =	sadd.s32 s11, s17;
	s19 =	sadd.s32 s15, s7;
	s11 =	simm.s32 $0x5  }
0x1f: {  	s13 =	simm.s32 $0x6;
	s15 =	simm.s32 $0x8;
	[dreg:$0xd] =	wrdreg s6  }
0x20: {  	s17 =	simm.s32 $0xA;
	s0 =	sadd.s32 s5, s0;
	[dreg:$0x11] =	wrdreg s16  }
0x21: {  	s22 =	sadd.s32 $0x230, s19;
	s23 =	sadd.s32 $0x1E0, s19;
	s24 =	sadd.s32 $0x190, s19  }
0x22: {  	s16 =	simm.s32 $0x9;
	[dreg:$0x10] =	wrdreg s0;
	s1 =	sshrl.u32 s22, $0x3  }
0x23: {  	s5 =	sshrl.u32 s23, $0x3;
	s6 =	sshrl.u32 s24, $0x3;
	s0 =	sadd.s32 $0x140, s19  }
.Ltmp0:
0x24: {  	s23 =	simm.s32 $0xD;
	s19 =	simm.s32 $0xC;
	(pc) =	sbr.rel .LBB2_1-.Ltmp0, $4  }
0x25: {  	s24 =	simm.s32 $0x0;
	s1 =	sadd.s32 s1, s4;
	[dreg:$0x16] =	wrdreg s0  }
0x26: {  	s25 =	sadd.s32 s5, s4;
	s26 =	sadd.s32 s6, s4;
	[dreg:$0x13] =	wrdreg s1  }
0x27: {  	s0 =	simm.s32 $0x5200;
	s5 =	simm.s32 $0x7A00;
	[dreg:$0x14] =	wrdreg s25  }
0x28: {  	s6 =	simm.s32 $0x1;
	[dreg:$0x15] =	wrdreg s26;
	s1 =	simm.s32 $0x180  }
.LBB2_4:
0x29: {  	_ =	swait.ge [sflag:s18], $0x2800  }
0x2a: {  	[sflag:s18] =	ssyncset.done $0x0  }
0x2b: {  	[sflag:s18] =	ssyncadd.s32 $0xFFFFD800  }
0x2c: {  	_ =	swait.ge [sflag:s19], $0x2800  }
0x2d: {  	[sflag:s19] =	ssyncset.done $0x0  }
0x2e: {  	[sflag:s19] =	ssyncadd.s32 $0xFFFFD800  }
0x2f: {  	_ =	swait.ge [sflag:s6], $0x50  }
0x30: {  	[sflag:s6] =	ssyncset.done $0x0  }
0x31: {  	[sflag:s6] =	ssyncadd.s32 $0xFFFFFFB0  }
0x32: {  	_ =	swait.ge [sflag:s11], $0x2800  }
0x33: {  	[sflag:s11] =	ssyncset.done $0x0  }
0x34: {  	[sflag:s11] =	ssyncadd.s32 $0xFFFFD800  }
0x35: {  	[spmem:s2] =	stream.indirect.scatter.add.f32 [tilespmem:s28], [sflag:$0x9], $0x80, s3, s12, $0xb8;
	[tilespmem:$0x1DA80] =	vst v63  }
0x36: {  	_ =	swait.ge [sflag:s16], $0x2800  }
0x37: {  	[sflag:s16] =	ssyncset.done $0x0  }
0x38: {  	[sflag:s16] =	ssyncadd.s32 $0xFFFFD800  }
0x39: {  	[bflag:$0x0] =	sbarrier.arrive $0xFFFF  }
0x3a: {  	s20 =	rddreg [dreg:$0x5]  }
0x3b: {  	s7 =	rddreg [dreg:$0xf]  }
0x3c: {  	s23 =	simm.s32 $0xD;
	s22 =	rddreg [dreg:$0x18]  }
0x3d: {  	[hbm:s7], [sflag:s20] =	dma.local [spmem:s22], $0x2700  }
0x3e: {  	_ =	swait.ge [sflag:s23], $0x2700  }
0x3f: {  	[sflag:s23] =	ssyncset.done $0x0;
	s7 =	rddreg [dreg:$0x11]  }
0x40: {  	s22 =	rddreg [dreg:$0x19];
	[sflag:s23] =	ssyncadd.s32 $0xFFFFD900  }
0x41: {  	[hbm:s7], [sflag:s20] =	dma.local @!p0 [spmem:s22], $0x100  }
0x42: {  	s7 =	simm.s32 @!p0 $0xD  }
0x43: {  	_ =	swait.ge @!p0 [sflag:s7], $0x100  }
0x44: {  	s24 =	rddreg [dreg:$0x17]  }
0x45: {  	s26 =	rddreg [dreg:$0x12];
	s24 =	sadd.s32 $0x1, s24  }
0x46: {  	p1 =	sne.s32 s24, s26  }
.Ltmp1:
0x47: {  	_ = 	snop;
	(pc) =	sbr.rel @!p1 .LBB2_5-.Ltmp1, $3  }
0x48: {  	_ =	sdelay $0x1  }
0x49: {  	[sflag:s7] =	ssyncset.done @!p0 $0x0  }
0x4a: {  	[sflag:s7] =	ssyncadd.s32 @!p0 $0xFFFFFF00  }
.LBB2_1:
0x4b: {  	[dreg:$0x17] =	wrdreg s24  }
0x4c: {  	s7 =	rddreg [dreg:$0x3]  }
0x4d: {  	s24 =	rddreg [dreg:$0x4];
	s22 =	sshrl.u32 s7, $0x3  }
0x4e: {  	[dreg:$0x18] =	wrdreg s22  }
0x4f: {  	[spmem:s22], [sflag:s20] =	dma.local [hbm:s24], $0x2700  }
0x50: {  	_ =	swait.ge [sflag:s23], $0x2700  }
0x51: {  	s7 =	rddreg [dreg:$0x6]  }
0x52: {  	[sflag:s23] =	ssyncset.done $0x0;
	s22 =	sshrl.u32 @!p0 s7, $0x3;
	s7 =	rddreg [dreg:$0x7]  }
0x53: {  	[sflag:s23] =	ssyncadd.s32 $0xFFFFD900;
	[dreg:$0x19] =	wrdreg s22  }
0x54: {  	[spmem:s22], [sflag:s20] =	dma.local @!p0 [hbm:s7], $0x100  }
0x55: {  	s7 =	simm.s32 @!p0 $0xD  }
0x56: {  	_ =	swait.ge @!p0 [sflag:s7], $0x100  }
0x57: {  	[sflag:s7] =	ssyncset.done @!p0 $0x0  }
0x58: {  	[sflag:s7] =	ssyncadd.s32 @!p0 $0xFFFFFF00  }
0x59: {  	[bflag:$0x0] =	sbarrier.arrive $0xFFFF  }
0x5a: {  	s25 =	rddreg [dreg:$0x8]  }
0x5b: {  	[tilespmem:s3], [sflag:$0x1] =	stream.linear.gather [hbm4b:s25+s3], $0x50, $0x38;
	[tilespmem:$0x1DA80] =	vst v63  }
0x5c: {  	s26 =	rddreg [dreg:$0x9]  }
0x5d: {  	[tilespmem:s28], [sflag:$0x5] =	stream.linear.gather [hbm4b:s26+s3], $0x2800, $0x38;
	[tilespmem:$0x1DA80] =	vst v63  }
0x5e: {  	s20 =	rddreg [dreg:$0xa]  }
0x5f: {  	[tilespmem:s29], [sflag:$0x2] =	stream.linear.gather [hbm4b:s20+s3], $0x50, $0x38;
	[tilespmem:$0x1DA80] =	vst v63  }
0x60: {  	s22 =	rddreg [dreg:$0xb]  }
0x61: {  	[tilespmem:s30], [sflag:$0x6] =	stream.linear.gather [hbm4b:s22+s3], $0x2800, $0x38;
	[tilespmem:$0x1DA80] =	vst v63  }
0x62: {  	s23 =	rddreg [dreg:$0xc]  }
0x63: {  	[tilespmem:s31], [sflag:$0x3] =	stream.linear.gather [hbm4b:s23+s3], $0x50, $0x38;
	[tilespmem:$0x1DA80] =	vst v63  }
0x64: {  	s24 =	rddreg [dreg:$0xd]  }
0x65: {  	[tilespmem:s0], [sflag:$0x7] =	stream.linear.gather [hbm4b:s24+s3], $0x2800, $0x38;
	[tilespmem:$0x1DA80] =	vst v63  }
0x66: {  	s25 =	rddreg [dreg:$0xe]  }
0x67: {  	[tilespmem:s1], [sflag:$0x4] =	stream.linear.gather [hbm4b:s25+s3], $0x50, $0x38;
	[tilespmem:$0x1DA80] =	vst v63  }
0x68: {  	s26 =	rddreg [dreg:$0x10]  }
0x69: {  	[tilespmem:s5], [sflag:$0x8] =	stream.linear.gather [hbm4b:s26+s3], $0x2800, $0x38;
	[tilespmem:$0x1DA80] =	vst v63  }
0x6a: {  	_ =	swait.ge [sflag:s6], $0x50  }
0x6b: {  	[sflag:s6] =	ssyncset.done $0x0  }
0x6c: {  	[sflag:s6] =	ssyncadd.s32 $0xFFFFFFB0  }
0x6d: {  	_ =	swait.ge [sflag:s8], $0x50  }
0x6e: {  	[sflag:s8] =	ssyncset.done $0x0  }
0x6f: {  	[sflag:s8] =	ssyncadd.s32 $0xFFFFFFB0  }
0x70: {  	_ =	swait.ge [sflag:s9], $0x50  }
0x71: {  	[sflag:s9] =	ssyncset.done $0x0  }
0x72: {  	[sflag:s9] =	ssyncadd.s32 $0xFFFFFFB0  }
0x73: {  	_ =	swait.ge [sflag:s10], $0x50  }
0x74: {  	s25 =	rddreg [dreg:$0x16]  }
0x75: {  	s24 =	rddreg [dreg:$0x15]  }
0x76: {  	[sflag:s10] =	ssyncset.done $0x0;
	s26 =	rddreg [dreg:$0x14]  }
0x77: {  	s22 =	simm.s32 $0x0;
	s7 =	rddreg [dreg:$0x13];
	[sflag:s10] =	ssyncadd.s32 $0xFFFFFFB0  }
.LBB2_2:
0x78: {  	_ =	swait.ge [sflag:s11], $0x2800  }
0x79: {  	[sflag:s11] =	ssyncset.done $0x0  }
0x7a: {  	[sflag:s11] =	ssyncadd.s32 $0xFFFFD800  }
0x7b: {  	[spmem:s2] =	stream.indirect.scatter.add.f32 [tilespmem:s28], [sflag:$0x9], $0x80, s3, s12, $0xb8;
	[tilespmem:$0x1DA80] =	vst v63  }
0x7c: {  	_ =	swait.ge [sflag:s13], $0x2800  }
0x7d: {  	[sflag:s13] =	ssyncset.done $0x0  }
0x7e: {  	[sflag:s13] =	ssyncadd.s32 $0xFFFFD800  }
0x7f: {  	[spmem:s2] =	stream.indirect.scatter.add.f32 [tilespmem:s30], [sflag:$0xA], $0x80, s29, s12, $0xb8;
	[tilespmem:$0x1DA80] =	vst v63  }
0x80: {  	_ =	swait.ge [sflag:s14], $0x2800  }
0x81: {  	[sflag:s14] =	ssyncset.done $0x0  }
0x82: {  	[sflag:s14] =	ssyncadd.s32 $0xFFFFD800  }
0x83: {  	[spmem:s2] =	stream.indirect.scatter.add.f32 [tilespmem:s0], [sflag:$0xB], $0x80, s31, s12, $0xb8;
	[tilespmem:$0x1DA80] =	vst v63  }
0x84: {  	_ =	swait.ge [sflag:s15], $0x2800  }
0x85: {  	[sflag:s15] =	ssyncset.done $0x0  }
0x86: {  	[sflag:s15] =	ssyncadd.s32 $0xFFFFD800  }
0x87: {  	[spmem:s2] =	stream.indirect.scatter.add.f32 [tilespmem:s5], [sflag:$0xC], $0x80, s1, s12, $0xb8;
	[tilespmem:$0x1DA80] =	vst v63  }
0x88: {  	_ =	swait.ge [sflag:s16], $0x2800  }
0x89: {  	s23 =	sshrl.u32 s25, $0x3;
	[sflag:s16] =	ssyncset.done $0x0  }
0x8a: {  	s23 =	sadd.s32 s4, s23;
	[sflag:s16] =	ssyncadd.s32 $0xFFFFD800  }
0x8b: {  	[tilespmem:s3], [sflag:$0x1] =	stream.linear.gather [hbm4b:s23+s3], $0x50, $0x38;
	[tilespmem:$0x1DA80] =	vst v63  }
0x8c: {  	p1 =	seq.s32 s22, $0x25800;
	s23 =	sadd.s32 s22, s21  }
.Ltmp2:
0x8d: {  	s20 =	sadd.s32 $0x1400, s23;
	(pc) =	sbr.rel @p1 .LBB2_4-.Ltmp2, $4  }
0x8e: {  	[tilespmem:s28], [sflag:$0x5] =	stream.linear.gather [hbm4b:s20+s3], $0x2800, $0x38;
	[tilespmem:$0x1DA80] =	vst v63  }
0x8f: {  	_ =	swait.ge [sflag:s17], $0x2800  }
0x90: {  	[sflag:s17] =	ssyncset.done $0x0  }
0x91: {  	[sflag:s17] =	ssyncadd.s32 $0xFFFFD800  }
0x92: {  	[tilespmem:s29], [sflag:$0x2] =	stream.linear.gather [hbm4b:s24+s3], $0x50, $0x38;
	[tilespmem:$0x1DA80] =	vst v63  }
0x93: {  	s20 =	sadd.s32 $0x1900, s23  }
0x94: {  	[tilespmem:s30], [sflag:$0x6] =	stream.linear.gather [hbm4b:s20+s3], $0x2800, $0x38;
	[tilespmem:$0x1DA80] =	vst v63  }
0x95: {  	_ =	swait.ge [sflag:s18], $0x2800  }
0x96: {  	[sflag:s18] =	ssyncset.done $0x0  }
0x97: {  	[sflag:s18] =	ssyncadd.s32 $0xFFFFD800  }
0x98: {  	[tilespmem:s31], [sflag:$0x3] =	stream.linear.gather [hbm4b:s26+s3], $0x50, $0x38;
	[tilespmem:$0x1DA80] =	vst v63  }
0x99: {  	s20 =	sadd.s32 $0x1E00, s23  }
0x9a: {  	[tilespmem:s0], [sflag:$0x7] =	stream.linear.gather [hbm4b:s20+s3], $0x2800, $0x38;
	[tilespmem:$0x1DA80] =	vst v63  }
0x9b: {  	_ =	swait.ge [sflag:s19], $0x2800  }
0x9c: {  	[sflag:s19] =	ssyncset.done $0x0  }
0x9d: {  	[sflag:s19] =	ssyncadd.s32 $0xFFFFD800  }
0x9e: {  	[tilespmem:s1], [sflag:$0x4] =	stream.linear.gather [hbm4b:s7+s3], $0x50, $0x38;
	[tilespmem:$0x1DA80] =	vst v63  }
0x9f: {  	s23 =	sadd.s32 $0x2300, s23  }
0xa0: {  	[tilespmem:s5], [sflag:$0x8] =	stream.linear.gather [hbm4b:s23+s3], $0x2800, $0x38;
	[tilespmem:$0x1DA80] =	vst v63  }
0xa1: {  	_ =	swait.ge [sflag:s6], $0x50  }
0xa2: {  	[sflag:s6] =	ssyncset.done $0x0  }
0xa3: {  	[sflag:s6] =	ssyncadd.s32 $0xFFFFFFB0  }
0xa4: {  	_ =	swait.ge [sflag:s8], $0x50  }
0xa5: {  	[sflag:s8] =	ssyncset.done $0x0  }
0xa6: {  	[sflag:s8] =	ssyncadd.s32 $0xFFFFFFB0  }
0xa7: {  	_ =	swait.ge [sflag:s9], $0x50  }
.Ltmp3:
0xa8: {  	[sflag:s9] =	ssyncset.done $0x0;
	(pc) =	sbr.rel .LBB2_2-.Ltmp3, $4  }
0xa9: {  	[sflag:s9] =	ssyncadd.s32 $0xFFFFFFB0  }
0xaa: {  	s22 =	sadd.s32 $0x1400, s22;
	_ =	swait.ge [sflag:s10], $0x50  }
0xab: {  	s24 =	sadd.s32 $0x28, s24;
	s25 =	sadd.s32 $0x140, s25;
	[sflag:s10] =	ssyncset.done $0x0  }
0xac: {  	s26 =	sadd.s32 $0x28, s26;
	s7 =	sadd.s32 $0x28, s7;
	[sflag:s10] =	ssyncadd.s32 $0xFFFFFFB0  }
.LBB2_5:
0xad: {  	_ =	sfence.sel $0x180000  }
0xae: {  	[bflag:$0x0] =	sbarrier.arrive $0xFFFF  }
0xaf: {  	_ =	strace $0x9000004A  }
0xb0: {  	s0 =	stileid.u32;
	[bflag:$0x2] =	sbarrier.arrive $0xFFFF  }
0xb1: {  	p0 =	sne.s32 s0, $0x0;
	s0 =	rddreg [dreg:$0x2]  }
0xb2: {  	s0 =	sadd.s32 @!p0 $0x100000, s0  }
0xb3: {  	[sflag:s0] =	ssyncadd.tile.s32 @!p0 $0x1;
	_ =	shalt  }
.Lfunc_end2:
_tile_overlayer_lowered:
.L_overlay_start_2:
0xb4: {  	(tag) =	ssettag $0x2  }
0xb5: {  	s0 =	rddreg [dreg:$0x0];
	s2 =	stileid.u32  }
0xb6: {  	s1 =	rddreg [dreg:$0x1];
	p0 =	sne.s32 s2, $0x0  }
0xb7: {  	s3 =	rddreg [dreg:$0x2];
	[bflag:$0x3] =	sbarrier.arrive $0xFFFF;
	s2 =	simm.s32 @!p0 $0x1C0D  }
0xb8: {  	[timem:s3], [sflag:s2] =	dma.local @!p0 [hbm:s0], s1  }
0xb9: {  	s0 =	simm.s32 @!p0 $0xD  }
0xba: {  	_ =	swait.ge @!p0 [sflag:s0], s1  }
0xbb: {  	s1 =	ssub.s32 @!p0 $0x0, s1;
	[sflag:s0] =	ssyncset.done @!p0 $0x0  }
0xbc: {  	[sflag:s0] =	ssyncadd.s32 @!p0 s1  }
0xbd: {  	[bflag:$0x3] =	sbarrier.arrive $0xFFFF  }
0xbe: {  	_ =	shalt  }

// kernel: kernel.8.cloned.1.call-start
scs
__scs_entry_jumppad:
0x0: {  	(pc) =	sbr.rel $0x88, $3  }
0x1: {  	(tag) =	ssettag $0x0;
	lr =	simm.s32 $0x1  }
0x2: {  	[smem:$0x3F8E] =	sst lr;
	_ =	strace $0xD0000000  }
0x3: {  	_ = 	snop  }
0x4: {  	_ = 	snop  }
0x5: {  	_ = 	snop  }
0x6: {  	_ = 	snop  }
0x7: {  	_ = 	snop  }
__scs_overlays_trampoline_lowered:
0x8: {  	[smem:$0x3F9D] =	sst s0  }
0x9: {  	[smem:$0x3F9E] =	sst s1  }
0xa: {  	[smem:$0x3F9F] =	sst s2  }
0xb: {  	[smem:$0x3FA0] =	sst s3  }
0xc: {  	[smem:$0x3FA1] =	sst s4  }
0xd: {  	[smem:$0x3FA2] =	sst s5  }
0xe: {  	[smem:$0x3FA3] =	sst s6  }
0xf: {  	[smem:$0x3FA4] =	sst s7  }
0x10: {  	[smem:$0x3FA5] =	sst s8  }
0x11: {  	[smem:$0x3FA6] =	sst s9;
	s0 =	simm.s32 @!p0 $0x0  }
0x12: {  	s1 =	sld [smem:$0x3F8C];
	s0 =	simm.s32 @p0 $0x1  }
0x13: {  	[smem:$0x3FA7] =	sst s0;
	s0 =	simm.s32 @!p1 $0x0  }
0x14: {  	s2 =	sld [smem:$0x3F8B];
	s0 =	simm.s32 @p1 $0x1  }
0x15: {  	[smem:$0x3FA8] =	sst s0;
	s0 =	simm.s32 @!p2 $0x0  }
0x16: {  	s3 =	sld [smem:$0x3FDB];
	s0 =	simm.s32 @p2 $0x1  }
0x17: {  	s4 =	simm.s32 $0x1BF5;
	[smem:$0x3FAA] =	sst s0  }
0x18: {  	s0 =	sld [smem:$0x3F8D];
	_ =	swait.ge [sflag:s4], $0x0  }
0x19: {  	s7 =	sld [smem:$0x3F8E]  }
0x1a: {  	s8 =	sadd.s32 $0xFFFFE003, lr  }
0x1b: {  	s9 =	sadd.s32 $0xFFFFFEF7, lr;
	s5 =	simm.s32 $0xFFFFFFFF;
	p2 =	slt.u32 s8, $0xFFFFF086  }
0x1c: {  	p1 =	slt.u32 s9, $0xF7A;
	s5 =	simm.s32 @!p2 $0x0  }
0x1d: {  	s5 =	simm.s32 @p1 $0x1;
	p0 =	seq.s32 s7, s2  }
0x1e: {  	s7 =	smul.u32 @!p0 $0xF7A, s2;
	p2 =	seq.s32 @!p0 s5, $0x0  }
0x1f: {  	s9 =	smul.u32 $0xF7A, s1;
	s8 =	simm.s32 @!p0 $0x1BF5;
	p2 =	por !p2, p0  }
0x20: {  	[sflag:s8] =	ssyncset.s32 @!p0 $0xFFFFF086;
	s6 =	sadd.s32 @!p0 s3, s7;
	s7 =	simm.s32 @!p0 $0x108  }
0x21: {  	s3 =	sadd.s32 s3, s9;
	s6 =	sadd.s32 @!p0 $0x88, s6;
	s7 =	simm.s32 @p2 $0x1082  }
0x22: {  	[simem:s7], [sflag:s8] =	dma.local @!p0 [hbm:s6], $0xF7A  }
0x23: {  	s9 =	sor.u32 $0xD0000000, s2;
	s6 =	simm.s32 $0x108;
	_ =	swait.ge @!p0 [sflag:s8], $0x0  }
0x24: {  	s3 =	sadd.s32 $0x88, s3;
	s6 =	simm.s32 @!p1 $0x1082;
	[sflag:s4] =	ssyncset.s32 $0xFFFFF086  }
0x25: {  	[simem:s6], [sflag:s4] =	dma.local [hbm:s3], $0xF7A  }
0x26: {  	[smem:$0x3F8E] =	sst s1;
	(tag) =	ssettag s2;
	_ =	strace s9  }
0x27: {  	s1 =	sld [smem:$0x3F9E]  }
0x28: {  	s2 =	sld [smem:$0x3F9F]  }
0x29: {  	s4 =	sld [smem:$0x3FA1]  }
0x2a: {  	p0 =	seq.s32 s5, $0x0;
	s5 =	sld [smem:$0x3FA2]  }
0x2b: {  	s6 =	sld [smem:$0x3FA3]  }
0x2c: {  	s7 =	sld [smem:$0x3FA4]  }
0x2d: {  	s3 =	simm.s32 $0x108;
	s8 =	sld [smem:$0x3FA5]  }
0x2e: {  	s3 =	simm.s32 @!p0 $0x1082;
	s9 =	sld [smem:$0x3FA6]  }
0x2f: {  	lr =	sadd.s32 s0, s3;
	s0 =	sld [smem:$0x3F9D]  }
0x30: {  	s3 =	sld [smem:$0x3FA0]  }
0x31: {  	[smem:$0x3FA9] =	sst s10  }
0x32: {  	s10 =	sld [smem:$0x3FA7];
	_ =	sdelay $0x3  }
0x33: {  	p0 =	seq.s32 s10, $0x1;
	s10 =	sld [smem:$0x3FA9];
	_ =	sdelay $0x3  }
0x34: {  	[smem:$0x3FA9] =	sst s10  }
0x35: {  	s10 =	sld [smem:$0x3FA8];
	_ =	sdelay $0x3  }
0x36: {  	p1 =	seq.s32 s10, $0x1;
	s10 =	sld [smem:$0x3FA9];
	_ =	sdelay $0x3  }
0x37: {  	[smem:$0x3FA9] =	sst s10  }
0x38: {  	s10 =	sld [smem:$0x3FAA]  }
0x39: {  	_ = 	snop;
	(pc) =	sbr.ind lr, $3  }
0x3a: {  	_ = 	snop  }
0x3b: {  	_ = 	snop  }
0x3c: {  	p2 =	seq.s32 s10, $0x1;
	s10 =	sld [smem:$0x3FA9]  }
0x3d: {  	_ =	shalt  }
0x3e: {  	_ =	shalt  }
0x3f: {  	_ =	shalt  }
0x40: {  	_ =	shalt  }
0x41: {  	_ =	shalt  }
0x42: {  	_ =	shalt  }
0x43: {  	_ =	shalt  }
0x44: {  	_ =	shalt  }
0x45: {  	_ =	shalt  }
0x46: {  	_ =	shalt  }
0x47: {  	_ =	shalt  }
0x48: {  	_ =	shalt  }
0x49: {  	_ =	shalt  }
0x4a: {  	_ =	shalt  }
0x4b: {  	_ =	shalt  }
0x4c: {  	_ =	shalt  }
0x4d: {  	_ =	shalt  }
0x4e: {  	_ =	shalt  }
0x4f: {  	_ =	shalt  }
0x50: {  	_ =	shalt  }
0x51: {  	_ =	shalt  }
0x52: {  	_ =	shalt  }
0x53: {  	_ =	shalt  }
0x54: {  	_ =	shalt  }
0x55: {  	_ =	shalt  }
0x56: {  	_ =	shalt  }
0x57: {  	_ =	shalt  }
0x58: {  	_ =	shalt  }
0x59: {  	_ =	shalt  }
0x5a: {  	_ =	shalt  }
0x5b: {  	_ =	shalt  }
0x5c: {  	_ =	shalt  }
0x5d: {  	_ =	shalt  }
0x5e: {  	_ =	shalt  }
0x5f: {  	_ =	shalt  }
0x60: {  	_ =	shalt  }
0x61: {  	_ =	shalt  }
0x62: {  	_ =	shalt  }
0x63: {  	_ =	shalt  }
0x64: {  	_ =	shalt  }
0x65: {  	_ =	shalt  }
0x66: {  	_ =	shalt  }
0x67: {  	_ =	shalt  }
0x68: {  	_ =	shalt  }
0x69: {  	_ =	shalt  }
0x6a: {  	_ =	shalt  }
0x6b: {  	_ =	shalt  }
0x6c: {  	_ =	shalt  }
0x6d: {  	_ =	shalt  }
0x6e: {  	_ =	shalt  }
0x6f: {  	_ =	shalt  }
0x70: {  	_ =	shalt  }
0x71: {  	_ =	shalt  }
0x72: {  	_ =	shalt  }
0x73: {  	_ =	shalt  }
0x74: {  	_ =	shalt  }
0x75: {  	_ =	shalt  }
0x76: {  	_ =	shalt  }
0x77: {  	_ =	shalt  }
0x78: {  	_ =	shalt  }
0x79: {  	_ =	shalt  }
0x7a: {  	_ =	shalt  }
0x7b: {  	_ =	shalt  }
0x7c: {  	_ =	shalt  }
0x7d: {  	_ =	shalt  }
0x7e: {  	_ =	shalt  }
0x7f: {  	_ =	shalt  }
0x80: {  	_ =	shalt  }
0x81: {  	_ =	shalt  }
0x82: {  	_ =	shalt  }
0x83: {  	_ =	shalt  }
0x84: {  	_ =	shalt  }
0x85: {  	_ =	shalt  }
0x86: {  	_ =	shalt  }
0x87: {  	_ =	shalt  }
.Lfunc_end0:
.L_simem_size_0:
called_computation_lowered:
.L_overlay_start_0:
0x88: {  	s2 =	sld [smem:$0x3FD9]  }
0x89: {  	s3 =	sld [smem:$0x3FFE];
	_ =	sdelay $0x1  }
0x8a: {  	s1 =	srdreg.scid  }
0x8b: {  	s0 =	sand.u32 $0x1, s1  }
0x8c: {  	s17 =	sshll.u32 s0, $0xA;
	s2 =	sadd.s32 s3, s2  }
0x8d: {  	s2 =	sadd.s32 s2, s17  }
0x8e: {  	[smem:$0x3FB5] =	sst s2  }
0x8f: {  	_ = 	snop  }
0x90: {  	s2 =	sld [smem:$0x3FD0];
	(tm) =	ssettm $0x1  }
0x91: {  	s18 =	sld [smem:$0x3FFB];
	_ =	sdelay $0x3  }
0x92: {  	_ =	strace s18  }
0x93: {  	s3 =	sld [smem:$0x3FFC];
	_ =	sdelay $0x3  }
0x94: {  	_ =	strace s3  }
0x95: {  	s3 =	sld [smem:$0x3FFD];
	_ =	sdelay $0x3  }
0x96: {  	_ =	strace s3  }
0x97: {  	_ =	strace $0x8FFFFFFF  }
0x98: {  	s19 =	sld [smem:$0x3FDB];
	_ =	sdelay $0x1  }
0x99: {  	s4 =	simm.s32 $_scs_section_size  }
0x9a: {  	s5 =	simm.s32 $_size__tile_overlayer_lowered;
	s6 =	simm.s32 $_tile_overlayer_lowered  }
0x9b: {  	s22 =	simm.s32 $0x1BFF;
	s21 =	sshll.u32 s6, $0x1;
	s3 =	sadd.s32 s4, s19  }
0x9c: {  	s7 =	simm.s32 $0x0;
	s20 =	sshll.u32 s5, $0x1;
	s5 =	sadd.s32 s21, s3  }
0x9d: {  	[timem:s7], [sflag:s22] =	dma.local [hbm:s5], s20  }
0x9e: {  	_ =	swait.ge [sflag:s22], s20  }
0x9f: {  	s4 =	ssub.s32 $0x0, s20;
	[sflag:s22] =	ssyncset.done $0x0  }
0xa0: {  	[sflag:s22] =	ssyncadd.s32 s4;
	_ =	sdelay $0x1  }
0xa1: {  	s23 =	simm.s32 $0x1B8B  }
0xa2: {  	_ =	swait.ge [sflag:s23], $0x1  }
0xa3: {  	[sflag:s23] =	ssyncset.done $0x0  }
0xa4: {  	s25 =	simm.s32 $0x1B8E;
	s24 =	sld [smem:$0x3FFE];
	[sflag:s23] =	ssyncadd.s32 $0xFFFFFFFF  }
0xa5: {  	s26 =	simm.s32 $execute0_lowered;
	[smem:$0x3FD2] =	sst s25  }
0xa6: {  	s5 =	sshll.u32 s26, $0x1;
	_ =	strace $0x80000046;
	[dreg:$0x1] =	wrdreg $0xFFFFFFFF  }
0xa7: {  	s28 =	simm.s32 $_size_execute0_lowered;
	s3 =	sadd.s32 s3, s5;
	[dreg:$0x0] =	wrdreg $0x0  }
0xa8: {  	s5 =	sshll.u32 s28, $0x1;
	[dreg:$0x2] =	wrdreg s3  }
0xa9: {  	[dreg:$0x3] =	wrdreg s5  }
0xaa: {  	[dreg:$0x4] =	wrdreg $0xC0  }
0xab: {  	_ =	task [dreg:s7], $0x5FFFF  }
0xac: {  	[dreg:$0x1] =	wrdreg $0xFFFFFFFF  }
0xad: {  	[dreg:$0x0] =	wrdreg $0x60  }
0xae: {  	[dreg:$0x2] =	wrdreg s2  }
0xaf: {  	[dreg:$0x3] =	wrdreg s24  }
0xb0: {  	[dreg:$0x4] =	wrdreg $0xA4000  }
0xb1: {  	[dreg:$0x5] =	wrdreg $0xA  }
0xb2: {  	_ =	task.clear_ibuf [dreg:s7], $0x6FFFF;
	_ =	strace $0x90000046  }
0xb3: {  	s29 =	simm.s32 $0xA;
	_ =	strace $0x80000048  }
0xb4: {  	_ =	swait.ge [sflag:s29], $0x1  }
0xb5: {  	[sflag:s29] =	ssyncadd.s32 $0xFFFFFFFF  }
0xb6: {  	_ =	strace $0x90000048  }
0xb7: {  	_ =	sfence  }
0xb8: {  	s30 =	sld [smem:$0x0];
	_ =	sdelay $0x2  }
0xb9: {  	s31 =	sshll.u32 s1, $0xD;
	s1 =	sshrl.u32 s1, $0x2  }
0xba: {  	s3 =	sand.u32 $0x4000, s31;
	s1 =	sadd.s32 s1, s30  }
0xbb: {  	s0 =	sor.u32 s3, s0;
	s1 =	sshll.u32 s1, $0x11  }
0xbc: {  	s0 =	sor.u32 s1, s0  }
0xbd: {  	s0 =	sadd.s32 $0x8F2B, s0  }
0xbe: {  	[sflag:s0] =	ssyncadd.remote.s32 $0x1  }
0xbf: {  	_ =	sfence.sel $0xFFFF  }
0xc0: {  	[dreg:$0x0] =	wrdreg $0xFFFFFFFF;
	(pc) =	sbr.abs _section_cstart, $3  }
0xc1: {  	[dreg:$0x1] =	wrdreg $0xFFFFFFFF  }
0xc2: {  	_ =	task.clear_ibuf [dreg:s7], $0x2FFFF;
	_ =	strace $0x9FFFFFFF  }
0xc3: {  	(tm) =	ssettm $0x7FFFFFFF  }
tec
execute0_lowered:
.L_overlay_start_1:
0x0: {  	(tag) =	ssettag $0x1  }
0x1: {  	s1 =	rddreg [dreg:$0x0]  }
0x2: {  	s0 =	rddreg [dreg:$0x1]  }
0x3: {  	s3 =	rddreg [dreg:$0x2]  }
0x4: {  	s4 =	simm.s32 $0x0;
	s5 =	stileid.u32;
	s7 =	srdreg.scid  }
0x5: {  	s30 =	simm.s32 $0x5;
	s29 =	simm.s32 $0x6;
	s31 =	simm.s32 $0x7  }
0x6: {  	[smem:$0x7FF] =	sst s4;
	s2 =	smul.u32 $0x13800, s5;
	s14 =	sadd.s32 $0x5800, s0  }
0x7: {  	s6 =	sadd.s32 $0xF600, s0;
	s7 =	sand.u32 $0x1, s7;
	s10 =	smul.u32 $0x4E000, s5  }
0x8: {  	s13 =	sadd.s32 $0x67800, s0;
	s18 =	sshll.u32 s5, $0x6;
	p0 =	sne.s32 s5, $0xF  }
0x9: {  	_ =	strace $0x80000047;
	s9 =	sshll.u32 s7, $0x4;
	s24 =	smul.u32 $0x138800, s7  }
0xa: {  	s11 =	ssub.s32 $0x2, s7;
	s7 =	smul.u32 $0x27100, s7;
	s8 =	sshrl.u32 s2, $0x3  }
0xb: {  	s9 =	sor.u32 s5, s9;
	s12 =	sshrl.u32 s11, $0x1;
	s10 =	sshrl.u32 s10, $0x2  }
0xc: {  	s8 =	sadd.s32 s8, s0;
	s9 =	smul.u32 $0x2710, s9;
	s10 =	sadd.s32 s10, s3  }
0xd: {  	s11 =	ssub.s32 s11, s12;
	s0 =	sadd.s32 $0x67600, s0;
	[dreg:$0x4] =	wrdreg s10  }
0xe: {  	s12 =	smul.u32 $0x2710, s5;
	s8 =	sadd.s32 $0x40600, s8;
	[dreg:$0x7] =	wrdreg s0  }
0xf: {  	s2 =	sadd.s32 s2, s24;
	s16 =	smax.u32 s11, $0x1;
	[dreg:$0x5] =	wrdreg s8  }
0x10: {  	s10 =	sor.u32 $0x1C0D, s18;
	s2 =	sshrl.u32 s2, $0x3;
	[dreg:$0x12] =	wrdreg s16  }
0x11: {  	s9 =	sshrl.u32 s9, $0x3;
	s2 =	sadd.s32 s13, s2;
	[dreg:$0x6] =	wrdreg s10  }
0x12: {  	s11 =	simm.s32 $0xD;
	s20 =	sadd.s32 s14, s9;
	[dreg:$0x10] =	wrdreg s2  }
0x13: {  	s19 =	sadd.s32 $0xA, s9;
	s21 =	sadd.s32 s6, s9;
	[dreg:$0x8] =	wrdreg s20  }
0x14: {  	s8 =	sshrl.u32 s24, $0x3;
	[dreg:$0x9] =	wrdreg s21;
	s22 =	sadd.s32 s14, s19  }
0x15: {  	s23 =	sadd.s32 $0x14, s9;
	s0 =	sadd.s32 s6, s19;
	[dreg:$0xa] =	wrdreg s22  }
0x16: {  	s9 =	sadd.s32 $0x1E, s9;
	s25 =	sadd.s32 s14, s23;
	[dreg:$0xb] =	wrdreg s0  }
0x17: {  	s16 =	simm.s32 $0x2;
	s26 =	sadd.s32 s14, s9;
	[dreg:$0xc] =	wrdreg s25  }
0x18: {  	s8 =	sadd.s32 s13, s8;
	s9 =	sadd.s32 s6, s9;
	[dreg:$0xe] =	wrdreg s26  }
0x19: {  	s13 =	sadd.s32 $0x27000, s8;
	s21 =	sadd.s32 $0x138000, s3;
	[dreg:$0xf] =	wrdreg s9  }
0x1a: {  	s0 =	sadd.s32 s6, s23;
	[dreg:$0x11] =	wrdreg s13;
	s22 =	smov.u32 s6  }
0x1b: {  	[dreg:$0x15] =	wrdreg s21;
	s13 =	simm.s32 $0x1;
	s21 =	simm.s32 $0x7C00  }
0x1c: {  	s9 =	simm.s32 $0x8;
	[dreg:$0xd] =	wrdreg s0;
	s0 =	sadd.s32 s12, s7  }
0x1d: {  	s12 =	simm.s32 $0x0;
	s15 =	sadd.s32 $0x230, s0;
	s17 =	sadd.s32 $0x1E0, s0  }
0x1e: {  	s19 =	sadd.s32 $0x190, s0;
	s0 =	sadd.s32 $0x140, s0;
	s2 =	sshrl.u32 s15, $0x3  }
0x1f: {  	s7 =	sshrl.u32 s17, $0x3;
	s20 =	sshrl.u32 s19, $0x3;
	[dreg:$0x14] =	wrdreg s0  }
0x20: {  	s0 =	simm.s32 $0x200;
	s15 =	simm.s32 $0x400;
	s17 =	simm.s32 $0x2C00  }
.Ltmp0:
0x21: {  	s19 =	simm.s32 $0x5400;
	s18 =	sadd.s32 s2, s6;
	(pc) =	sbr.rel .LBB2_1-.Ltmp0, $4  }
0x22: {  	s23 =	sadd.s32 s2, s14;
	s24 =	sadd.s32 s7, s6;
	s25 =	sadd.s32 s7, s14  }
0x23: {  	s26 =	sadd.s32 s20, s6;
	s6 =	smov.u32 s14;
	s28 =	sadd.s32 s20, s14  }
0x24: {  	s14 =	simm.s32 $0x50;
	s20 =	simm.s32 $0x4;
	s2 =	simm.s32 $0x9  }
0x25: {  	s7 =	simm.s32 $0xA;
	[dreg:$0x13] =	wrdreg s18;
	s18 =	simm.s32 $0x3  }
.LBB2_4:
0x26: {  	_ =	swait.ge [sflag:s30], $0x2800  }
0x27: {  	[sflag:s30] =	ssyncset.done $0x0  }
0x28: {  	[sflag:s30] =	ssyncadd.s32 $0xFFFFD800  }
0x29: {  	[spmem:s3] =	stream.indirect.scatter.add.f32 [tilespmem:s15], [sflag:$0x9], $0x80, s0, s14, $0xb8;
	[tilespmem:$0x1DC80] =	vst v63  }
0x2a: {  	_ =	swait.ge [sflag:s2], $0x2800  }
0x2b: {  	[sflag:s2] =	ssyncset.done $0x0  }
0x2c: {  	[sflag:s2] =	ssyncadd.s32 $0xFFFFD800  }
0x2d: {  	[bflag:$0x0] =	sbarrier.arrive $0xFFFF  }
0x2e: {  	s10 =	rddreg [dreg:$0x6]  }
0x2f: {  	s5 =	rddreg [dreg:$0x10]  }
0x30: {  	s11 =	simm.s32 $0xD;
	s8 =	rddreg [dreg:$0x17]  }
0x31: {  	[hbm:s5], [sflag:s10] =	dma.local [spmem:s8], $0x2700  }
0x32: {  	_ =	swait.ge [sflag:s11], $0x2700  }
0x33: {  	[sflag:s11] =	ssyncset.done $0x0;
	s5 =	rddreg [dreg:$0x11]  }
0x34: {  	s8 =	rddreg [dreg:$0x18];
	[sflag:s11] =	ssyncadd.s32 $0xFFFFD900  }
0x35: {  	[hbm:s5], [sflag:s10] =	dma.local @!p0 [spmem:s8], $0x100  }
0x36: {  	s5 =	simm.s32 @!p0 $0xD  }
0x37: {  	_ =	swait.ge @!p0 [sflag:s5], $0x100  }
0x38: {  	s12 =	rddreg [dreg:$0x16]  }
0x39: {  	s8 =	rddreg [dreg:$0x12];
	s12 =	sadd.s32 $0x1, s12  }
0x3a: {  	p1 =	sne.s32 s12, s8  }
.Ltmp1:
0x3b: {  	_ = 	snop;
	(pc) =	sbr.rel @!p1 .LBB2_5-.Ltmp1, $3  }
0x3c: {  	_ =	sdelay $0x1  }
0x3d: {  	[sflag:s5] =	ssyncset.done @!p0 $0x0  }
0x3e: {  	[sflag:s5] =	ssyncadd.s32 @!p0 $0xFFFFFF00  }
.LBB2_1:
0x3f: {  	[dreg:$0x16] =	wrdreg s12  }
0x40: {  	s5 =	rddreg [dreg:$0x4]  }
0x41: {  	s12 =	rddreg [dreg:$0x5];
	s8 =	sshrl.u32 s5, $0x3  }
0x42: {  	[dreg:$0x17] =	wrdreg s8  }
0x43: {  	[spmem:s8], [sflag:s10] =	dma.local [hbm:s12], $0x2700  }
0x44: {  	_ =	swait.ge [sflag:s11], $0x2700  }
0x45: {  	s5 =	rddreg [dreg:$0x15]  }
0x46: {  	[sflag:s11] =	ssyncset.done $0x0;
	s8 =	sshrl.u32 @!p0 s5, $0x3;
	s5 =	rddreg [dreg:$0x7]  }
0x47: {  	[sflag:s11] =	ssyncadd.s32 $0xFFFFD900;
	[dreg:$0x18] =	wrdreg s8  }
0x48: {  	[spmem:s8], [sflag:s10] =	dma.local @!p0 [hbm:s5], $0x100  }
0x49: {  	s8 =	simm.s32 @!p0 $0xD  }
0x4a: {  	_ =	swait.ge @!p0 [sflag:s8], $0x100  }
0x4b: {  	[sflag:s8] =	ssyncset.done @!p0 $0x0  }
0x4c: {  	[sflag:s8] =	ssyncadd.s32 @!p0 $0xFFFFFF00  }
0x4d: {  	[bflag:$0x0] =	sbarrier.arrive $0xFFFF  }
0x4e: {  	s10 =	rddreg [dreg:$0x8]  }
0x4f: {  	[tilespmem:s4], [sflag:$0x1] =	stream.linear.gather [hbm4b:s10+s4], $0x50, $0x38;
	[tilespmem:$0x1DC80] =	vst v63  }
0x50: {  	s11 =	rddreg [dreg:$0x9]  }
0x51: {  	[tilespmem:s0], [sflag:$0x1] =	stream.linear.gather [hbm4b:s11+s4], $0x50, $0x38;
	[tilespmem:$0x1DC80] =	vst v63  }
0x52: {  	s8 =	simm.s32 $0x80;
	s12 =	rddreg [dreg:$0xa]  }
0x53: {  	[tilespmem:s8], [sflag:$0x2] =	stream.linear.gather [hbm4b:s12+s4], $0x50, $0x38;
	[tilespmem:$0x1DC80] =	vst v63  }
0x54: {  	s10 =	rddreg [dreg:$0xb];
	s11 =	simm.s32 $0x280  }
0x55: {  	[tilespmem:s11], [sflag:$0x2] =	stream.linear.gather [hbm4b:s10+s4], $0x50, $0x38;
	[tilespmem:$0x1DC80] =	vst v63  }
0x56: {  	s12 =	rddreg [dreg:$0xc];
	s10 =	simm.s32 $0x100  }
0x57: {  	[tilespmem:s10], [sflag:$0x3] =	stream.linear.gather [hbm4b:s12+s4], $0x50, $0x38;
	[tilespmem:$0x1DC80] =	vst v63  }
0x58: {  	s11 =	rddreg [dreg:$0xd];
	s12 =	simm.s32 $0x300  }
0x59: {  	[tilespmem:s12], [sflag:$0x3] =	stream.linear.gather [hbm4b:s11+s4], $0x50, $0x38;
	[tilespmem:$0x1DC80] =	vst v63  }
0x5a: {  	s12 =	rddreg [dreg:$0xe];
	s11 =	simm.s32 $0x180  }
0x5b: {  	[tilespmem:s11], [sflag:$0x4] =	stream.linear.gather [hbm4b:s12+s4], $0x50, $0x38;
	[tilespmem:$0x1DC80] =	vst v63  }
0x5c: {  	s5 =	rddreg [dreg:$0xf];
	s12 =	simm.s32 $0x380  }
0x5d: {  	[tilespmem:s12], [sflag:$0x4] =	stream.linear.gather [hbm4b:s5+s4], $0x50, $0x38;
	[tilespmem:$0x1DC80] =	vst v63  }
0x5e: {  	_ =	swait.ge [sflag:s13], $0x50  }
0x5f: {  	[sflag:s13] =	ssyncset.done $0x0  }
0x60: {  	[sflag:s13] =	ssyncadd.s32 $0xFFFFFFB0  }
0x61: {  	_ =	swait.ge [sflag:s13], $0x50  }
0x62: {  	[sflag:s13] =	ssyncset.done $0x0  }
0x63: {  	[sflag:s13] =	ssyncadd.s32 $0xFFFFFFB0  }
0x64: {  	[tilespmem:s15], [sflag:$0x5] =	stream.indirect.gather [hbm4b:s1+s14], $0x80, s4, s14, $0xb8;
	[tilespmem:$0x1DC80] =	vst v63  }
0x65: {  	_ =	swait.ge [sflag:s16], $0x50  }
0x66: {  	[sflag:s16] =	ssyncset.done $0x0  }
0x67: {  	[sflag:s16] =	ssyncadd.s32 $0xFFFFFFB0  }
0x68: {  	_ =	swait.ge [sflag:s16], $0x50  }
0x69: {  	[sflag:s16] =	ssyncset.done $0x0  }
0x6a: {  	[sflag:s16] =	ssyncadd.s32 $0xFFFFFFB0  }
0x6b: {  	[tilespmem:s17], [sflag:$0x6] =	stream.indirect.gather [hbm4b:s1+s14], $0x80, s8, s14, $0xb8;
	[tilespmem:$0x1DC80] =	vst v63  }
0x6c: {  	_ =	swait.ge [sflag:s18], $0x50  }
0x6d: {  	[sflag:s18] =	ssyncset.done $0x0  }
0x6e: {  	[sflag:s18] =	ssyncadd.s32 $0xFFFFFFB0  }
0x6f: {  	_ =	swait.ge [sflag:s18], $0x50  }
0x70: {  	[sflag:s18] =	ssyncset.done $0x0  }
0x71: {  	[sflag:s18] =	ssyncadd.s32 $0xFFFFFFB0  }
0x72: {  	[tilespmem:s19], [sflag:$0x7] =	stream.indirect.gather [hbm4b:s1+s14], $0x80, s10, s14, $0xb8;
	[tilespmem:$0x1DC80] =	vst v63  }
0x73: {  	_ =	swait.ge [sflag:s20], $0x50  }
0x74: {  	[sflag:s20] =	ssyncset.done $0x0  }
0x75: {  	[sflag:s20] =	ssyncadd.s32 $0xFFFFFFB0  }
0x76: {  	_ =	swait.ge [sflag:s20], $0x50  }
0x77: {  	[sflag:s20] =	ssyncset.done $0x0  }
0x78: {  	s10 =	simm.s32 $0x0;
	s8 =	rddreg [dreg:$0x14];
	[sflag:s20] =	ssyncadd.s32 $0xFFFFFFB0  }
0x79: {  	[tilespmem:s21], [sflag:$0x8] =	stream.indirect.gather [hbm4b:s1+s14], $0x80, s11, s14, $0xb8;
	[tilespmem:$0x1DC80] =	vst v63  }
.LBB2_2:
0x7a: {  	_ =	swait.ge [sflag:s30], $0x2800  }
0x7b: {  	[sflag:s30] =	ssyncset.done $0x0  }
0x7c: {  	[sflag:s30] =	ssyncadd.s32 $0xFFFFD800  }
0x7d: {  	[spmem:s3] =	stream.indirect.scatter.add.f32 [tilespmem:s15], [sflag:$0x9], $0x80, s0, s14, $0xb8;
	[tilespmem:$0x1DC80] =	vst v63  }
0x7e: {  	_ =	swait.ge [sflag:s29], $0x2800  }
0x7f: {  	[sflag:s29] =	ssyncset.done $0x0  }
0x80: {  	s5 =	simm.s32 $0x280;
	[sflag:s29] =	ssyncadd.s32 $0xFFFFD800  }
0x81: {  	[spmem:s3] =	stream.indirect.scatter.add.f32 [tilespmem:s17], [sflag:$0xA], $0x80, s5, s14, $0xb8;
	[tilespmem:$0x1DC80] =	vst v63  }
0x82: {  	_ =	swait.ge [sflag:s31], $0x2800  }
0x83: {  	[sflag:s31] =	ssyncset.done $0x0  }
0x84: {  	s11 =	simm.s32 $0x300;
	[sflag:s31] =	ssyncadd.s32 $0xFFFFD800  }
0x85: {  	[spmem:s3] =	stream.indirect.scatter.add.f32 [tilespmem:s19], [sflag:$0xB], $0x80, s11, s14, $0xb8;
	[tilespmem:$0x1DC80] =	vst v63  }
0x86: {  	_ =	swait.ge [sflag:s9], $0x2800  }
0x87: {  	[sflag:s9] =	ssyncset.done $0x0  }
0x88: {  	s12 =	simm.s32 $0x380;
	[sflag:s9] =	ssyncadd.s32 $0xFFFFD800  }
0x89: {  	[spmem:s3] =	stream.indirect.scatter.add.f32 [tilespmem:s21], [sflag:$0xC], $0x80, s12, s14, $0xb8;
	[tilespmem:$0x1DC80] =	vst v63  }
0x8a: {  	_ =	swait.ge [sflag:s2], $0x2800  }
0x8b: {  	s11 =	sshrl.u32 s8, $0x3;
	[sflag:s2] =	ssyncset.done $0x0  }
0x8c: {  	s12 =	sadd.s32 s6, s11;
	[sflag:s2] =	ssyncadd.s32 $0xFFFFD800  }
0x8d: {  	[tilespmem:s4], [sflag:$0x1] =	stream.linear.gather [hbm4b:s12+s4], $0x50, $0x38;
	[tilespmem:$0x1DC80] =	vst v63  }
0x8e: {  	s11 =	sadd.s32 s22, s11  }
0x8f: {  	[tilespmem:s0], [sflag:$0x1] =	stream.linear.gather [hbm4b:s11+s4], $0x50, $0x38;
	[tilespmem:$0x1DC80] =	vst v63  }
0x90: {  	p1 =	sne.s32 s10, $0x4B0;
	_ =	swait.ge [sflag:s7], $0x2800  }
0x91: {  	s5 =	simm.s32 @p1 $0x80;
	[sflag:s7] =	ssyncset.done $0x0  }
0x92: {  	s12 =	simm.s32 @p1 $0x0;
	s11 =	sadd.s32 @p1 s10, s28;
	[sflag:s7] =	ssyncadd.s32 $0xFFFFD800  }
0x93: {  	[tilespmem:s5], [sflag:$0x2] =	stream.linear.gather @p1 [hbm4b:s11+s12], $0x50, $0x38;
	[tilespmem:$0x1DC80] =	vst v63  }
0x94: {  	s5 =	sadd.s32 @p1 s10, s26;
	s11 =	simm.s32 @p1 $0x280  }
0x95: {  	[tilespmem:s11], [sflag:$0x2] =	stream.linear.gather @p1 [hbm4b:s5+s12], $0x50, $0x38;
	[tilespmem:$0x1DC80] =	vst v63  }
0x96: {  	s5 =	simm.s32 @p1 $0xB  }
0x97: {  	_ =	swait.ge @p1 [sflag:s5], $0x2800  }
0x98: {  	[sflag:s5] =	ssyncset.done @p1 $0x0  }
0x99: {  	s11 =	simm.s32 @p1 $0x100;
	[sflag:s5] =	ssyncadd.s32 @p1 $0xFFFFD800;
	s5 =	sadd.s32 @p1 s10, s25  }
0x9a: {  	[tilespmem:s11], [sflag:$0x3] =	stream.linear.gather @p1 [hbm4b:s5+s12], $0x50, $0x38;
	[tilespmem:$0x1DC80] =	vst v63  }
0x9b: {  	s5 =	sadd.s32 @p1 s10, s24;
	s11 =	simm.s32 @p1 $0x300  }
0x9c: {  	[tilespmem:s11], [sflag:$0x3] =	stream.linear.gather @p1 [hbm4b:s5+s12], $0x50, $0x38;
	[tilespmem:$0x1DC80] =	vst v63  }
0x9d: {  	s5 =	simm.s32 @p1 $0xC  }
0x9e: {  	_ =	swait.ge @p1 [sflag:s5], $0x2800  }
0x9f: {  	[sflag:s5] =	ssyncset.done @p1 $0x0  }
0xa0: {  	s11 =	simm.s32 @p1 $0x180;
	[sflag:s5] =	ssyncadd.s32 @p1 $0xFFFFD800;
	s5 =	sadd.s32 @p1 s10, s23  }
0xa1: {  	[tilespmem:s11], [sflag:$0x4] =	stream.linear.gather @p1 [hbm4b:s5+s12], $0x50, $0x38;
	[tilespmem:$0x1DC80] =	vst v63  }
0xa2: {  	s5 =	rddreg [dreg:$0x13]  }
0xa3: {  	s11 =	simm.s32 @p1 $0x380;
	s5 =	sadd.s32 @p1 s10, s5  }
0xa4: {  	[tilespmem:s11], [sflag:$0x4] =	stream.linear.gather @p1 [hbm4b:s5+s12], $0x50, $0x38;
	[tilespmem:$0x1DC80] =	vst v63  }
0xa5: {  	s5 =	simm.s32 @!p1 $0xB  }
0xa6: {  	_ =	swait.ge @!p1 [sflag:s5], $0x2800  }
0xa7: {  	[sflag:s5] =	ssyncset.done @!p1 $0x0  }
0xa8: {  	[sflag:s5] =	ssyncadd.s32 @!p1 $0xFFFFD800;
	s5 =	simm.s32 @!p1 $0xC  }
0xa9: {  	_ =	swait.ge @!p1 [sflag:s5], $0x2800  }
0xaa: {  	[sflag:s5] =	ssyncset.done @!p1 $0x0  }
0xab: {  	[sflag:s5] =	ssyncadd.s32 @!p1 $0xFFFFD800  }
0xac: {  	_ =	swait.ge [sflag:s13], $0x50  }
0xad: {  	p1 =	seq.s32 s10, $0x4B0;
	[sflag:s13] =	ssyncset.done $0x0  }
.Ltmp2:
0xae: {  	[sflag:s13] =	ssyncadd.s32 $0xFFFFFFB0;
	(pc) =	sbr.rel @p1 .LBB2_4-.Ltmp2, $4  }
0xaf: {  	_ =	swait.ge [sflag:s13], $0x50  }
0xb0: {  	[sflag:s13] =	ssyncset.done $0x0  }
0xb1: {  	[sflag:s13] =	ssyncadd.s32 $0xFFFFFFB0  }
0xb2: {  	[tilespmem:s15], [sflag:$0x5] =	stream.indirect.gather [hbm4b:s1+s14], $0x80, s4, s14, $0xb8;
	[tilespmem:$0x1DC80] =	vst v63  }
0xb3: {  	_ =	swait.ge [sflag:s16], $0x50  }
0xb4: {  	[sflag:s16] =	ssyncset.done $0x0  }
0xb5: {  	[sflag:s16] =	ssyncadd.s32 $0xFFFFFFB0  }
0xb6: {  	_ =	swait.ge [sflag:s16], $0x50  }
0xb7: {  	[sflag:s16] =	ssyncset.done $0x0  }
0xb8: {  	s5 =	simm.s32 $0x80;
	[sflag:s16] =	ssyncadd.s32 $0xFFFFFFB0  }
0xb9: {  	[tilespmem:s17], [sflag:$0x6] =	stream.indirect.gather [hbm4b:s1+s14], $0x80, s5, s14, $0xb8;
	[tilespmem:$0x1DC80] =	vst v63  }
0xba: {  	_ =	swait.ge [sflag:s18], $0x50  }
0xbb: {  	[sflag:s18] =	ssyncset.done $0x0  }
0xbc: {  	[sflag:s18] =	ssyncadd.s32 $0xFFFFFFB0  }
0xbd: {  	_ =	swait.ge [sflag:s18], $0x50  }
0xbe: {  	[sflag:s18] =	ssyncset.done $0x0  }
0xbf: {  	s11 =	simm.s32 $0x100;
	[sflag:s18] =	ssyncadd.s32 $0xFFFFFFB0  }
0xc0: {  	[tilespmem:s19], [sflag:$0x7] =	stream.indirect.gather [hbm4b:s1+s14], $0x80, s11, s14, $0xb8;
	[tilespmem:$0x1DC80] =	vst v63  }
0xc1: {  	_ =	swait.ge [sflag:s20], $0x50  }
0xc2: {  	[sflag:s20] =	ssyncset.done $0x0  }
.Ltmp3:
0xc3: {  	[sflag:s20] =	ssyncadd.s32 $0xFFFFFFB0;
	(pc) =	sbr.rel .LBB2_2-.Ltmp3, $4  }
0xc4: {  	_ =	swait.ge [sflag:s20], $0x50  }
0xc5: {  	s12 =	simm.s32 $0x180;
	[sflag:s20] =	ssyncset.done $0x0  }
0xc6: {  	s10 =	sadd.s32 $0x28, s10;
	s8 =	sadd.s32 $0x140, s8;
	[sflag:s20] =	ssyncadd.s32 $0xFFFFFFB0  }
0xc7: {  	[tilespmem:s21], [sflag:$0x8] =	stream.indirect.gather [hbm4b:s1+s14], $0x80, s12, s14, $0xb8;
	[tilespmem:$0x1DC80] =	vst v63  }
.LBB2_5:
0xc8: {  	_ =	sfence.sel $0x180000  }
0xc9: {  	[bflag:$0x0] =	sbarrier.arrive $0xFFFF  }
0xca: {  	_ =	strace $0x90000047  }
0xcb: {  	s0 =	stileid.u32;
	[bflag:$0x2] =	sbarrier.arrive $0xFFFF  }
0xcc: {  	p0 =	sne.s32 s0, $0x0;
	s0 =	rddreg [dreg:$0x3]  }
0xcd: {  	s0 =	sadd.s32 @!p0 $0x100000, s0  }
0xce: {  	[sflag:s0] =	ssyncadd.tile.s32 @!p0 $0x1;
	_ =	shalt  }
.Lfunc_end2:
_tile_overlayer_lowered:
.L_overlay_start_2:
0xcf: {  	(tag) =	ssettag $0x2  }
0xd0: {  	s0 =	rddreg [dreg:$0x0];
	s2 =	stileid.u32  }
0xd1: {  	s1 =	rddreg [dreg:$0x1];
	p0 =	sne.s32 s2, $0x0  }
0xd2: {  	s3 =	rddreg [dreg:$0x2];
	[bflag:$0x3] =	sbarrier.arrive $0xFFFF;
	s2 =	simm.s32 @!p0 $0x1C0D  }
0xd3: {  	[timem:s3], [sflag:s2] =	dma.local @!p0 [hbm:s0], s1  }
0xd4: {  	s0 =	simm.s32 @!p0 $0xD  }
0xd5: {  	_ =	swait.ge @!p0 [sflag:s0], s1  }
0xd6: {  	s1 =	ssub.s32 @!p0 $0x0, s1;
	[sflag:s0] =	ssyncset.done @!p0 $0x0  }
0xd7: {  	[sflag:s0] =	ssyncadd.s32 @!p0 s1  }
0xd8: {  	[bflag:$0x3] =	sbarrier.arrive $0xFFFF  }
0xd9: {  	_ =	shalt  }

</sc_bundles>
